<compile_context>
chip_gen: v7x
topology: tpu7x:2x2x1
jax: 0.10.2.dev20260603
libtpu: 0.0.44.dev20260713+nightly
codegen_flags: <defaults>
</compile_context>

<pallas_src>
import dataclasses
import functools

import jax
import jax.numpy as jnp
from jax import lax
from jax.experimental import pallas as pl
from jax.experimental.pallas import tpu as pltpu
from jax.experimental.pallas import tpu_sc as plsc

N = 10000
E = 320000
D = 128
NC = 2
NS = 16
NW = NC * NS
CH = 64
NBUF = 4
EP = 327680
EPW = EP // NW
NCHUNK = EPW // CH
NP = 10240
RPS = NP // NS

_mesh = plsc.VectorSubcoreMesh(core_axis_name="c", subcore_axis_name="s")

_sc_params = pltpu.CompilerParams()
if "needs_layout_passes" in pltpu.CompilerParams.__dataclass_fields__:
    _sc_params = dataclasses.replace(_sc_params, needs_layout_passes=False)


def _degree_hist(ei_flat):
    epb = EP // NS
    cpb = NP // NS

    @functools.partial(
        pl.kernel,
        out_type=jax.ShapeDtypeStruct((2 * NP,), jnp.float32),
        mesh=_mesh,
        compiler_params=_sc_params,
        scratch_types=[
            pltpu.VMEM((epb,), jnp.int32),
            pltpu.VMEM((NP,), jnp.float32),
            pltpu.VMEM((NS, cpb), jnp.float32),
            pltpu.VMEM((cpb,), jnp.float32),
            pltpu.VMEM_SHARED((NS, NP), jnp.float32),
        ],
    )
    def k(ei_hbm, out_hbm, idx_v, hist_v, tmp_v, acc_v, sh):
        c = lax.axis_index("c")
        s = lax.axis_index("s")
        zeros16 = jnp.zeros((16,), jnp.float32)
        ones16 = jnp.ones((16,), jnp.float32)

        @pl.loop(0, NP, step=16)
        def _(i):
            hist_v[pl.ds(i, 16)] = zeros16

        pltpu.sync_copy(ei_hbm.at[pl.ds(c * EP + s * epb, epb)], idx_v)

        @pl.loop(0, epb, step=16)
        def _(i):
            v = idx_v[pl.ds(i, 16)]
            plsc.addupdate_scatter(hist_v, [v], ones16)

        pltpu.sync_copy(hist_v, sh.at[s])
        plsc.subcore_barrier()

        cs = s * cpb
        pltpu.sync_copy(sh.at[:, pl.ds(cs, cpb)], tmp_v)

        @pl.loop(0, cpb, step=16)
        def _(i):
            a = tmp_v[0, pl.ds(i, 16)]
            for t in range(1, NS):
                a = a + tmp_v[t, pl.ds(i, 16)]
            acc_v[pl.ds(i, 16)] = a

        pltpu.sync_copy(acc_v, out_hbm.at[pl.ds(c * NP + cs, cpb)])

    return k(ei_flat)


def _aggregate(hs, src_flat, dst_flat, zrows):

    @functools.partial(
        pl.kernel,
        out_type=jax.ShapeDtypeStruct((2, NP, D), jnp.float32),
        mesh=_mesh,
        compiler_params=_sc_params,
        scratch_types=[
            pltpu.VMEM((EPW,), jnp.int32),
        ] + [pltpu.VMEM((CH,), jnp.int32)] * NBUF
          + [pltpu.VMEM((CH, D), jnp.float32)] * NBUF
          + [pltpu.VMEM_SHARED((NP, D), jnp.float32)]
          + [pltpu.SemaphoreType.DMA] * (3 * NBUF),
    )
    def k(hs_hbm, src_hbm, dst_hbm, z_hbm, out_hbm, src_v, *rest):
        dsts = rest[:NBUF]
        bufs = rest[NBUF:2 * NBUF]
        acc_sh = rest[2 * NBUF]
        sems = rest[2 * NBUF + 1:]
        sem_i = sems[:NBUF]
        sem_g = sems[NBUF:2 * NBUF]
        sem_s = sems[2 * NBUF:]
        c = lax.axis_index("c")
        s = lax.axis_index("s")
        wid = s * NC + c
        rb = s * RPS

        @pl.when(c == 0)
        def _():
            pltpu.sync_copy(hs_hbm.at[pl.ds(rb, RPS)], acc_sh.at[pl.ds(rb, RPS)])

        @pl.when(c == 1)
        def _():
            pltpu.sync_copy(z_hbm, acc_sh.at[pl.ds(rb, RPS)])

        pltpu.sync_copy(src_hbm.at[pl.ds(wid * EPW, EPW)], src_v)
        plsc.subcore_barrier()

        def idx_load(j, b):
            return pltpu.async_copy(
                dst_hbm.at[pl.ds(wid * EPW + j * CH, CH)], dsts[b], sem_i[b])

        def gather(j, b):
            return pltpu.async_copy(
                hs_hbm.at[src_v.at[pl.ds(j * CH, CH)]], bufs[b], sem_g[b])

        for b in range(NBUF):
            idx_load(b, b)
            gather(b, b)

        @pl.loop(0, NCHUNK, step=NBUF)
        def _(j):
            scats = []
            for b in range(NBUF):
                jj = j + b
                pltpu.make_async_copy(
                    hs_hbm.at[src_v.at[pl.ds(jj * CH, CH)]], bufs[b], sem_g[b]).wait()
                pltpu.make_async_copy(
                    dst_hbm.at[pl.ds(wid * EPW + jj * CH, CH)], dsts[b], sem_i[b]).wait()
                scats.append(pltpu.async_copy(
                    bufs[b], acc_sh.at[dsts[b]], sem_s[b], add=True))
            for b in range(NBUF):
                jj = j + b
                scats[b].wait()

                @pl.when(jj + NBUF < NCHUNK)
                def _():
                    idx_load(jj + NBUF, b)
                    gather(jj + NBUF, b)

        plsc.subcore_barrier()
        pltpu.sync_copy(acc_sh.at[pl.ds(rb, RPS)], out_hbm.at[c, pl.ds(rb, RPS)])

    return k(hs, src_flat, dst_flat, zrows)


_ROWS_BLK = 1024


def _prep(x, dg):

    def body(x_ref, dg_ref, hs_ref, inv_ref):
        inv = lax.rsqrt(dg_ref[...] + 1.0)
        inv_ref[...] = inv
        hs_ref[...] = x_ref[...] * inv[:, 0:1]

    return pl.pallas_call(
        body,
        grid=(NP // _ROWS_BLK,),
        in_specs=[
            pl.BlockSpec((_ROWS_BLK, D), lambda i: (i, 0)),
            pl.BlockSpec((_ROWS_BLK, 2), lambda i: (i, 0)),
        ],
        out_specs=[
            pl.BlockSpec((_ROWS_BLK, D), lambda i: (i, 0)),
            pl.BlockSpec((_ROWS_BLK, 2), lambda i: (i, 0)),
        ],
        out_shape=[
            jax.ShapeDtypeStruct((NP, D), jnp.float32),
            jax.ShapeDtypeStruct((NP, 2), jnp.float32),
        ],
    )(x, dg)


def _layer_tc(p0, p1, invs, w_bf16, b2d, last):

    def body(p0_ref, p1_ref, inv_ref, w_ref, b_ref, o_ref):
        inv = inv_ref[...]
        agg = (p0_ref[...] + p1_ref[...]) * inv[:, 1:2]
        y = jnp.dot(agg.astype(jnp.bfloat16), w_ref[...],
                    preferred_element_type=jnp.float32) + b_ref[...]
        if last:
            o_ref[...] = y
        else:
            o_ref[...] = jnp.maximum(y, 0.0) * inv[:, 0:1]

    return pl.pallas_call(
        body,
        grid=(NP // _ROWS_BLK,),
        in_specs=[
            pl.BlockSpec((_ROWS_BLK, D), lambda i: (i, 0)),
            pl.BlockSpec((_ROWS_BLK, D), lambda i: (i, 0)),
            pl.BlockSpec((_ROWS_BLK, 2), lambda i: (i, 0)),
            pl.BlockSpec((D, D), lambda i: (0, 0)),
            pl.BlockSpec((1, D), lambda i: (0, 0)),
        ],
        out_specs=pl.BlockSpec((_ROWS_BLK, D), lambda i: (i, 0)),
        out_shape=jax.ShapeDtypeStruct((NP, D), jnp.float32),
    )(p0, p1, invs, w_bf16, b2d)


def kernel(x, edge_index, W1, b1, W2, b2, W3, b3):
    ei = edge_index.astype(jnp.int32)
    pad = jnp.full((EP - E,), NP - 1, jnp.int32)
    src_flat = jnp.concatenate([ei[0], pad])
    dstp = jnp.concatenate([ei[1], pad])
    zrows = jnp.zeros((RPS, D), jnp.float32)

    degf = _degree_hist(jnp.concatenate([src_flat, dstp]))
    dg = jnp.stack([degf[:NP], degf[NP:]], axis=1)
    xp = jnp.pad(x, ((0, NP - N), (0, 0)))
    hs, invs = _prep(xp, dg)

    for W, b, last in ((W1, b1, False), (W2, b2, False), (W3, b3, True)):
        part = _aggregate(hs, src_flat, dstp, zrows)
        hs = _layer_tc(part[0], part[1], invs, W.astype(jnp.bfloat16),
                       b.reshape(1, D), last)
    return hs[:N]

# --- scband reference (transcript-rebuilt; emitter-appended) ---
"""Pipeline reference for scband-gcn-50792283243092 (READ-ONLY COPY).

The authoritative reference and input builder live on the scoring server;
editing this copy changes nothing except your own understanding.
"""

import jax, jax.numpy as jnp
import numpy as np

N_NODES = 10000
N_EDGES = 320000
D = 128

def setup_inputs(seed: int = 0) -> dict:
    key = jax.random.key(seed)
    k1, k2, k3, k4, k5 = jax.random.split(key, 5)
    x = jax.random.normal(k1, (N_NODES, D), dtype=jnp.float32)
    edge_index = jax.random.randint(k2, (2, N_EDGES), 0, N_NODES, dtype=jnp.int64)
    s = (1.0 / np.sqrt(D)).astype(np.float32) if isinstance(np.sqrt(D), np.ndarray) else np.float32(1.0 / np.sqrt(D))
    W1 = jax.random.normal(k3, (D, D), dtype=jnp.float32) * s
    W2 = jax.random.normal(k4, (D, D), dtype=jnp.float32) * s
    W3 = jax.random.normal(k5, (D, D), dtype=jnp.float32) * s
    b1 = jnp.zeros((D,), dtype=jnp.float32)
    b2 = jnp.zeros((D,), dtype=jnp.float32)
    b3 = jnp.zeros((D,), dtype=jnp.float32)
    return {"x": x, "edge_index": edge_index, "W1": W1, "b1": b1, "W2": W2, "b2": b2, "W3": W3, "b3": b3}

def reference(x, edge_index, W1, b1, W2, b2, W3, b3):
    # GCN with 3 GraphConv layers (norm='both'), ReLU on first two, self-loops added
    # per module docstring, norm_nodes=None -> GraphNorm is identity, dropout=0.0.
    N = x.shape[0]
    loops = jnp.arange(N, dtype=edge_index.dtype)
    src = jnp.concatenate([edge_index[0], loops])
    dst = jnp.concatenate([edge_index[1], loops])
    deg_out = jnp.zeros((N,), jnp.float32).at[src].add(1.0)
    deg_in = jnp.zeros((N,), jnp.float32).at[dst].add(1.0)
    inv_out = jnp.where(deg_out > 0, jax.lax.rsqrt(jnp.maximum(deg_out, 1.0)), 0.0)
    inv_in = jnp.where(deg_in > 0, jax.lax.rsqrt(jnp.maximum(deg_in, 1.0)), 0.0)

    def graph_conv(h, W, b, act):
        h = h * inv_out[:, None]
        agg = jnp.zeros((N, h.shape[1]), h.dtype).at[dst].add(jnp.take(h, src, axis=0))
        agg = agg * inv_in[:, None]
        out = agg @ W + b
        return jax.nn.relu(out) if act else out

    h = graph_conv(x, W1, b1, True)
    h = graph_conv(h, W2, b2, True)
    h = graph_conv(h, W3, b3, False)
    return h

if __name__ == "__main__":
    import jax
    _d = setup_inputs()
    print(jax.jit(kernel)(*tuple(_d.values())))

</pallas_src>

<mosaic_0001>
#map = affine_map<(d0, d1) -> (0)>
module attributes {stable_mosaic.version = 14 : i64} {
  func.func @k(%arg0: i32, %arg1: i32, %arg2: memref<655360xi32, #tpu.memory_space<hbm>>, %arg3: memref<20480xf32, #tpu.memory_space<hbm>>, %arg4: memref<20480xi32, #tpu.memory_space<vmem>>, %arg5: memref<10240xf32, #tpu.memory_space<vmem>>, %arg6: memref<16x640xf32, #tpu.memory_space<vmem>>, %arg7: memref<640xf32, #tpu.memory_space<vmem>>, %arg8: memref<16x10240xf32, #tpu.memory_space<vmem_shared>>) attributes {dimension_semantics = [#tpu.dimension_semantics<core_parallel>, #tpu.dimension_semantics<subcore_parallel>], iteration_bounds = array<i64: 2, 16>, scalar_prefetch = 0 : i64, scratch_operands = 5 : i64, tpu.core_type = #tpu.core_type<sc_vector_subcore>, window_params = [{transform_indices = #map}, {transform_indices = #map}]} {
    %broadcast_in_dim3A = arith.constant 0.000000e+00 : f32
    %broadcast_in_dim3A_0 = vector.broadcast %broadcast_in_dim3A : f32 to vector<16xf32>
    %broadcast_in_dim3A_1 = arith.constant 1.000000e+00 : f32
    %broadcast_in_dim3A_2 = vector.broadcast %broadcast_in_dim3A_1 : f32 to vector<16xf32>
    %scan3A = arith.constant 0 : i32
    %scan3A_3 = arith.constant 640 : i32
    %scan3A_4 = arith.addi %scan3A, %scan3A_3 : i32
    %scan3A_5 = arith.constant 1 : i32
    scf.for %scan3A_25 = %scan3A to %scan3A_4 step %scan3A_5  : i32 {
      %mul3A_26 = arith.constant 16 : i32
      %mul3A_27 = arith.muli %scan3A_25, %mul3A_26 : i32
      %add3A_28 = arith.constant 0 : i32
      %add3A_29 = arith.addi %add3A_28, %mul3A_27 : i32
      %swap3A = arith.index_cast %add3A_29 : i32 to index
      %swap3A_30 = tpu.vector_load %arg5[%swap3A] {strides = array<i32>} : memref<10240xf32, #tpu.memory_space<vmem>>, vector<16xf32>,
      tpu.vector_store %arg5[%swap3A], %broadcast_in_dim3A_0 {strides = array<i32>} : memref<10240xf32, #tpu.memory_space<vmem>>, vector<16xf32>,
    }
    %scan3A_6 = arith.constant 640 : i32
    %mul3A = arith.constant 327680 : i32
    %mul3A_7 = arith.muli %arg0, %mul3A : i32
    %mul3A_8 = arith.constant 20480 : i32
    %mul3A_9 = arith.muli %arg1, %mul3A_8 : i32
    %add3A = arith.addi %mul3A_7, %mul3A_9 : i32
    "tpu.region"() ({
      %run_scoped3A = tpu.sem_alloc : memref<!tpu.dma_semaphore, #tpu.memory_space<semaphore_mem>>
      %dma_start3A = tpu.memref_slice %arg2[%add3A] : memref<655360xi32, #tpu.memory_space<hbm>> -> memref<20480xi32, #tpu.memory_space<hbm>>
      %dma_start3A_25 = tpu.memref_slice %arg2[%add3A] : memref<655360xi32, #tpu.memory_space<hbm>> -> memref<20480xi32, #tpu.memory_space<hbm>>
      tpu.enqueue_dma source(%dma_start3A_25 : memref<20480xi32, #tpu.memory_space<hbm>>) target(%arg4 : memref<20480xi32, #tpu.memory_space<vmem>>) target_semaphore(%run_scoped3A : memref<!tpu.dma_semaphore, #tpu.memory_space<semaphore_mem>>)
      %dma_wait3A = tpu.memref_slice %arg2[%add3A] : memref<655360xi32, #tpu.memory_space<hbm>> -> memref<20480xi32, #tpu.memory_space<hbm>>
      %dma_wait3A_26 = tpu.memref_slice %arg2[%add3A] : memref<655360xi32, #tpu.memory_space<hbm>> -> memref<20480xi32, #tpu.memory_space<hbm>>
      tpu.wait_dma2 semaphore(%run_scoped3A : memref<!tpu.dma_semaphore, #tpu.memory_space<semaphore_mem>>) src(%dma_wait3A_26 : memref<20480xi32, #tpu.memory_space<hbm>>) dst(%arg4 : memref<20480xi32, #tpu.memory_space<vmem>>)
      tpu.yield
    }) : () -> ()
    %scan3A_10 = arith.constant 0 : i32
    %scan3A_11 = arith.constant 1280 : i32
    %scan3A_12 = arith.addi %scan3A_10, %scan3A_11 : i32
    %scan3A_13 = arith.constant 1 : i32
    scf.for %scan3A_25 = %scan3A_10 to %scan3A_12 step %scan3A_13  : i32 {
      %mul3A_26 = arith.constant 16 : i32
      %mul3A_27 = arith.muli %scan3A_25, %mul3A_26 : i32
      %add3A_28 = arith.constant 0 : i32
      %add3A_29 = arith.addi %add3A_28, %mul3A_27 : i32
      %get3A = arith.index_cast %add3A_29 : i32 to index
      %get3A_30 = tpu.vector_load %arg4[%get3A] {strides = array<i32>} : memref<20480xi32, #tpu.memory_space<vmem>>, vector<16xi32>,
      tpu.vector_store_idx %arg5[%get3A_30], %broadcast_in_dim3A_2 {add = true} : memref<10240xf32, #tpu.memory_space<vmem>>[vector<16xi32>], vector<16xf32>,
    }
    %scan3A_14 = arith.constant 1280 : i32
    "tpu.region"() ({
      %run_scoped3A = tpu.sem_alloc : memref<!tpu.dma_semaphore, #tpu.memory_space<semaphore_mem>>
      %dma_start3A = arith.constant 0 : i32
      %dma_start3A_25 = tpu.memref_slice %arg8[%arg1, %dma_start3A] : memref<16x10240xf32, #tpu.memory_space<vmem_shared>> -> memref<1x10240xf32, #tpu.memory_space<vmem_shared>>
      %dma_start3A_26 = tpu.memref_squeeze %dma_start3A_25 : memref<1x10240xf32, #tpu.memory_space<vmem_shared>> -> memref<10240xf32, #tpu.memory_space<vmem_shared>>
      %dma_start3A_27 = arith.constant 0 : i32
      %dma_start3A_28 = tpu.memref_slice %arg8[%arg1, %dma_start3A_27] : memref<16x10240xf32, #tpu.memory_space<vmem_shared>> -> memref<1x10240xf32, #tpu.memory_space<vmem_shared>>
      %dma_start3A_29 = tpu.memref_squeeze %dma_start3A_28 : memref<1x10240xf32, #tpu.memory_space<vmem_shared>> -> memref<10240xf32, #tpu.memory_space<vmem_shared>>
      tpu.enqueue_dma source(%arg5 : memref<10240xf32, #tpu.memory_space<vmem>>) target(%dma_start3A_29 : memref<10240xf32, #tpu.memory_space<vmem_shared>>) target_semaphore(%run_scoped3A : memref<!tpu.dma_semaphore, #tpu.memory_space<semaphore_mem>>)
      %dma_wait3A = arith.constant 0 : i32
      %dma_wait3A_30 = tpu.memref_slice %arg8[%arg1, %dma_wait3A] : memref<16x10240xf32, #tpu.memory_space<vmem_shared>> -> memref<1x10240xf32, #tpu.memory_space<vmem_shared>>
      %dma_wait3A_31 = tpu.memref_squeeze %dma_wait3A_30 : memref<1x10240xf32, #tpu.memory_space<vmem_shared>> -> memref<10240xf32, #tpu.memory_space<vmem_shared>>
      %dma_wait3A_32 = arith.constant 0 : i32
      %dma_wait3A_33 = tpu.memref_slice %arg8[%arg1, %dma_wait3A_32] : memref<16x10240xf32, #tpu.memory_space<vmem_shared>> -> memref<1x10240xf32, #tpu.memory_space<vmem_shared>>
      %dma_wait3A_34 = tpu.memref_squeeze %dma_wait3A_33 : memref<1x10240xf32, #tpu.memory_space<vmem_shared>> -> memref<10240xf32, #tpu.memory_space<vmem_shared>>
      tpu.wait_dma2 semaphore(%run_scoped3A : memref<!tpu.dma_semaphore, #tpu.memory_space<semaphore_mem>>) src(%arg5 : memref<10240xf32, #tpu.memory_space<vmem>>) dst(%dma_wait3A_34 : memref<10240xf32, #tpu.memory_space<vmem_shared>>)
      tpu.yield
    }) : () -> ()
    %barrier3A = arith.constant 0 : index
    tpu.barrier barrier_id(%barrier3A)
    %mul3A_15 = arith.constant 640 : i32
    %mul3A_16 = arith.muli %arg1, %mul3A_15 : i32
    "tpu.region"() ({
      %run_scoped3A = tpu.sem_alloc : memref<!tpu.dma_semaphore, #tpu.memory_space<semaphore_mem>>
      %dma_start3A = arith.constant 0 : i32
      %dma_start3A_25 = tpu.memref_slice %arg8[%dma_start3A, %mul3A_16] : memref<16x10240xf32, #tpu.memory_space<vmem_shared>> -> memref<16x640xf32, #tpu.memory_space<vmem_shared>>
      %dma_start3A_26 = arith.constant 0 : i32
      %dma_start3A_27 = tpu.memref_slice %arg8[%dma_start3A_26, %mul3A_16] : memref<16x10240xf32, #tpu.memory_space<vmem_shared>> -> memref<16x640xf32, #tpu.memory_space<vmem_shared>>
      tpu.enqueue_dma source(%dma_start3A_27 : memref<16x640xf32, #tpu.memory_space<vmem_shared>>) target(%arg6 : memref<16x640xf32, #tpu.memory_space<vmem>>) target_semaphore(%run_scoped3A : memref<!tpu.dma_semaphore, #tpu.memory_space<semaphore_mem>>)
      %dma_wait3A = arith.constant 0 : i32
      %dma_wait3A_28 = tpu.memref_slice %arg8[%dma_wait3A, %mul3A_16] : memref<16x10240xf32, #tpu.memory_space<vmem_shared>> -> memref<16x640xf32, #tpu.memory_space<vmem_shared>>
      %dma_wait3A_29 = arith.constant 0 : i32
      %dma_wait3A_30 = tpu.memref_slice %arg8[%dma_wait3A_29, %mul3A_16] : memref<16x10240xf32, #tpu.memory_space<vmem_shared>> -> memref<16x640xf32, #tpu.memory_space<vmem_shared>>
      tpu.wait_dma2 semaphore(%run_scoped3A : memref<!tpu.dma_semaphore, #tpu.memory_space<semaphore_mem>>) src(%dma_wait3A_30 : memref<16x640xf32, #tpu.memory_space<vmem_shared>>) dst(%arg6 : memref<16x640xf32, #tpu.memory_space<vmem>>)
      tpu.yield
    }) : () -> ()
    %scan3A_17 = arith.constant 0 : i32
    %scan3A_18 = arith.constant 40 : i32
    %scan3A_19 = arith.addi %scan3A_17, %scan3A_18 : i32
    %scan3A_20 = arith.constant 1 : i32
    scf.for %scan3A_25 = %scan3A_17 to %scan3A_19 step %scan3A_20  : i32 {
      %mul3A_26 = arith.constant 16 : i32
      %mul3A_27 = arith.muli %scan3A_25, %mul3A_26 : i32
      %add3A_28 = arith.constant 0 : i32
      %add3A_29 = arith.addi %add3A_28, %mul3A_27 : i32
      %get3A = arith.constant 0 : i32
      %get3A_30 = arith.index_cast %get3A : i32 to index
      %get3A_31 = arith.index_cast %add3A_29 : i32 to index
      %get3A_32 = tpu.vector_load %arg6[%get3A_30, %get3A_31] {strides = array<i32>} : memref<16x640xf32, #tpu.memory_space<vmem>>, vector<16xf32>,
      %get3A_33 = arith.constant 1 : i32
      %get3A_34 = arith.index_cast %get3A_33 : i32 to index
      %get3A_35 = arith.index_cast %add3A_29 : i32 to index
      %get3A_36 = tpu.vector_load %arg6[%get3A_34, %get3A_35] {strides = array<i32>} : memref<16x640xf32, #tpu.memory_space<vmem>>, vector<16xf32>,
      %add3A_37 = arith.addf %get3A_32, %get3A_36 : vector<16xf32>
      %get3A_38 = arith.constant 2 : i32
      %get3A_39 = arith.index_cast %get3A_38 : i32 to index
      %get3A_40 = arith.index_cast %add3A_29 : i32 to index
      %get3A_41 = tpu.vector_load %arg6[%get3A_39, %get3A_40] {strides = array<i32>} : memref<16x640xf32, #tpu.memory_space<vmem>>, vector<16xf32>,
      %add3A_42 = arith.addf %add3A_37, %get3A_41 : vector<16xf32>
      %get3A_43 = arith.constant 3 : i32
      %get3A_44 = arith.index_cast %get3A_43 : i32 to index
      %get3A_45 = arith.index_cast %add3A_29 : i32 to index
      %get3A_46 = tpu.vector_load %arg6[%get3A_44, %get3A_45] {strides = array<i32>} : memref<16x640xf32, #tpu.memory_space<vmem>>, vector<16xf32>,
      %add3A_47 = arith.addf %add3A_42, %get3A_46 : vector<16xf32>
      %get3A_48 = arith.constant 4 : i32
      %get3A_49 = arith.index_cast %get3A_48 : i32 to index
      %get3A_50 = arith.index_cast %add3A_29 : i32 to index
      %get3A_51 = tpu.vector_load %arg6[%get3A_49, %get3A_50] {strides = array<i32>} : memref<16x640xf32, #tpu.memory_space<vmem>>, vector<16xf32>,
      %add3A_52 = arith.addf %add3A_47, %get3A_51 : vector<16xf32>
      %get3A_53 = arith.constant 5 : i32
      %get3A_54 = arith.index_cast %get3A_53 : i32 to index
      %get3A_55 = arith.index_cast %add3A_29 : i32 to index
      %get3A_56 = tpu.vector_load %arg6[%get3A_54, %get3A_55] {strides = array<i32>} : memref<16x640xf32, #tpu.memory_space<vmem>>, vector<16xf32>,
      %add3A_57 = arith.addf %add3A_52, %get3A_56 : vector<16xf32>
      %get3A_58 = arith.constant 6 : i32
      %get3A_59 = arith.index_cast %get3A_58 : i32 to index
      %get3A_60 = arith.index_cast %add3A_29 : i32 to index
      %get3A_61 = tpu.vector_load %arg6[%get3A_59, %get3A_60] {strides = array<i32>} : memref<16x640xf32, #tpu.memory_space<vmem>>, vector<16xf32>,
      %add3A_62 = arith.addf %add3A_57, %get3A_61 : vector<16xf32>
      %get3A_63 = arith.constant 7 : i32
      %get3A_64 = arith.index_cast %get3A_63 : i32 to index
      %get3A_65 = arith.index_cast %add3A_29 : i32 to index
      %get3A_66 = tpu.vector_load %arg6[%get3A_64, %get3A_65] {strides = array<i32>} : memref<16x640xf32, #tpu.memory_space<vmem>>, vector<16xf32>,
      %add3A_67 = arith.addf %add3A_62, %get3A_66 : vector<16xf32>
      %get3A_68 = arith.constant 8 : i32
      %get3A_69 = arith.index_cast %get3A_68 : i32 to index
      %get3A_70 = arith.index_cast %add3A_29 : i32 to index
      %get3A_71 = tpu.vector_load %arg6[%get3A_69, %get3A_70] {strides = array<i32>} : memref<16x640xf32, #tpu.memory_space<vmem>>, vector<16xf32>,
      %add3A_72 = arith.addf %add3A_67, %get3A_71 : vector<16xf32>
      %get3A_73 = arith.constant 9 : i32
      %get3A_74 = arith.index_cast %get3A_73 : i32 to index
      %get3A_75 = arith.index_cast %add3A_29 : i32 to index
      %get3A_76 = tpu.vector_load %arg6[%get3A_74, %get3A_75] {strides = array<i32>} : memref<16x640xf32, #tpu.memory_space<vmem>>, vector<16xf32>,
      %add3A_77 = arith.addf %add3A_72, %get3A_76 : vector<16xf32>
      %get3A_78 = arith.constant 10 : i32
      %get3A_79 = arith.index_cast %get3A_78 : i32 to index
      %get3A_80 = arith.index_cast %add3A_29 : i32 to index
      %get3A_81 = tpu.vector_load %arg6[%get3A_79, %get3A_80] {strides = array<i32>} : memref<16x640xf32, #tpu.memory_space<vmem>>, vector<16xf32>,
      %add3A_82 = arith.addf %add3A_77, %get3A_81 : vector<16xf32>
      %get3A_83 = arith.constant 11 : i32
      %get3A_84 = arith.index_cast %get3A_83 : i32 to index
      %get3A_85 = arith.index_cast %add3A_29 : i32 to index
      %get3A_86 = tpu.vector_load %arg6[%get3A_84, %get3A_85] {strides = array<i32>} : memref<16x640xf32, #tpu.memory_space<vmem>>, vector<16xf32>,
      %add3A_87 = arith.addf %add3A_82, %get3A_86 : vector<16xf32>
      %get3A_88 = arith.constant 12 : i32
      %get3A_89 = arith.index_cast %get3A_88 : i32 to index
      %get3A_90 = arith.index_cast %add3A_29 : i32 to index
      %get3A_91 = tpu.vector_load %arg6[%get3A_89, %get3A_90] {strides = array<i32>} : memref<16x640xf32, #tpu.memory_space<vmem>>, vector<16xf32>,
      %add3A_92 = arith.addf %add3A_87, %get3A_91 : vector<16xf32>
      %get3A_93 = arith.constant 13 : i32
      %get3A_94 = arith.index_cast %get3A_93 : i32 to index
      %get3A_95 = arith.index_cast %add3A_29 : i32 to index
      %get3A_96 = tpu.vector_load %arg6[%get3A_94, %get3A_95] {strides = array<i32>} : memref<16x640xf32, #tpu.memory_space<vmem>>, vector<16xf32>,
      %add3A_97 = arith.addf %add3A_92, %get3A_96 : vector<16xf32>
      %get3A_98 = arith.constant 14 : i32
      %get3A_99 = arith.index_cast %get3A_98 : i32 to index
      %get3A_100 = arith.index_cast %add3A_29 : i32 to index
      %get3A_101 = tpu.vector_load %arg6[%get3A_99, %get3A_100] {strides = array<i32>} : memref<16x640xf32, #tpu.memory_space<vmem>>, vector<16xf32>,
      %add3A_102 = arith.addf %add3A_97, %get3A_101 : vector<16xf32>
      %get3A_103 = arith.constant 15 : i32
      %get3A_104 = arith.index_cast %get3A_103 : i32 to index
      %get3A_105 = arith.index_cast %add3A_29 : i32 to index
      %get3A_106 = tpu.vector_load %arg6[%get3A_104, %get3A_105] {strides = array<i32>} : memref<16x640xf32, #tpu.memory_space<vmem>>, vector<16xf32>,
      %add3A_107 = arith.addf %add3A_102, %get3A_106 : vector<16xf32>
      %swap3A = arith.index_cast %add3A_29 : i32 to index
      %swap3A_108 = tpu.vector_load %arg7[%swap3A] {strides = array<i32>} : memref<640xf32, #tpu.memory_space<vmem>>, vector<16xf32>,
      tpu.vector_store %arg7[%swap3A], %add3A_107 {strides = array<i32>} : memref<640xf32, #tpu.memory_space<vmem>>, vector<16xf32>,
    }
    %scan3A_21 = arith.constant 40 : i32
    %mul3A_22 = arith.constant 10240 : i32
    %mul3A_23 = arith.muli %arg0, %mul3A_22 : i32
    %add3A_24 = arith.addi %mul3A_23, %mul3A_16 : i32
    "tpu.region"() ({
      %run_scoped3A = tpu.sem_alloc : memref<!tpu.dma_semaphore, #tpu.memory_space<semaphore_mem>>
      %dma_start3A = tpu.memref_slice %arg3[%add3A_24] : memref<20480xf32, #tpu.memory_space<hbm>> -> memref<640xf32, #tpu.memory_space<hbm>>
      %dma_start3A_25 = tpu.memref_slice %arg3[%add3A_24] : memref<20480xf32, #tpu.memory_space<hbm>> -> memref<640xf32, #tpu.memory_space<hbm>>
      tpu.enqueue_dma source(%arg7 : memref<640xf32, #tpu.memory_space<vmem>>) target(%dma_start3A_25 : memref<640xf32, #tpu.memory_space<hbm>>) target_semaphore(%run_scoped3A : memref<!tpu.dma_semaphore, #tpu.memory_space<semaphore_mem>>)
      %dma_wait3A = tpu.memref_slice %arg3[%add3A_24] : memref<20480xf32, #tpu.memory_space<hbm>> -> memref<640xf32, #tpu.memory_space<hbm>>
      %dma_wait3A_26 = tpu.memref_slice %arg3[%add3A_24] : memref<20480xf32, #tpu.memory_space<hbm>> -> memref<640xf32, #tpu.memory_space<hbm>>
      tpu.wait_dma2 semaphore(%run_scoped3A : memref<!tpu.dma_semaphore, #tpu.memory_space<semaphore_mem>>) src(%arg7 : memref<640xf32, #tpu.memory_space<vmem>>) dst(%dma_wait3A_26 : memref<640xf32, #tpu.memory_space<hbm>>)
      tpu.yield
    }) : () -> ()
    return
  }
}

#map = affine_map<(d0, d1) -> (0, 0)>
#map1 = affine_map<(d0, d1) -> (0)>
#map2 = affine_map<(d0, d1) -> (0, 0, 0)>
module attributes {stable_mosaic.version = 14 : i64} {
  func.func @k(%arg0: i32, %arg1: i32, %arg2: memref<10240x128xf32, #tpu.memory_space<hbm>>, %arg3: memref<327680xi32, #tpu.memory_space<hbm>>, %arg4: memref<327680xi32, #tpu.memory_space<hbm>>, %arg5: memref<640x128xf32, #tpu.memory_space<hbm>>, %arg6: memref<2x10240x128xf32, #tpu.memory_space<hbm>>, %arg7: memref<10240xi32, #tpu.memory_space<vmem>>, %arg8: memref<64xi32, #tpu.memory_space<vmem>>, %arg9: memref<64xi32, #tpu.memory_space<vmem>>, %arg10: memref<64xi32, #tpu.memory_space<vmem>>, %arg11: memref<64xi32, #tpu.memory_space<vmem>>, %arg12: memref<64x128xf32, #tpu.memory_space<vmem>>, %arg13: memref<64x128xf32, #tpu.memory_space<vmem>>, %arg14: memref<64x128xf32, #tpu.memory_space<vmem>>, %arg15: memref<64x128xf32, #tpu.memory_space<vmem>>, %arg16: memref<10240x128xf32, #tpu.memory_space<vmem_shared>>, %arg17: memref<!tpu.dma_semaphore, #tpu.memory_space<semaphore_mem>>, %arg18: memref<!tpu.dma_semaphore, #tpu.memory_space<semaphore_mem>>, %arg19: memref<!tpu.dma_semaphore, #tpu.memory_space<semaphore_mem>>, %arg20: memref<!tpu.dma_semaphore, #tpu.memory_space<semaphore_mem>>, %arg21: memref<!tpu.dma_semaphore, #tpu.memory_space<semaphore_mem>>, %arg22: memref<!tpu.dma_semaphore, #tpu.memory_space<semaphore_mem>>, %arg23: memref<!tpu.dma_semaphore, #tpu.memory_space<semaphore_mem>>, %arg24: memref<!tpu.dma_semaphore, #tpu.memory_space<semaphore_mem>>, %arg25: memref<!tpu.dma_semaphore, #tpu.memory_space<semaphore_mem>>, %arg26: memref<!tpu.dma_semaphore, #tpu.memory_space<semaphore_mem>>, %arg27: memref<!tpu.dma_semaphore, #tpu.memory_space<semaphore_mem>>, %arg28: memref<!tpu.dma_semaphore, #tpu.memory_space<semaphore_mem>>) attributes {dimension_semantics = [#tpu.dimension_semantics<core_parallel>, #tpu.dimension_semantics<subcore_parallel>], iteration_bounds = array<i64: 2, 16>, scalar_prefetch = 0 : i64, scratch_operands = 22 : i64, tpu.core_type = #tpu.core_type<sc_vector_subcore>, window_params = [{transform_indices = #map}, {transform_indices = #map1}, {transform_indices = #map1}, {transform_indices = #map}, {transform_indices = #map2}]} {
    %mul3A = arith.constant 2 : i32
    %mul3A_0 = arith.muli %arg1, %mul3A : i32
    %add3A = arith.addi %mul3A_0, %arg0 : i32
    %mul3A_1 = arith.constant 640 : i32
    %mul3A_2 = arith.muli %arg1, %mul3A_1 : i32
    %eq3A = arith.constant 0 : i32
    %eq3A_3 = arith.cmpi eq, %arg0, %eq3A : i32
    %convert_element_type3A = arith.extui %eq3A_3 : i1 to i32
    %cond3A = arith.constant 0 : i32
    %cond3A_4 = arith.cmpi ne, %convert_element_type3A, %cond3A : i32
    scf.if %cond3A_4 {
      "tpu.region"() ({
        %run_scoped3A = tpu.sem_alloc : memref<!tpu.dma_semaphore, #tpu.memory_space<semaphore_mem>>
        %dma_start3A_60 = arith.constant 0 : i32
        %dma_start3A_61 = tpu.memref_slice %arg16[%mul3A_2, %dma_start3A_60] : memref<10240x128xf32, #tpu.memory_space<vmem_shared>> -> memref<640x128xf32, #tpu.memory_space<vmem_shared>>
        %dma_start3A_62 = arith.constant 0 : i32
        %dma_start3A_63 = tpu.memref_slice %arg2[%mul3A_2, %dma_start3A_62] : memref<10240x128xf32, #tpu.memory_space<hbm>> -> memref<640x128xf32, #tpu.memory_space<hbm>>
        tpu.enqueue_dma source(%dma_start3A_63 : memref<640x128xf32, #tpu.memory_space<hbm>>) target(%dma_start3A_61 : memref<640x128xf32, #tpu.memory_space<vmem_shared>>) target_semaphore(%run_scoped3A : memref<!tpu.dma_semaphore, #tpu.memory_space<semaphore_mem>>)
        %dma_wait3A = arith.constant 0 : i32
        %dma_wait3A_64 = tpu.memref_slice %arg16[%mul3A_2, %dma_wait3A] : memref<10240x128xf32, #tpu.memory_space<vmem_shared>> -> memref<640x128xf32, #tpu.memory_space<vmem_shared>>
        %dma_wait3A_65 = arith.constant 0 : i32
        %dma_wait3A_66 = tpu.memref_slice %arg2[%mul3A_2, %dma_wait3A_65] : memref<10240x128xf32, #tpu.memory_space<hbm>> -> memref<640x128xf32, #tpu.memory_space<hbm>>
        tpu.wait_dma2 semaphore(%run_scoped3A : memref<!tpu.dma_semaphore, #tpu.memory_space<semaphore_mem>>) src(%dma_wait3A_66 : memref<640x128xf32, #tpu.memory_space<hbm>>) dst(%dma_wait3A_64 : memref<640x128xf32, #tpu.memory_space<vmem_shared>>)
        tpu.yield
      }) : () -> ()
    } else {
    }
    %eq3A_5 = arith.constant 1 : i32
    %eq3A_6 = arith.cmpi eq, %arg0, %eq3A_5 : i32
    %convert_element_type3A_7 = arith.extui %eq3A_6 : i1 to i32
    %cond3A_8 = arith.constant 0 : i32
    %cond3A_9 = arith.cmpi ne, %convert_element_type3A_7, %cond3A_8 : i32
    scf.if %cond3A_9 {
      "tpu.region"() ({
        %run_scoped3A = tpu.sem_alloc : memref<!tpu.dma_semaphore, #tpu.memory_space<semaphore_mem>>
        %dma_start3A_60 = arith.constant 0 : i32
        %dma_start3A_61 = tpu.memref_slice %arg16[%mul3A_2, %dma_start3A_60] : memref<10240x128xf32, #tpu.memory_space<vmem_shared>> -> memref<640x128xf32, #tpu.memory_space<vmem_shared>>
        tpu.enqueue_dma source(%arg5 : memref<640x128xf32, #tpu.memory_space<hbm>>) target(%dma_start3A_61 : memref<640x128xf32, #tpu.memory_space<vmem_shared>>) target_semaphore(%run_scoped3A : memref<!tpu.dma_semaphore, #tpu.memory_space<semaphore_mem>>)
        %dma_wait3A = arith.constant 0 : i32
        %dma_wait3A_62 = tpu.memref_slice %arg16[%mul3A_2, %dma_wait3A] : memref<10240x128xf32, #tpu.memory_space<vmem_shared>> -> memref<640x128xf32, #tpu.memory_space<vmem_shared>>
        tpu.wait_dma2 semaphore(%run_scoped3A : memref<!tpu.dma_semaphore, #tpu.memory_space<semaphore_mem>>) src(%arg5 : memref<640x128xf32, #tpu.memory_space<hbm>>) dst(%dma_wait3A_62 : memref<640x128xf32, #tpu.memory_space<vmem_shared>>)
        tpu.yield
      }) : () -> ()
    } else {
    }
    %mul3A_10 = arith.constant 10240 : i32
    %mul3A_11 = arith.muli %add3A, %mul3A_10 : i32
    "tpu.region"() ({
      %run_scoped3A = tpu.sem_alloc : memref<!tpu.dma_semaphore, #tpu.memory_space<semaphore_mem>>
      %dma_start3A_60 = tpu.memref_slice %arg3[%mul3A_11] : memref<327680xi32, #tpu.memory_space<hbm>> -> memref<10240xi32, #tpu.memory_space<hbm>>
      %dma_start3A_61 = tpu.memref_slice %arg3[%mul3A_11] : memref<327680xi32, #tpu.memory_space<hbm>> -> memref<10240xi32, #tpu.memory_space<hbm>>
      tpu.enqueue_dma source(%dma_start3A_61 : memref<10240xi32, #tpu.memory_space<hbm>>) target(%arg7 : memref<10240xi32, #tpu.memory_space<vmem>>) target_semaphore(%run_scoped3A : memref<!tpu.dma_semaphore, #tpu.memory_space<semaphore_mem>>)
      %dma_wait3A = tpu.memref_slice %arg3[%mul3A_11] : memref<327680xi32, #tpu.memory_space<hbm>> -> memref<10240xi32, #tpu.memory_space<hbm>>
      %dma_wait3A_62 = tpu.memref_slice %arg3[%mul3A_11] : memref<327680xi32, #tpu.memory_space<hbm>> -> memref<10240xi32, #tpu.memory_space<hbm>>
      tpu.wait_dma2 semaphore(%run_scoped3A : memref<!tpu.dma_semaphore, #tpu.memory_space<semaphore_mem>>) src(%dma_wait3A_62 : memref<10240xi32, #tpu.memory_space<hbm>>) dst(%arg7 : memref<10240xi32, #tpu.memory_space<vmem>>)
      tpu.yield
    }) : () -> ()
    %barrier3A = arith.constant 0 : index
    tpu.barrier barrier_id(%barrier3A)
    %mul3A_12 = arith.constant 10240 : i32
    %mul3A_13 = arith.muli %add3A, %mul3A_12 : i32
    %add3A_14 = arith.constant 0 : i32
    %add3A_15 = arith.addi %mul3A_13, %add3A_14 : i32
    %dma_start3A = tpu.memref_slice %arg4[%add3A_15] : memref<327680xi32, #tpu.memory_space<hbm>> -> memref<64xi32, #tpu.memory_space<hbm>>
    %dma_start3A_16 = tpu.memref_slice %arg4[%add3A_15] : memref<327680xi32, #tpu.memory_space<hbm>> -> memref<64xi32, #tpu.memory_space<hbm>>
    tpu.enqueue_dma source(%dma_start3A_16 : memref<64xi32, #tpu.memory_space<hbm>>) target(%arg8 : memref<64xi32, #tpu.memory_space<vmem>>) target_semaphore(%arg17 : memref<!tpu.dma_semaphore, #tpu.memory_space<semaphore_mem>>)
    %dma_start3A_17 = arith.constant 0 : i32
    %dma_start3A_18 = tpu.memref_slice %arg7[%dma_start3A_17] : memref<10240xi32, #tpu.memory_space<vmem>> -> memref<64xi32, #tpu.memory_space<vmem>>
    %dma_start3A_19 = arith.constant 0 : i32
    %dma_start3A_20 = arith.constant 0 : i32
    %dma_start3A_21 = tpu.memref_slice %arg2[%dma_start3A_19, %dma_start3A_20] : memref<10240x128xf32, #tpu.memory_space<hbm>> -> memref<10240x128xf32, #tpu.memory_space<hbm>>
    tpu.enqueue_indirect_dma source(%dma_start3A_21 : memref<10240x128xf32, #tpu.memory_space<hbm>>) target(%arg12 : memref<64x128xf32, #tpu.memory_space<vmem>>) offsets(%dma_start3A_18 : memref<64xi32, #tpu.memory_space<vmem>>) semaphore(%arg21 : memref<!tpu.dma_semaphore, #tpu.memory_space<semaphore_mem>>)
    %mul3A_22 = arith.constant 10240 : i32
    %mul3A_23 = arith.muli %add3A, %mul3A_22 : i32
    %add3A_24 = arith.constant 64 : i32
    %add3A_25 = arith.addi %mul3A_23, %add3A_24 : i32
    %dma_start3A_26 = tpu.memref_slice %arg4[%add3A_25] : memref<327680xi32, #tpu.memory_space<hbm>> -> memref<64xi32, #tpu.memory_space<hbm>>
    %dma_start3A_27 = tpu.memref_slice %arg4[%add3A_25] : memref<327680xi32, #tpu.memory_space<hbm>> -> memref<64xi32, #tpu.memory_space<hbm>>
    tpu.enqueue_dma source(%dma_start3A_27 : memref<64xi32, #tpu.memory_space<hbm>>) target(%arg9 : memref<64xi32, #tpu.memory_space<vmem>>) target_semaphore(%arg18 : memref<!tpu.dma_semaphore, #tpu.memory_space<semaphore_mem>>)
    %dma_start3A_28 = arith.constant 64 : i32
    %dma_start3A_29 = tpu.memref_slice %arg7[%dma_start3A_28] : memref<10240xi32, #tpu.memory_space<vmem>> -> memref<64xi32, #tpu.memory_space<vmem>>
    %dma_start3A_30 = arith.constant 0 : i32
    %dma_start3A_31 = arith.constant 0 : i32
    %dma_start3A_32 = tpu.memref_slice %arg2[%dma_start3A_30, %dma_start3A_31] : memref<10240x128xf32, #tpu.memory_space<hbm>> -> memref<10240x128xf32, #tpu.memory_space<hbm>>
    tpu.enqueue_indirect_dma source(%dma_start3A_32 : memref<10240x128xf32, #tpu.memory_space<hbm>>) target(%arg13 : memref<64x128xf32, #tpu.memory_space<vmem>>) offsets(%dma_start3A_29 : memref<64xi32, #tpu.memory_space<vmem>>) semaphore(%arg22 : memref<!tpu.dma_semaphore, #tpu.memory_space<semaphore_mem>>)
    %mul3A_33 = arith.constant 10240 : i32
    %mul3A_34 = arith.muli %add3A, %mul3A_33 : i32
    %add3A_35 = arith.constant 128 : i32
    %add3A_36 = arith.addi %mul3A_34, %add3A_35 : i32
    %dma_start3A_37 = tpu.memref_slice %arg4[%add3A_36] : memref<327680xi32, #tpu.memory_space<hbm>> -> memref<64xi32, #tpu.memory_space<hbm>>
    %dma_start3A_38 = tpu.memref_slice %arg4[%add3A_36] : memref<327680xi32, #tpu.memory_space<hbm>> -> memref<64xi32, #tpu.memory_space<hbm>>
    tpu.enqueue_dma source(%dma_start3A_38 : memref<64xi32, #tpu.memory_space<hbm>>) target(%arg10 : memref<64xi32, #tpu.memory_space<vmem>>) target_semaphore(%arg19 : memref<!tpu.dma_semaphore, #tpu.memory_space<semaphore_mem>>)
    %dma_start3A_39 = arith.constant 128 : i32
    %dma_start3A_40 = tpu.memref_slice %arg7[%dma_start3A_39] : memref<10240xi32, #tpu.memory_space<vmem>> -> memref<64xi32, #tpu.memory_space<vmem>>
    %dma_start3A_41 = arith.constant 0 : i32
    %dma_start3A_42 = arith.constant 0 : i32
    %dma_start3A_43 = tpu.memref_slice %arg2[%dma_start3A_41, %dma_start3A_42] : memref<10240x128xf32, #tpu.memory_space<hbm>> -> memref<10240x128xf32, #tpu.memory_space<hbm>>
    tpu.enqueue_indirect_dma source(%dma_start3A_43 : memref<10240x128xf32, #tpu.memory_space<hbm>>) target(%arg14 : memref<64x128xf32, #tpu.memory_space<vmem>>) offsets(%dma_start3A_40 : memref<64xi32, #tpu.memory_space<vmem>>) semaphore(%arg23 : memref<!tpu.dma_semaphore, #tpu.memory_space<semaphore_mem>>)
    %mul3A_44 = arith.constant 10240 : i32
    %mul3A_45 = arith.muli %add3A, %mul3A_44 : i32
    %add3A_46 = arith.constant 192 : i32
    %add3A_47 = arith.addi %mul3A_45, %add3A_46 : i32
    %dma_start3A_48 = tpu.memref_slice %arg4[%add3A_47] : memref<327680xi32, #tpu.memory_space<hbm>> -> memref<64xi32, #tpu.memory_space<hbm>>
    %dma_start3A_49 = tpu.memref_slice %arg4[%add3A_47] : memref<327680xi32, #tpu.memory_space<hbm>> -> memref<64xi32, #tpu.memory_space<hbm>>
    tpu.enqueue_dma source(%dma_start3A_49 : memref<64xi32, #tpu.memory_space<hbm>>) target(%arg11 : memref<64xi32, #tpu.memory_space<vmem>>) target_semaphore(%arg20 : memref<!tpu.dma_semaphore, #tpu.memory_space<semaphore_mem>>)
    %dma_start3A_50 = arith.constant 192 : i32
    %dma_start3A_51 = tpu.memref_slice %arg7[%dma_start3A_50] : memref<10240xi32, #tpu.memory_space<vmem>> -> memref<64xi32, #tpu.memory_space<vmem>>
    %dma_start3A_52 = arith.constant 0 : i32
    %dma_start3A_53 = arith.constant 0 : i32
    %dma_start3A_54 = tpu.memref_slice %arg2[%dma_start3A_52, %dma_start3A_53] : memref<10240x128xf32, #tpu.memory_space<hbm>> -> memref<10240x128xf32, #tpu.memory_space<hbm>>
    tpu.enqueue_indirect_dma source(%dma_start3A_54 : memref<10240x128xf32, #tpu.memory_space<hbm>>) target(%arg15 : memref<64x128xf32, #tpu.memory_space<vmem>>) offsets(%dma_start3A_51 : memref<64xi32, #tpu.memory_space<vmem>>) semaphore(%arg24 : memref<!tpu.dma_semaphore, #tpu.memory_space<semaphore_mem>>)
    %scan3A = arith.constant 0 : i32
    %scan3A_55 = arith.constant 40 : i32
    %scan3A_56 = arith.addi %scan3A, %scan3A_55 : i32
    %scan3A_57 = arith.constant 1 : i32
    scf.for %scan3A_60 = %scan3A to %scan3A_56 step %scan3A_57  : i32 {
      %mul3A_61 = arith.constant 4 : i32
      %mul3A_62 = arith.muli %scan3A_60, %mul3A_61 : i32
      %add3A_63 = arith.constant 0 : i32
      %add3A_64 = arith.addi %add3A_63, %mul3A_62 : i32
      %add3A_65 = arith.constant 0 : i32
      %add3A_66 = arith.addi %add3A_64, %add3A_65 : i32
      %mul3A_67 = arith.constant 64 : i32
      %mul3A_68 = arith.muli %add3A_66, %mul3A_67 : i32
      %dma_wait3A = tpu.memref_slice %arg7[%mul3A_68] : memref<10240xi32, #tpu.memory_space<vmem>> -> memref<64xi32, #tpu.memory_space<vmem>>
      %dma_wait3A_69 = arith.constant 0 : i32
      %dma_wait3A_70 = arith.constant 0 : i32
      %dma_wait3A_71 = tpu.memref_slice %arg2[%dma_wait3A_69, %dma_wait3A_70] : memref<10240x128xf32, #tpu.memory_space<hbm>> -> memref<10240x128xf32, #tpu.memory_space<hbm>>
      tpu.wait_indirect_dma semaphore(%arg21 : memref<!tpu.dma_semaphore, #tpu.memory_space<semaphore_mem>>) src(%dma_wait3A_71 : memref<10240x128xf32, #tpu.memory_space<hbm>>) dst(%arg12 : memref<64x128xf32, #tpu.memory_space<vmem>>)
      %mul3A_72 = arith.constant 10240 : i32
      %mul3A_73 = arith.muli %add3A, %mul3A_72 : i32
      %mul3A_74 = arith.constant 64 : i32
      %mul3A_75 = arith.muli %add3A_66, %mul3A_74 : i32
      %add3A_76 = arith.addi %mul3A_73, %mul3A_75 : i32
      %dma_wait3A_77 = tpu.memref_slice %arg4[%add3A_76] : memref<327680xi32, #tpu.memory_space<hbm>> -> memref<64xi32, #tpu.memory_space<hbm>>
      %dma_wait3A_78 = tpu.memref_slice %arg4[%add3A_76] : memref<327680xi32, #tpu.memory_space<hbm>> -> memref<64xi32, #tpu.memory_space<hbm>>
      tpu.wait_dma2 semaphore(%arg17 : memref<!tpu.dma_semaphore, #tpu.memory_space<semaphore_mem>>) src(%dma_wait3A_78 : memref<64xi32, #tpu.memory_space<hbm>>) dst(%arg8 : memref<64xi32, #tpu.memory_space<vmem>>)
      %dma_start3A_79 = arith.constant 0 : i32
      %dma_start3A_80 = arith.constant 0 : i32
      %dma_start3A_81 = tpu.memref_slice %arg16[%dma_start3A_79, %dma_start3A_80] : memref<10240x128xf32, #tpu.memory_space<vmem_shared>> -> memref<10240x128xf32, #tpu.memory_space<vmem_shared>>
      tpu.enqueue_indirect_dma source(%arg12 : memref<64x128xf32, #tpu.memory_space<vmem>>) target(%dma_start3A_81 : memref<10240x128xf32, #tpu.memory_space<vmem_shared>>) offsets(%arg8 : memref<64xi32, #tpu.memory_space<vmem>>) semaphore(%arg25 : memref<!tpu.dma_semaphore, #tpu.memory_space<semaphore_mem>>) {add = true}
      %add3A_82 = arith.constant 1 : i32
      %add3A_83 = arith.addi %add3A_64, %add3A_82 : i32
      %mul3A_84 = arith.constant 64 : i32
      %mul3A_85 = arith.muli %add3A_83, %mul3A_84 : i32
      %dma_wait3A_86 = tpu.memref_slice %arg7[%mul3A_85] : memref<10240xi32, #tpu.memory_space<vmem>> -> memref<64xi32, #tpu.memory_space<vmem>>
      %dma_wait3A_87 = arith.constant 0 : i32
      %dma_wait3A_88 = arith.constant 0 : i32
      %dma_wait3A_89 = tpu.memref_slice %arg2[%dma_wait3A_87, %dma_wait3A_88] : memref<10240x128xf32, #tpu.memory_space<hbm>> -> memref<10240x128xf32, #tpu.memory_space<hbm>>
      tpu.wait_indirect_dma semaphore(%arg22 : memref<!tpu.dma_semaphore, #tpu.memory_space<semaphore_mem>>) src(%dma_wait3A_89 : memref<10240x128xf32, #tpu.memory_space<hbm>>) dst(%arg13 : memref<64x128xf32, #tpu.memory_space<vmem>>)
      %mul3A_90 = arith.constant 10240 : i32
      %mul3A_91 = arith.muli %add3A, %mul3A_90 : i32
      %mul3A_92 = arith.constant 64 : i32
      %mul3A_93 = arith.muli %add3A_83, %mul3A_92 : i32
      %add3A_94 = arith.addi %mul3A_91, %mul3A_93 : i32
      %dma_wait3A_95 = tpu.memref_slice %arg4[%add3A_94] : memref<327680xi32, #tpu.memory_space<hbm>> -> memref<64xi32, #tpu.memory_space<hbm>>
      %dma_wait3A_96 = tpu.memref_slice %arg4[%add3A_94] : memref<327680xi32, #tpu.memory_space<hbm>> -> memref<64xi32, #tpu.memory_space<hbm>>
      tpu.wait_dma2 semaphore(%arg18 : memref<!tpu.dma_semaphore, #tpu.memory_space<semaphore_mem>>) src(%dma_wait3A_96 : memref<64xi32, #tpu.memory_space<hbm>>) dst(%arg9 : memref<64xi32, #tpu.memory_space<vmem>>)
      %dma_start3A_97 = arith.constant 0 : i32
      %dma_start3A_98 = arith.constant 0 : i32
      %dma_start3A_99 = tpu.memref_slice %arg16[%dma_start3A_97, %dma_start3A_98] : memref<10240x128xf32, #tpu.memory_space<vmem_shared>> -> memref<10240x128xf32, #tpu.memory_space<vmem_shared>>
      tpu.enqueue_indirect_dma source(%arg13 : memref<64x128xf32, #tpu.memory_space<vmem>>) target(%dma_start3A_99 : memref<10240x128xf32, #tpu.memory_space<vmem_shared>>) offsets(%arg9 : memref<64xi32, #tpu.memory_space<vmem>>) semaphore(%arg26 : memref<!tpu.dma_semaphore, #tpu.memory_space<semaphore_mem>>) {add = true}
      %add3A_100 = arith.constant 2 : i32
      %add3A_101 = arith.addi %add3A_64, %add3A_100 : i32
      %mul3A_102 = arith.constant 64 : i32
      %mul3A_103 = arith.muli %add3A_101, %mul3A_102 : i32
      %dma_wait3A_104 = tpu.memref_slice %arg7[%mul3A_103] : memref<10240xi32, #tpu.memory_space<vmem>> -> memref<64xi32, #tpu.memory_space<vmem>>
      %dma_wait3A_105 = arith.constant 0 : i32
      %dma_wait3A_106 = arith.constant 0 : i32
      %dma_wait3A_107 = tpu.memref_slice %arg2[%dma_wait3A_105, %dma_wait3A_106] : memref<10240x128xf32, #tpu.memory_space<hbm>> -> memref<10240x128xf32, #tpu.memory_space<hbm>>
      tpu.wait_indirect_dma semaphore(%arg23 : memref<!tpu.dma_semaphore, #tpu.memory_space<semaphore_mem>>) src(%dma_wait3A_107 : memref<10240x128xf32, #tpu.memory_space<hbm>>) dst(%arg14 : memref<64x128xf32, #tpu.memory_space<vmem>>)
      %mul3A_108 = arith.constant 10240 : i32
      %mul3A_109 = arith.muli %add3A, %mul3A_108 : i32
      %mul3A_110 = arith.constant 64 : i32
      %mul3A_111 = arith.muli %add3A_101, %mul3A_110 : i32
      %add3A_112 = arith.addi %mul3A_109, %mul3A_111 : i32
      %dma_wait3A_113 = tpu.memref_slice %arg4[%add3A_112] : memref<327680xi32, #tpu.memory_space<hbm>> -> memref<64xi32, #tpu.memory_space<hbm>>
      %dma_wait3A_114 = tpu.memref_slice %arg4[%add3A_112] : memref<327680xi32, #tpu.memory_space<hbm>> -> memref<64xi32, #tpu.memory_space<hbm>>
      tpu.wait_dma2 semaphore(%arg19 : memref<!tpu.dma_semaphore, #tpu.memory_space<semaphore_mem>>) src(%dma_wait3A_114 : memref<64xi32, #tpu.memory_space<hbm>>) dst(%arg10 : memref<64xi32, #tpu.memory_space<vmem>>)
      %dma_start3A_115 = arith.constant 0 : i32
      %dma_start3A_116 = arith.constant 0 : i32
      %dma_start3A_117 = tpu.memref_slice %arg16[%dma_start3A_115, %dma_start3A_116] : memref<10240x128xf32, #tpu.memory_space<vmem_shared>> -> memref<10240x128xf32, #tpu.memory_space<vmem_shared>>
      tpu.enqueue_indirect_dma source(%arg14 : memref<64x128xf32, #tpu.memory_space<vmem>>) target(%dma_start3A_117 : memref<10240x128xf32, #tpu.memory_space<vmem_shared>>) offsets(%arg10 : memref<64xi32, #tpu.memory_space<vmem>>) semaphore(%arg27 : memref<!tpu.dma_semaphore, #tpu.memory_space<semaphore_mem>>) {add = true}
      %add3A_118 = arith.constant 3 : i32
      %add3A_119 = arith.addi %add3A_64, %add3A_118 : i32
      %mul3A_120 = arith.constant 64 : i32
      %mul3A_121 = arith.muli %add3A_119, %mul3A_120 : i32
      %dma_wait3A_122 = tpu.memref_slice %arg7[%mul3A_121] : memref<10240xi32, #tpu.memory_space<vmem>> -> memref<64xi32, #tpu.memory_space<vmem>>
      %dma_wait3A_123 = arith.constant 0 : i32
      %dma_wait3A_124 = arith.constant 0 : i32
      %dma_wait3A_125 = tpu.memref_slice %arg2[%dma_wait3A_123, %dma_wait3A_124] : memref<10240x128xf32, #tpu.memory_space<hbm>> -> memref<10240x128xf32, #tpu.memory_space<hbm>>
      tpu.wait_indirect_dma semaphore(%arg24 : memref<!tpu.dma_semaphore, #tpu.memory_space<semaphore_mem>>) src(%dma_wait3A_125 : memref<10240x128xf32, #tpu.memory_space<hbm>>) dst(%arg15 : memref<64x128xf32, #tpu.memory_space<vmem>>)
      %mul3A_126 = arith.constant 10240 : i32
      %mul3A_127 = arith.muli %add3A, %mul3A_126 : i32
      %mul3A_128 = arith.constant 64 : i32
      %mul3A_129 = arith.muli %add3A_119, %mul3A_128 : i32
      %add3A_130 = arith.addi %mul3A_127, %mul3A_129 : i32
      %dma_wait3A_131 = tpu.memref_slice %arg4[%add3A_130] : memref<327680xi32, #tpu.memory_space<hbm>> -> memref<64xi32, #tpu.memory_space<hbm>>
      %dma_wait3A_132 = tpu.memref_slice %arg4[%add3A_130] : memref<327680xi32, #tpu.memory_space<hbm>> -> memref<64xi32, #tpu.memory_space<hbm>>
      tpu.wait_dma2 semaphore(%arg20 : memref<!tpu.dma_semaphore, #tpu.memory_space<semaphore_mem>>) src(%dma_wait3A_132 : memref<64xi32, #tpu.memory_space<hbm>>) dst(%arg11 : memref<64xi32, #tpu.memory_space<vmem>>)
      %dma_start3A_133 = arith.constant 0 : i32
      %dma_start3A_134 = arith.constant 0 : i32
      %dma_start3A_135 = tpu.memref_slice %arg16[%dma_start3A_133, %dma_start3A_134] : memref<10240x128xf32, #tpu.memory_space<vmem_shared>> -> memref<10240x128xf32, #tpu.memory_space<vmem_shared>>
      tpu.enqueue_indirect_dma source(%arg15 : memref<64x128xf32, #tpu.memory_space<vmem>>) target(%dma_start3A_135 : memref<10240x128xf32, #tpu.memory_space<vmem_shared>>) offsets(%arg11 : memref<64xi32, #tpu.memory_space<vmem>>) semaphore(%arg28 : memref<!tpu.dma_semaphore, #tpu.memory_space<semaphore_mem>>) {add = true}
      %add3A_136 = arith.constant 0 : i32
      %add3A_137 = arith.addi %add3A_64, %add3A_136 : i32
      %dma_wait3A_138 = arith.constant 0 : i32
      %dma_wait3A_139 = arith.constant 0 : i32
      %dma_wait3A_140 = tpu.memref_slice %arg16[%dma_wait3A_138, %dma_wait3A_139] : memref<10240x128xf32, #tpu.memory_space<vmem_shared>> -> memref<10240x128xf32, #tpu.memory_space<vmem_shared>>
      tpu.wait_indirect_dma semaphore(%arg25 : memref<!tpu.dma_semaphore, #tpu.memory_space<semaphore_mem>>) src(%arg12 : memref<64x128xf32, #tpu.memory_space<vmem>>) dst(%dma_wait3A_140 : memref<10240x128xf32, #tpu.memory_space<vmem_shared>>)
      %add3A_141 = arith.constant 4 : i32
      %add3A_142 = arith.addi %add3A_137, %add3A_141 : i32
      %lt3A = arith.constant 160 : i32
      %lt3A_143 = arith.cmpi slt, %add3A_142, %lt3A : i32
      %convert_element_type3A_144 = arith.extui %lt3A_143 : i1 to i32
      %cond3A_145 = arith.constant 0 : i32
      %cond3A_146 = arith.cmpi ne, %convert_element_type3A_144, %cond3A_145 : i32
      scf.if %cond3A_146 {
        %add3A_183 = arith.constant 4 : i32
        %add3A_184 = arith.addi %add3A_137, %add3A_183 : i32
        %mul3A_185 = arith.constant 10240 : i32
        %mul3A_186 = arith.muli %add3A, %mul3A_185 : i32
        %mul3A_187 = arith.constant 64 : i32
        %mul3A_188 = arith.muli %add3A_184, %mul3A_187 : i32
        %add3A_189 = arith.addi %mul3A_186, %mul3A_188 : i32
        %dma_start3A_190 = tpu.memref_slice %arg4[%add3A_189] : memref<327680xi32, #tpu.memory_space<hbm>> -> memref<64xi32, #tpu.memory_space<hbm>>
        %dma_start3A_191 = tpu.memref_slice %arg4[%add3A_189] : memref<327680xi32, #tpu.memory_space<hbm>> -> memref<64xi32, #tpu.memory_space<hbm>>
        tpu.enqueue_dma source(%dma_start3A_191 : memref<64xi32, #tpu.memory_space<hbm>>) target(%arg8 : memref<64xi32, #tpu.memory_space<vmem>>) target_semaphore(%arg17 : memref<!tpu.dma_semaphore, #tpu.memory_space<semaphore_mem>>)
        %add3A_192 = arith.constant 4 : i32
        %add3A_193 = arith.addi %add3A_137, %add3A_192 : i32
        %mul3A_194 = arith.constant 64 : i32
        %mul3A_195 = arith.muli %add3A_193, %mul3A_194 : i32
        %dma_start3A_196 = tpu.memref_slice %arg7[%mul3A_195] : memref<10240xi32, #tpu.memory_space<vmem>> -> memref<64xi32, #tpu.memory_space<vmem>>
        %dma_start3A_197 = arith.constant 0 : i32
        %dma_start3A_198 = arith.constant 0 : i32
        %dma_start3A_199 = tpu.memref_slice %arg2[%dma_start3A_197, %dma_start3A_198] : memref<10240x128xf32, #tpu.memory_space<hbm>> -> memref<10240x128xf32, #tpu.memory_space<hbm>>
        tpu.enqueue_indirect_dma source(%dma_start3A_199 : memref<10240x128xf32, #tpu.memory_space<hbm>>) target(%arg12 : memref<64x128xf32, #tpu.memory_space<vmem>>) offsets(%dma_start3A_196 : memref<64xi32, #tpu.memory_space<vmem>>) semaphore(%arg21 : memref<!tpu.dma_semaphore, #tpu.memory_space<semaphore_mem>>)
      } else {
      }
      %add3A_147 = arith.constant 1 : i32
      %add3A_148 = arith.addi %add3A_64, %add3A_147 : i32
      %dma_wait3A_149 = arith.constant 0 : i32
      %dma_wait3A_150 = arith.constant 0 : i32
      %dma_wait3A_151 = tpu.memref_slice %arg16[%dma_wait3A_149, %dma_wait3A_150] : memref<10240x128xf32, #tpu.memory_space<vmem_shared>> -> memref<10240x128xf32, #tpu.memory_space<vmem_shared>>
      tpu.wait_indirect_dma semaphore(%arg26 : memref<!tpu.dma_semaphore, #tpu.memory_space<semaphore_mem>>) src(%arg13 : memref<64x128xf32, #tpu.memory_space<vmem>>) dst(%dma_wait3A_151 : memref<10240x128xf32, #tpu.memory_space<vmem_shared>>)
      %add3A_152 = arith.constant 4 : i32
      %add3A_153 = arith.addi %add3A_148, %add3A_152 : i32
      %lt3A_154 = arith.constant 160 : i32
      %lt3A_155 = arith.cmpi slt, %add3A_153, %lt3A_154 : i32
      %convert_element_type3A_156 = arith.extui %lt3A_155 : i1 to i32
      %cond3A_157 = arith.constant 0 : i32
      %cond3A_158 = arith.cmpi ne, %convert_element_type3A_156, %cond3A_157 : i32
      scf.if %cond3A_158 {
        %add3A_183 = arith.constant 4 : i32
        %add3A_184 = arith.addi %add3A_148, %add3A_183 : i32
        %mul3A_185 = arith.constant 10240 : i32
        %mul3A_186 = arith.muli %add3A, %mul3A_185 : i32
        %mul3A_187 = arith.constant 64 : i32
        %mul3A_188 = arith.muli %add3A_184, %mul3A_187 : i32
        %add3A_189 = arith.addi %mul3A_186, %mul3A_188 : i32
        %dma_start3A_190 = tpu.memref_slice %arg4[%add3A_189] : memref<327680xi32, #tpu.memory_space<hbm>> -> memref<64xi32, #tpu.memory_space<hbm>>
        %dma_start3A_191 = tpu.memref_slice %arg4[%add3A_189] : memref<327680xi32, #tpu.memory_space<hbm>> -> memref<64xi32, #tpu.memory_space<hbm>>
        tpu.enqueue_dma source(%dma_start3A_191 : memref<64xi32, #tpu.memory_space<hbm>>) target(%arg9 : memref<64xi32, #tpu.memory_space<vmem>>) target_semaphore(%arg18 : memref<!tpu.dma_semaphore, #tpu.memory_space<semaphore_mem>>)
        %add3A_192 = arith.constant 4 : i32
        %add3A_193 = arith.addi %add3A_148, %add3A_192 : i32
        %mul3A_194 = arith.constant 64 : i32
        %mul3A_195 = arith.muli %add3A_193, %mul3A_194 : i32
        %dma_start3A_196 = tpu.memref_slice %arg7[%mul3A_195] : memref<10240xi32, #tpu.memory_space<vmem>> -> memref<64xi32, #tpu.memory_space<vmem>>
        %dma_start3A_197 = arith.constant 0 : i32
        %dma_start3A_198 = arith.constant 0 : i32
        %dma_start3A_199 = tpu.memref_slice %arg2[%dma_start3A_197, %dma_start3A_198] : memref<10240x128xf32, #tpu.memory_space<hbm>> -> memref<10240x128xf32, #tpu.memory_space<hbm>>
        tpu.enqueue_indirect_dma source(%dma_start3A_199 : memref<10240x128xf32, #tpu.memory_space<hbm>>) target(%arg13 : memref<64x128xf32, #tpu.memory_space<vmem>>) offsets(%dma_start3A_196 : memref<64xi32, #tpu.memory_space<vmem>>) semaphore(%arg22 : memref<!tpu.dma_semaphore, #tpu.memory_space<semaphore_mem>>)
      } else {
      }
      %add3A_159 = arith.constant 2 : i32
      %add3A_160 = arith.addi %add3A_64, %add3A_159 : i32
      %dma_wait3A_161 = arith.constant 0 : i32
      %dma_wait3A_162 = arith.constant 0 : i32
      %dma_wait3A_163 = tpu.memref_slice %arg16[%dma_wait3A_161, %dma_wait3A_162] : memref<10240x128xf32, #tpu.memory_space<vmem_shared>> -> memref<10240x128xf32, #tpu.memory_space<vmem_shared>>
      tpu.wait_indirect_dma semaphore(%arg27 : memref<!tpu.dma_semaphore, #tpu.memory_space<semaphore_mem>>) src(%arg14 : memref<64x128xf32, #tpu.memory_space<vmem>>) dst(%dma_wait3A_163 : memref<10240x128xf32, #tpu.memory_space<vmem_shared>>)
      %add3A_164 = arith.constant 4 : i32
      %add3A_165 = arith.addi %add3A_160, %add3A_164 : i32
      %lt3A_166 = arith.constant 160 : i32
      %lt3A_167 = arith.cmpi slt, %add3A_165, %lt3A_166 : i32
      %convert_element_type3A_168 = arith.extui %lt3A_167 : i1 to i32
      %cond3A_169 = arith.constant 0 : i32
      %cond3A_170 = arith.cmpi ne, %convert_element_type3A_168, %cond3A_169 : i32
      scf.if %cond3A_170 {
        %add3A_183 = arith.constant 4 : i32
        %add3A_184 = arith.addi %add3A_160, %add3A_183 : i32
        %mul3A_185 = arith.constant 10240 : i32
        %mul3A_186 = arith.muli %add3A, %mul3A_185 : i32
        %mul3A_187 = arith.constant 64 : i32
        %mul3A_188 = arith.muli %add3A_184, %mul3A_187 : i32
        %add3A_189 = arith.addi %mul3A_186, %mul3A_188 : i32
        %dma_start3A_190 = tpu.memref_slice %arg4[%add3A_189] : memref<327680xi32, #tpu.memory_space<hbm>> -> memref<64xi32, #tpu.memory_space<hbm>>
        %dma_start3A_191 = tpu.memref_slice %arg4[%add3A_189] : memref<327680xi32, #tpu.memory_space<hbm>> -> memref<64xi32, #tpu.memory_space<hbm>>
        tpu.enqueue_dma source(%dma_start3A_191 : memref<64xi32, #tpu.memory_space<hbm>>) target(%arg10 : memref<64xi32, #tpu.memory_space<vmem>>) target_semaphore(%arg19 : memref<!tpu.dma_semaphore, #tpu.memory_space<semaphore_mem>>)
        %add3A_192 = arith.constant 4 : i32
        %add3A_193 = arith.addi %add3A_160, %add3A_192 : i32
        %mul3A_194 = arith.constant 64 : i32
        %mul3A_195 = arith.muli %add3A_193, %mul3A_194 : i32
        %dma_start3A_196 = tpu.memref_slice %arg7[%mul3A_195] : memref<10240xi32, #tpu.memory_space<vmem>> -> memref<64xi32, #tpu.memory_space<vmem>>
        %dma_start3A_197 = arith.constant 0 : i32
        %dma_start3A_198 = arith.constant 0 : i32
        %dma_start3A_199 = tpu.memref_slice %arg2[%dma_start3A_197, %dma_start3A_198] : memref<10240x128xf32, #tpu.memory_space<hbm>> -> memref<10240x128xf32, #tpu.memory_space<hbm>>
        tpu.enqueue_indirect_dma source(%dma_start3A_199 : memref<10240x128xf32, #tpu.memory_space<hbm>>) target(%arg14 : memref<64x128xf32, #tpu.memory_space<vmem>>) offsets(%dma_start3A_196 : memref<64xi32, #tpu.memory_space<vmem>>) semaphore(%arg23 : memref<!tpu.dma_semaphore, #tpu.memory_space<semaphore_mem>>)
      } else {
      }
      %add3A_171 = arith.constant 3 : i32
      %add3A_172 = arith.addi %add3A_64, %add3A_171 : i32
      %dma_wait3A_173 = arith.constant 0 : i32
      %dma_wait3A_174 = arith.constant 0 : i32
      %dma_wait3A_175 = tpu.memref_slice %arg16[%dma_wait3A_173, %dma_wait3A_174] : memref<10240x128xf32, #tpu.memory_space<vmem_shared>> -> memref<10240x128xf32, #tpu.memory_space<vmem_shared>>
      tpu.wait_indirect_dma semaphore(%arg28 : memref<!tpu.dma_semaphore, #tpu.memory_space<semaphore_mem>>) src(%arg15 : memref<64x128xf32, #tpu.memory_space<vmem>>) dst(%dma_wait3A_175 : memref<10240x128xf32, #tpu.memory_space<vmem_shared>>)
      %add3A_176 = arith.constant 4 : i32
      %add3A_177 = arith.addi %add3A_172, %add3A_176 : i32
      %lt3A_178 = arith.constant 160 : i32
      %lt3A_179 = arith.cmpi slt, %add3A_177, %lt3A_178 : i32
      %convert_element_type3A_180 = arith.extui %lt3A_179 : i1 to i32
      %cond3A_181 = arith.constant 0 : i32
      %cond3A_182 = arith.cmpi ne, %convert_element_type3A_180, %cond3A_181 : i32
      scf.if %cond3A_182 {
        %add3A_183 = arith.constant 4 : i32
        %add3A_184 = arith.addi %add3A_172, %add3A_183 : i32
        %mul3A_185 = arith.constant 10240 : i32
        %mul3A_186 = arith.muli %add3A, %mul3A_185 : i32
        %mul3A_187 = arith.constant 64 : i32
        %mul3A_188 = arith.muli %add3A_184, %mul3A_187 : i32
        %add3A_189 = arith.addi %mul3A_186, %mul3A_188 : i32
        %dma_start3A_190 = tpu.memref_slice %arg4[%add3A_189] : memref<327680xi32, #tpu.memory_space<hbm>> -> memref<64xi32, #tpu.memory_space<hbm>>
        %dma_start3A_191 = tpu.memref_slice %arg4[%add3A_189] : memref<327680xi32, #tpu.memory_space<hbm>> -> memref<64xi32, #tpu.memory_space<hbm>>
        tpu.enqueue_dma source(%dma_start3A_191 : memref<64xi32, #tpu.memory_space<hbm>>) target(%arg11 : memref<64xi32, #tpu.memory_space<vmem>>) target_semaphore(%arg20 : memref<!tpu.dma_semaphore, #tpu.memory_space<semaphore_mem>>)
        %add3A_192 = arith.constant 4 : i32
        %add3A_193 = arith.addi %add3A_172, %add3A_192 : i32
        %mul3A_194 = arith.constant 64 : i32
        %mul3A_195 = arith.muli %add3A_193, %mul3A_194 : i32
        %dma_start3A_196 = tpu.memref_slice %arg7[%mul3A_195] : memref<10240xi32, #tpu.memory_space<vmem>> -> memref<64xi32, #tpu.memory_space<vmem>>
        %dma_start3A_197 = arith.constant 0 : i32
        %dma_start3A_198 = arith.constant 0 : i32
        %dma_start3A_199 = tpu.memref_slice %arg2[%dma_start3A_197, %dma_start3A_198] : memref<10240x128xf32, #tpu.memory_space<hbm>> -> memref<10240x128xf32, #tpu.memory_space<hbm>>
        tpu.enqueue_indirect_dma source(%dma_start3A_199 : memref<10240x128xf32, #tpu.memory_space<hbm>>) target(%arg15 : memref<64x128xf32, #tpu.memory_space<vmem>>) offsets(%dma_start3A_196 : memref<64xi32, #tpu.memory_space<vmem>>) semaphore(%arg24 : memref<!tpu.dma_semaphore, #tpu.memory_space<semaphore_mem>>)
      } else {
      }
    }
    %scan3A_58 = arith.constant 40 : i32
    %barrier3A_59 = arith.constant 0 : index
    tpu.barrier barrier_id(%barrier3A_59)
    "tpu.region"() ({
      %run_scoped3A = tpu.sem_alloc : memref<!tpu.dma_semaphore, #tpu.memory_space<semaphore_mem>>
      %dma_start3A_60 = arith.constant 0 : i32
      %dma_start3A_61 = tpu.memref_slice %arg6[%arg0, %mul3A_2, %dma_start3A_60] : memref<2x10240x128xf32, #tpu.memory_space<hbm>> -> memref<1x640x128xf32, #tpu.memory_space<hbm>>
      %dma_start3A_62 = tpu.memref_squeeze %dma_start3A_61 : memref<1x640x128xf32, #tpu.memory_space<hbm>> -> memref<640x128xf32, #tpu.memory_space<hbm>>
      %dma_start3A_63 = arith.constant 0 : i32
      %dma_start3A_64 = tpu.memref_slice %arg16[%mul3A_2, %dma_start3A_63] : memref<10240x128xf32, #tpu.memory_space<vmem_shared>> -> memref<640x128xf32, #tpu.memory_space<vmem_shared>>
      tpu.enqueue_dma source(%dma_start3A_64 : memref<640x128xf32, #tpu.memory_space<vmem_shared>>) target(%dma_start3A_62 : memref<640x128xf32, #tpu.memory_space<hbm>>) target_semaphore(%run_scoped3A : memref<!tpu.dma_semaphore, #tpu.memory_space<semaphore_mem>>)
      %dma_wait3A = arith.constant 0 : i32
      %dma_wait3A_65 = tpu.memref_slice %arg6[%arg0, %mul3A_2, %dma_wait3A] : memref<2x10240x128xf32, #tpu.memory_space<hbm>> -> memref<1x640x128xf32, #tpu.memory_space<hbm>>
      %dma_wait3A_66 = tpu.memref_squeeze %dma_wait3A_65 : memref<1x640x128xf32, #tpu.memory_space<hbm>> -> memref<640x128xf32, #tpu.memory_space<hbm>>
      %dma_wait3A_67 = arith.constant 0 : i32
      %dma_wait3A_68 = tpu.memref_slice %arg16[%mul3A_2, %dma_wait3A_67] : memref<10240x128xf32, #tpu.memory_space<vmem_shared>> -> memref<640x128xf32, #tpu.memory_space<vmem_shared>>
      tpu.wait_dma2 semaphore(%run_scoped3A : memref<!tpu.dma_semaphore, #tpu.memory_space<semaphore_mem>>) src(%dma_wait3A_68 : memref<640x128xf32, #tpu.memory_space<vmem_shared>>) dst(%dma_wait3A_66 : memref<640x128xf32, #tpu.memory_space<hbm>>)
      tpu.yield
    }) : () -> ()
    return
  }
}

#map = affine_map<(d0, d1) -> (0, 0)>
#map1 = affine_map<(d0, d1) -> (0)>
#map2 = affine_map<(d0, d1) -> (0, 0, 0)>
module attributes {stable_mosaic.version = 14 : i64} {
  func.func @k(%arg0: i32, %arg1: i32, %arg2: memref<10240x128xf32, #tpu.memory_space<hbm>>, %arg3: memref<327680xi32, #tpu.memory_space<hbm>>, %arg4: memref<327680xi32, #tpu.memory_space<hbm>>, %arg5: memref<640x128xf32, #tpu.memory_space<hbm>>, %arg6: memref<2x10240x128xf32, #tpu.memory_space<hbm>>, %arg7: memref<10240xi32, #tpu.memory_space<vmem>>, %arg8: memref<64xi32, #tpu.memory_space<vmem>>, %arg9: memref<64xi32, #tpu.memory_space<vmem>>, %arg10: memref<64xi32, #tpu.memory_space<vmem>>, %arg11: memref<64xi32, #tpu.memory_space<vmem>>, %arg12: memref<64x128xf32, #tpu.memory_space<vmem>>, %arg13: memref<64x128xf32, #tpu.memory_space<vmem>>, %arg14: memref<64x128xf32, #tpu.memory_space<vmem>>, %arg15: memref<64x128xf32, #tpu.memory_space<vmem>>, %arg16: memref<10240x128xf32, #tpu.memory_space<vmem_shared>>, %arg17: memref<!tpu.dma_semaphore, #tpu.memory_space<semaphore_mem>>, %arg18: memref<!tpu.dma_semaphore, #tpu.memory_space<semaphore_mem>>, %arg19: memref<!tpu.dma_semaphore, #tpu.memory_space<semaphore_mem>>, %arg20: memref<!tpu.dma_semaphore, #tpu.memory_space<semaphore_mem>>, %arg21: memref<!tpu.dma_semaphore, #tpu.memory_space<semaphore_mem>>, %arg22: memref<!tpu.dma_semaphore, #tpu.memory_space<semaphore_mem>>, %arg23: memref<!tpu.dma_semaphore, #tpu.memory_space<semaphore_mem>>, %arg24: memref<!tpu.dma_semaphore, #tpu.memory_space<semaphore_mem>>, %arg25: memref<!tpu.dma_semaphore, #tpu.memory_space<semaphore_mem>>, %arg26: memref<!tpu.dma_semaphore, #tpu.memory_space<semaphore_mem>>, %arg27: memref<!tpu.dma_semaphore, #tpu.memory_space<semaphore_mem>>, %arg28: memref<!tpu.dma_semaphore, #tpu.memory_space<semaphore_mem>>) attributes {dimension_semantics = [#tpu.dimension_semantics<core_parallel>, #tpu.dimension_semantics<subcore_parallel>], iteration_bounds = array<i64: 2, 16>, scalar_prefetch = 0 : i64, scratch_operands = 22 : i64, tpu.core_type = #tpu.core_type<sc_vector_subcore>, window_params = [{transform_indices = #map}, {transform_indices = #map1}, {transform_indices = #map1}, {transform_indices = #map}, {transform_indices = #map2}]} {
    %mul3A = arith.constant 2 : i32
    %mul3A_0 = arith.muli %arg1, %mul3A : i32
    %add3A = arith.addi %mul3A_0, %arg0 : i32
    %mul3A_1 = arith.constant 640 : i32
    %mul3A_2 = arith.muli %arg1, %mul3A_1 : i32
    %eq3A = arith.constant 0 : i32
    %eq3A_3 = arith.cmpi eq, %arg0, %eq3A : i32
    %convert_element_type3A = arith.extui %eq3A_3 : i1 to i32
    %cond3A = arith.constant 0 : i32
    %cond3A_4 = arith.cmpi ne, %convert_element_type3A, %cond3A : i32
    scf.if %cond3A_4 {
      "tpu.region"() ({
        %run_scoped3A = tpu.sem_alloc : memref<!tpu.dma_semaphore, #tpu.memory_space<semaphore_mem>>
        %dma_start3A_60 = arith.constant 0 : i32
        %dma_start3A_61 = tpu.memref_slice %arg16[%mul3A_2, %dma_start3A_60] : memref<10240x128xf32, #tpu.memory_space<vmem_shared>> -> memref<640x128xf32, #tpu.memory_space<vmem_shared>>
        %dma_start3A_62 = arith.constant 0 : i32
        %dma_start3A_63 = tpu.memref_slice %arg2[%mul3A_2, %dma_start3A_62] : memref<10240x128xf32, #tpu.memory_space<hbm>> -> memref<640x128xf32, #tpu.memory_space<hbm>>
        tpu.enqueue_dma source(%dma_start3A_63 : memref<640x128xf32, #tpu.memory_space<hbm>>) target(%dma_start3A_61 : memref<640x128xf32, #tpu.memory_space<vmem_shared>>) target_semaphore(%run_scoped3A : memref<!tpu.dma_semaphore, #tpu.memory_space<semaphore_mem>>)
        %dma_wait3A = arith.constant 0 : i32
        %dma_wait3A_64 = tpu.memref_slice %arg16[%mul3A_2, %dma_wait3A] : memref<10240x128xf32, #tpu.memory_space<vmem_shared>> -> memref<640x128xf32, #tpu.memory_space<vmem_shared>>
        %dma_wait3A_65 = arith.constant 0 : i32
        %dma_wait3A_66 = tpu.memref_slice %arg2[%mul3A_2, %dma_wait3A_65] : memref<10240x128xf32, #tpu.memory_space<hbm>> -> memref<640x128xf32, #tpu.memory_space<hbm>>
        tpu.wait_dma2 semaphore(%run_scoped3A : memref<!tpu.dma_semaphore, #tpu.memory_space<semaphore_mem>>) src(%dma_wait3A_66 : memref<640x128xf32, #tpu.memory_space<hbm>>) dst(%dma_wait3A_64 : memref<640x128xf32, #tpu.memory_space<vmem_shared>>)
        tpu.yield
      }) : () -> ()
    } else {
    }
    %eq3A_5 = arith.constant 1 : i32
    %eq3A_6 = arith.cmpi eq, %arg0, %eq3A_5 : i32
    %convert_element_type3A_7 = arith.extui %eq3A_6 : i1 to i32
    %cond3A_8 = arith.constant 0 : i32
    %cond3A_9 = arith.cmpi ne, %convert_element_type3A_7, %cond3A_8 : i32
    scf.if %cond3A_9 {
      "tpu.region"() ({
        %run_scoped3A = tpu.sem_alloc : memref<!tpu.dma_semaphore, #tpu.memory_space<semaphore_mem>>
        %dma_start3A_60 = arith.constant 0 : i32
        %dma_start3A_61 = tpu.memref_slice %arg16[%mul3A_2, %dma_start3A_60] : memref<10240x128xf32, #tpu.memory_space<vmem_shared>> -> memref<640x128xf32, #tpu.memory_space<vmem_shared>>
        tpu.enqueue_dma source(%arg5 : memref<640x128xf32, #tpu.memory_space<hbm>>) target(%dma_start3A_61 : memref<640x128xf32, #tpu.memory_space<vmem_shared>>) target_semaphore(%run_scoped3A : memref<!tpu.dma_semaphore, #tpu.memory_space<semaphore_mem>>)
        %dma_wait3A = arith.constant 0 : i32
        %dma_wait3A_62 = tpu.memref_slice %arg16[%mul3A_2, %dma_wait3A] : memref<10240x128xf32, #tpu.memory_space<vmem_shared>> -> memref<640x128xf32, #tpu.memory_space<vmem_shared>>
        tpu.wait_dma2 semaphore(%run_scoped3A : memref<!tpu.dma_semaphore, #tpu.memory_space<semaphore_mem>>) src(%arg5 : memref<640x128xf32, #tpu.memory_space<hbm>>) dst(%dma_wait3A_62 : memref<640x128xf32, #tpu.memory_space<vmem_shared>>)
        tpu.yield
      }) : () -> ()
    } else {
    }
    %mul3A_10 = arith.constant 10240 : i32
    %mul3A_11 = arith.muli %add3A, %mul3A_10 : i32
    "tpu.region"() ({
      %run_scoped3A = tpu.sem_alloc : memref<!tpu.dma_semaphore, #tpu.memory_space<semaphore_mem>>
      %dma_start3A_60 = tpu.memref_slice %arg3[%mul3A_11] : memref<327680xi32, #tpu.memory_space<hbm>> -> memref<10240xi32, #tpu.memory_space<hbm>>
      %dma_start3A_61 = tpu.memref_slice %arg3[%mul3A_11] : memref<327680xi32, #tpu.memory_space<hbm>> -> memref<10240xi32, #tpu.memory_space<hbm>>
      tpu.enqueue_dma source(%dma_start3A_61 : memref<10240xi32, #tpu.memory_space<hbm>>) target(%arg7 : memref<10240xi32, #tpu.memory_space<vmem>>) target_semaphore(%run_scoped3A : memref<!tpu.dma_semaphore, #tpu.memory_space<semaphore_mem>>)
      %dma_wait3A = tpu.memref_slice %arg3[%mul3A_11] : memref<327680xi32, #tpu.memory_space<hbm>> -> memref<10240xi32, #tpu.memory_space<hbm>>
      %dma_wait3A_62 = tpu.memref_slice %arg3[%mul3A_11] : memref<327680xi32, #tpu.memory_space<hbm>> -> memref<10240xi32, #tpu.memory_space<hbm>>
      tpu.wait_dma2 semaphore(%run_scoped3A : memref<!tpu.dma_semaphore, #tpu.memory_space<semaphore_mem>>) src(%dma_wait3A_62 : memref<10240xi32, #tpu.memory_space<hbm>>) dst(%arg7 : memref<10240xi32, #tpu.memory_space<vmem>>)
      tpu.yield
    }) : () -> ()
    %barrier3A = arith.constant 0 : index
    tpu.barrier barrier_id(%barrier3A)
    %mul3A_12 = arith.constant 10240 : i32
    %mul3A_13 = arith.muli %add3A, %mul3A_12 : i32
    %add3A_14 = arith.constant 0 : i32
    %add3A_15 = arith.addi %mul3A_13, %add3A_14 : i32
    %dma_start3A = tpu.memref_slice %arg4[%add3A_15] : memref<327680xi32, #tpu.memory_space<hbm>> -> memref<64xi32, #tpu.memory_space<hbm>>
    %dma_start3A_16 = tpu.memref_slice %arg4[%add3A_15] : memref<327680xi32, #tpu.memory_space<hbm>> -> memref<64xi32, #tpu.memory_space<hbm>>
    tpu.enqueue_dma source(%dma_start3A_16 : memref<64xi32, #tpu.memory_space<hbm>>) target(%arg8 : memref<64xi32, #tpu.memory_space<vmem>>) target_semaphore(%arg17 : memref<!tpu.dma_semaphore, #tpu.memory_space<semaphore_mem>>)
    %dma_start3A_17 = arith.constant 0 : i32
    %dma_start3A_18 = tpu.memref_slice %arg7[%dma_start3A_17] : memref<10240xi32, #tpu.memory_space<vmem>> -> memref<64xi32, #tpu.memory_space<vmem>>
    %dma_start3A_19 = arith.constant 0 : i32
    %dma_start3A_20 = arith.constant 0 : i32
    %dma_start3A_21 = tpu.memref_slice %arg2[%dma_start3A_19, %dma_start3A_20] : memref<10240x128xf32, #tpu.memory_space<hbm>> -> memref<10240x128xf32, #tpu.memory_space<hbm>>
    tpu.enqueue_indirect_dma source(%dma_start3A_21 : memref<10240x128xf32, #tpu.memory_space<hbm>>) target(%arg12 : memref<64x128xf32, #tpu.memory_space<vmem>>) offsets(%dma_start3A_18 : memref<64xi32, #tpu.memory_space<vmem>>) semaphore(%arg21 : memref<!tpu.dma_semaphore, #tpu.memory_space<semaphore_mem>>)
    %mul3A_22 = arith.constant 10240 : i32
    %mul3A_23 = arith.muli %add3A, %mul3A_22 : i32
    %add3A_24 = arith.constant 64 : i32
    %add3A_25 = arith.addi %mul3A_23, %add3A_24 : i32
    %dma_start3A_26 = tpu.memref_slice %arg4[%add3A_25] : memref<327680xi32, #tpu.memory_space<hbm>> -> memref<64xi32, #tpu.memory_space<hbm>>
    %dma_start3A_27 = tpu.memref_slice %arg4[%add3A_25] : memref<327680xi32, #tpu.memory_space<hbm>> -> memref<64xi32, #tpu.memory_space<hbm>>
    tpu.enqueue_dma source(%dma_start3A_27 : memref<64xi32, #tpu.memory_space<hbm>>) target(%arg9 : memref<64xi32, #tpu.memory_space<vmem>>) target_semaphore(%arg18 : memref<!tpu.dma_semaphore, #tpu.memory_space<semaphore_mem>>)
    %dma_start3A_28 = arith.constant 64 : i32
    %dma_start3A_29 = tpu.memref_slice %arg7[%dma_start3A_28] : memref<10240xi32, #tpu.memory_space<vmem>> -> memref<64xi32, #tpu.memory_space<vmem>>
    %dma_start3A_30 = arith.constant 0 : i32
    %dma_start3A_31 = arith.constant 0 : i32
    %dma_start3A_32 = tpu.memref_slice %arg2[%dma_start3A_30, %dma_start3A_31] : memref<10240x128xf32, #tpu.memory_space<hbm>> -> memref<10240x128xf32, #tpu.memory_space<hbm>>
    tpu.enqueue_indirect_dma source(%dma_start3A_32 : memref<10240x128xf32, #tpu.memory_space<hbm>>) target(%arg13 : memref<64x128xf32, #tpu.memory_space<vmem>>) offsets(%dma_start3A_29 : memref<64xi32, #tpu.memory_space<vmem>>) semaphore(%arg22 : memref<!tpu.dma_semaphore, #tpu.memory_space<semaphore_mem>>)
    %mul3A_33 = arith.constant 10240 : i32
    %mul3A_34 = arith.muli %add3A, %mul3A_33 : i32
    %add3A_35 = arith.constant 128 : i32
    %add3A_36 = arith.addi %mul3A_34, %add3A_35 : i32
    %dma_start3A_37 = tpu.memref_slice %arg4[%add3A_36] : memref<327680xi32, #tpu.memory_space<hbm>> -> memref<64xi32, #tpu.memory_space<hbm>>
    %dma_start3A_38 = tpu.memref_slice %arg4[%add3A_36] : memref<327680xi32, #tpu.memory_space<hbm>> -> memref<64xi32, #tpu.memory_space<hbm>>
    tpu.enqueue_dma source(%dma_start3A_38 : memref<64xi32, #tpu.memory_space<hbm>>) target(%arg10 : memref<64xi32, #tpu.memory_space<vmem>>) target_semaphore(%arg19 : memref<!tpu.dma_semaphore, #tpu.memory_space<semaphore_mem>>)
    %dma_start3A_39 = arith.constant 128 : i32
    %dma_start3A_40 = tpu.memref_slice %arg7[%dma_start3A_39] : memref<10240xi32, #tpu.memory_space<vmem>> -> memref<64xi32, #tpu.memory_space<vmem>>
    %dma_start3A_41 = arith.constant 0 : i32
    %dma_start3A_42 = arith.constant 0 : i32
    %dma_start3A_43 = tpu.memref_slice %arg2[%dma_start3A_41, %dma_start3A_42] : memref<10240x128xf32, #tpu.memory_space<hbm>> -> memref<10240x128xf32, #tpu.memory_space<hbm>>
    tpu.enqueue_indirect_dma source(%dma_start3A_43 : memref<10240x128xf32, #tpu.memory_space<hbm>>) target(%arg14 : memref<64x128xf32, #tpu.memory_space<vmem>>) offsets(%dma_start3A_40 : memref<64xi32, #tpu.memory_space<vmem>>) semaphore(%arg23 : memref<!tpu.dma_semaphore, #tpu.memory_space<semaphore_mem>>)
    %mul3A_44 = arith.constant 10240 : i32
    %mul3A_45 = arith.muli %add3A, %mul3A_44 : i32
    %add3A_46 = arith.constant 192 : i32
    %add3A_47 = arith.addi %mul3A_45, %add3A_46 : i32
    %dma_start3A_48 = tpu.memref_slice %arg4[%add3A_47] : memref<327680xi32, #tpu.memory_space<hbm>> -> memref<64xi32, #tpu.memory_space<hbm>>
    %dma_start3A_49 = tpu.memref_slice %arg4[%add3A_47] : memref<327680xi32, #tpu.memory_space<hbm>> -> memref<64xi32, #tpu.memory_space<hbm>>
    tpu.enqueue_dma source(%dma_start3A_49 : memref<64xi32, #tpu.memory_space<hbm>>) target(%arg11 : memref<64xi32, #tpu.memory_space<vmem>>) target_semaphore(%arg20 : memref<!tpu.dma_semaphore, #tpu.memory_space<semaphore_mem>>)
    %dma_start3A_50 = arith.constant 192 : i32
    %dma_start3A_51 = tpu.memref_slice %arg7[%dma_start3A_50] : memref<10240xi32, #tpu.memory_space<vmem>> -> memref<64xi32, #tpu.memory_space<vmem>>
    %dma_start3A_52 = arith.constant 0 : i32
    %dma_start3A_53 = arith.constant 0 : i32
    %dma_start3A_54 = tpu.memref_slice %arg2[%dma_start3A_52, %dma_start3A_53] : memref<10240x128xf32, #tpu.memory_space<hbm>> -> memref<10240x128xf32, #tpu.memory_space<hbm>>
    tpu.enqueue_indirect_dma source(%dma_start3A_54 : memref<10240x128xf32, #tpu.memory_space<hbm>>) target(%arg15 : memref<64x128xf32, #tpu.memory_space<vmem>>) offsets(%dma_start3A_51 : memref<64xi32, #tpu.memory_space<vmem>>) semaphore(%arg24 : memref<!tpu.dma_semaphore, #tpu.memory_space<semaphore_mem>>)
    %scan3A = arith.constant 0 : i32
    %scan3A_55 = arith.constant 40 : i32
    %scan3A_56 = arith.addi %scan3A, %scan3A_55 : i32
    %scan3A_57 = arith.constant 1 : i32
    scf.for %scan3A_60 = %scan3A to %scan3A_56 step %scan3A_57  : i32 {
      %mul3A_61 = arith.constant 4 : i32
      %mul3A_62 = arith.muli %scan3A_60, %mul3A_61 : i32
      %add3A_63 = arith.constant 0 : i32
      %add3A_64 = arith.addi %add3A_63, %mul3A_62 : i32
      %add3A_65 = arith.constant 0 : i32
      %add3A_66 = arith.addi %add3A_64, %add3A_65 : i32
      %mul3A_67 = arith.constant 64 : i32
      %mul3A_68 = arith.muli %add3A_66, %mul3A_67 : i32
      %dma_wait3A = tpu.memref_slice %arg7[%mul3A_68] : memref<10240xi32, #tpu.memory_space<vmem>> -> memref<64xi32, #tpu.memory_space<vmem>>
      %dma_wait3A_69 = arith.constant 0 : i32
      %dma_wait3A_70 = arith.constant 0 : i32
      %dma_wait3A_71 = tpu.memref_slice %arg2[%dma_wait3A_69, %dma_wait3A_70] : memref<10240x128xf32, #tpu.memory_space<hbm>> -> memref<10240x128xf32, #tpu.memory_space<hbm>>
      tpu.wait_indirect_dma semaphore(%arg21 : memref<!tpu.dma_semaphore, #tpu.memory_space<semaphore_mem>>) src(%dma_wait3A_71 : memref<10240x128xf32, #tpu.memory_space<hbm>>) dst(%arg12 : memref<64x128xf32, #tpu.memory_space<vmem>>)
      %mul3A_72 = arith.constant 10240 : i32
      %mul3A_73 = arith.muli %add3A, %mul3A_72 : i32
      %mul3A_74 = arith.constant 64 : i32
      %mul3A_75 = arith.muli %add3A_66, %mul3A_74 : i32
      %add3A_76 = arith.addi %mul3A_73, %mul3A_75 : i32
      %dma_wait3A_77 = tpu.memref_slice %arg4[%add3A_76] : memref<327680xi32, #tpu.memory_space<hbm>> -> memref<64xi32, #tpu.memory_space<hbm>>
      %dma_wait3A_78 = tpu.memref_slice %arg4[%add3A_76] : memref<327680xi32, #tpu.memory_space<hbm>> -> memref<64xi32, #tpu.memory_space<hbm>>
      tpu.wait_dma2 semaphore(%arg17 : memref<!tpu.dma_semaphore, #tpu.memory_space<semaphore_mem>>) src(%dma_wait3A_78 : memref<64xi32, #tpu.memory_space<hbm>>) dst(%arg8 : memref<64xi32, #tpu.memory_space<vmem>>)
      %dma_start3A_79 = arith.constant 0 : i32
      %dma_start3A_80 = arith.constant 0 : i32
      %dma_start3A_81 = tpu.memref_slice %arg16[%dma_start3A_79, %dma_start3A_80] : memref<10240x128xf32, #tpu.memory_space<vmem_shared>> -> memref<10240x128xf32, #tpu.memory_space<vmem_shared>>
      tpu.enqueue_indirect_dma source(%arg12 : memref<64x128xf32, #tpu.memory_space<vmem>>) target(%dma_start3A_81 : memref<10240x128xf32, #tpu.memory_space<vmem_shared>>) offsets(%arg8 : memref<64xi32, #tpu.memory_space<vmem>>) semaphore(%arg25 : memref<!tpu.dma_semaphore, #tpu.memory_space<semaphore_mem>>) {add = true}
      %add3A_82 = arith.constant 1 : i32
      %add3A_83 = arith.addi %add3A_64, %add3A_82 : i32
      %mul3A_84 = arith.constant 64 : i32
      %mul3A_85 = arith.muli %add3A_83, %mul3A_84 : i32
      %dma_wait3A_86 = tpu.memref_slice %arg7[%mul3A_85] : memref<10240xi32, #tpu.memory_space<vmem>> -> memref<64xi32, #tpu.memory_space<vmem>>
      %dma_wait3A_87 = arith.constant 0 : i32
      %dma_wait3A_88 = arith.constant 0 : i32
      %dma_wait3A_89 = tpu.memref_slice %arg2[%dma_wait3A_87, %dma_wait3A_88] : memref<10240x128xf32, #tpu.memory_space<hbm>> -> memref<10240x128xf32, #tpu.memory_space<hbm>>
      tpu.wait_indirect_dma semaphore(%arg22 : memref<!tpu.dma_semaphore, #tpu.memory_space<semaphore_mem>>) src(%dma_wait3A_89 : memref<10240x128xf32, #tpu.memory_space<hbm>>) dst(%arg13 : memref<64x128xf32, #tpu.memory_space<vmem>>)
      %mul3A_90 = arith.constant 10240 : i32
      %mul3A_91 = arith.muli %add3A, %mul3A_90 : i32
      %mul3A_92 = arith.constant 64 : i32
      %mul3A_93 = arith.muli %add3A_83, %mul3A_92 : i32
      %add3A_94 = arith.addi %mul3A_91, %mul3A_93 : i32
      %dma_wait3A_95 = tpu.memref_slice %arg4[%add3A_94] : memref<327680xi32, #tpu.memory_space<hbm>> -> memref<64xi32, #tpu.memory_space<hbm>>
      %dma_wait3A_96 = tpu.memref_slice %arg4[%add3A_94] : memref<327680xi32, #tpu.memory_space<hbm>> -> memref<64xi32, #tpu.memory_space<hbm>>
      tpu.wait_dma2 semaphore(%arg18 : memref<!tpu.dma_semaphore, #tpu.memory_space<semaphore_mem>>) src(%dma_wait3A_96 : memref<64xi32, #tpu.memory_space<hbm>>) dst(%arg9 : memref<64xi32, #tpu.memory_space<vmem>>)
      %dma_start3A_97 = arith.constant 0 : i32
      %dma_start3A_98 = arith.constant 0 : i32
      %dma_start3A_99 = tpu.memref_slice %arg16[%dma_start3A_97, %dma_start3A_98] : memref<10240x128xf32, #tpu.memory_space<vmem_shared>> -> memref<10240x128xf32, #tpu.memory_space<vmem_shared>>
      tpu.enqueue_indirect_dma source(%arg13 : memref<64x128xf32, #tpu.memory_space<vmem>>) target(%dma_start3A_99 : memref<10240x128xf32, #tpu.memory_space<vmem_shared>>) offsets(%arg9 : memref<64xi32, #tpu.memory_space<vmem>>) semaphore(%arg26 : memref<!tpu.dma_semaphore, #tpu.memory_space<semaphore_mem>>) {add = true}
      %add3A_100 = arith.constant 2 : i32
      %add3A_101 = arith.addi %add3A_64, %add3A_100 : i32
      %mul3A_102 = arith.constant 64 : i32
      %mul3A_103 = arith.muli %add3A_101, %mul3A_102 : i32
      %dma_wait3A_104 = tpu.memref_slice %arg7[%mul3A_103] : memref<10240xi32, #tpu.memory_space<vmem>> -> memref<64xi32, #tpu.memory_space<vmem>>
      %dma_wait3A_105 = arith.constant 0 : i32
      %dma_wait3A_106 = arith.constant 0 : i32
      %dma_wait3A_107 = tpu.memref_slice %arg2[%dma_wait3A_105, %dma_wait3A_106] : memref<10240x128xf32, #tpu.memory_space<hbm>> -> memref<10240x128xf32, #tpu.memory_space<hbm>>
      tpu.wait_indirect_dma semaphore(%arg23 : memref<!tpu.dma_semaphore, #tpu.memory_space<semaphore_mem>>) src(%dma_wait3A_107 : memref<10240x128xf32, #tpu.memory_space<hbm>>) dst(%arg14 : memref<64x128xf32, #tpu.memory_space<vmem>>)
      %mul3A_108 = arith.constant 10240 : i32
      %mul3A_109 = arith.muli %add3A, %mul3A_108 : i32
      %mul3A_110 = arith.constant 64 : i32
      %mul3A_111 = arith.muli %add3A_101, %mul3A_110 : i32
      %add3A_112 = arith.addi %mul3A_109, %mul3A_111 : i32
      %dma_wait3A_113 = tpu.memref_slice %arg4[%add3A_112] : memref<327680xi32, #tpu.memory_space<hbm>> -> memref<64xi32, #tpu.memory_space<hbm>>
      %dma_wait3A_114 = tpu.memref_slice %arg4[%add3A_112] : memref<327680xi32, #tpu.memory_space<hbm>> -> memref<64xi32, #tpu.memory_space<hbm>>
      tpu.wait_dma2 semaphore(%arg19 : memref<!tpu.dma_semaphore, #tpu.memory_space<semaphore_mem>>) src(%dma_wait3A_114 : memref<64xi32, #tpu.memory_space<hbm>>) dst(%arg10 : memref<64xi32, #tpu.memory_space<vmem>>)
      %dma_start3A_115 = arith.constant 0 : i32
      %dma_start3A_116 = arith.constant 0 : i32
      %dma_start3A_117 = tpu.memref_slice %arg16[%dma_start3A_115, %dma_start3A_116] : memref<10240x128xf32, #tpu.memory_space<vmem_shared>> -> memref<10240x128xf32, #tpu.memory_space<vmem_shared>>
      tpu.enqueue_indirect_dma source(%arg14 : memref<64x128xf32, #tpu.memory_space<vmem>>) target(%dma_start3A_117 : memref<10240x128xf32, #tpu.memory_space<vmem_shared>>) offsets(%arg10 : memref<64xi32, #tpu.memory_space<vmem>>) semaphore(%arg27 : memref<!tpu.dma_semaphore, #tpu.memory_space<semaphore_mem>>) {add = true}
      %add3A_118 = arith.constant 3 : i32
      %add3A_119 = arith.addi %add3A_64, %add3A_118 : i32
      %mul3A_120 = arith.constant 64 : i32
      %mul3A_121 = arith.muli %add3A_119, %mul3A_120 : i32
      %dma_wait3A_122 = tpu.memref_slice %arg7[%mul3A_121] : memref<10240xi32, #tpu.memory_space<vmem>> -> memref<64xi32, #tpu.memory_space<vmem>>
      %dma_wait3A_123 = arith.constant 0 : i32
      %dma_wait3A_124 = arith.constant 0 : i32
      %dma_wait3A_125 = tpu.memref_slice %arg2[%dma_wait3A_123, %dma_wait3A_124] : memref<10240x128xf32, #tpu.memory_space<hbm>> -> memref<10240x128xf32, #tpu.memory_space<hbm>>
      tpu.wait_indirect_dma semaphore(%arg24 : memref<!tpu.dma_semaphore, #tpu.memory_space<semaphore_mem>>) src(%dma_wait3A_125 : memref<10240x128xf32, #tpu.memory_space<hbm>>) dst(%arg15 : memref<64x128xf32, #tpu.memory_space<vmem>>)
      %mul3A_126 = arith.constant 10240 : i32
      %mul3A_127 = arith.muli %add3A, %mul3A_126 : i32
      %mul3A_128 = arith.constant 64 : i32
      %mul3A_129 = arith.muli %add3A_119, %mul3A_128 : i32
      %add3A_130 = arith.addi %mul3A_127, %mul3A_129 : i32
      %dma_wait3A_131 = tpu.memref_slice %arg4[%add3A_130] : memref<327680xi32, #tpu.memory_space<hbm>> -> memref<64xi32, #tpu.memory_space<hbm>>
      %dma_wait3A_132 = tpu.memref_slice %arg4[%add3A_130] : memref<327680xi32, #tpu.memory_space<hbm>> -> memref<64xi32, #tpu.memory_space<hbm>>
      tpu.wait_dma2 semaphore(%arg20 : memref<!tpu.dma_semaphore, #tpu.memory_space<semaphore_mem>>) src(%dma_wait3A_132 : memref<64xi32, #tpu.memory_space<hbm>>) dst(%arg11 : memref<64xi32, #tpu.memory_space<vmem>>)
      %dma_start3A_133 = arith.constant 0 : i32
      %dma_start3A_134 = arith.constant 0 : i32
      %dma_start3A_135 = tpu.memref_slice %arg16[%dma_start3A_133, %dma_start3A_134] : memref<10240x128xf32, #tpu.memory_space<vmem_shared>> -> memref<10240x128xf32, #tpu.memory_space<vmem_shared>>
      tpu.enqueue_indirect_dma source(%arg15 : memref<64x128xf32, #tpu.memory_space<vmem>>) target(%dma_start3A_135 : memref<10240x128xf32, #tpu.memory_space<vmem_shared>>) offsets(%arg11 : memref<64xi32, #tpu.memory_space<vmem>>) semaphore(%arg28 : memref<!tpu.dma_semaphore, #tpu.memory_space<semaphore_mem>>) {add = true}
      %add3A_136 = arith.constant 0 : i32
      %add3A_137 = arith.addi %add3A_64, %add3A_136 : i32
      %dma_wait3A_138 = arith.constant 0 : i32
      %dma_wait3A_139 = arith.constant 0 : i32
      %dma_wait3A_140 = tpu.memref_slice %arg16[%dma_wait3A_138, %dma_wait3A_139] : memref<10240x128xf32, #tpu.memory_space<vmem_shared>> -> memref<10240x128xf32, #tpu.memory_space<vmem_shared>>
      tpu.wait_indirect_dma semaphore(%arg25 : memref<!tpu.dma_semaphore, #tpu.memory_space<semaphore_mem>>) src(%arg12 : memref<64x128xf32, #tpu.memory_space<vmem>>) dst(%dma_wait3A_140 : memref<10240x128xf32, #tpu.memory_space<vmem_shared>>)
      %add3A_141 = arith.constant 4 : i32
      %add3A_142 = arith.addi %add3A_137, %add3A_141 : i32
      %lt3A = arith.constant 160 : i32
      %lt3A_143 = arith.cmpi slt, %add3A_142, %lt3A : i32
      %convert_element_type3A_144 = arith.extui %lt3A_143 : i1 to i32
      %cond3A_145 = arith.constant 0 : i32
      %cond3A_146 = arith.cmpi ne, %convert_element_type3A_144, %cond3A_145 : i32
      scf.if %cond3A_146 {
        %add3A_183 = arith.constant 4 : i32
        %add3A_184 = arith.addi %add3A_137, %add3A_183 : i32
        %mul3A_185 = arith.constant 10240 : i32
        %mul3A_186 = arith.muli %add3A, %mul3A_185 : i32
        %mul3A_187 = arith.constant 64 : i32
        %mul3A_188 = arith.muli %add3A_184, %mul3A_187 : i32
        %add3A_189 = arith.addi %mul3A_186, %mul3A_188 : i32
        %dma_start3A_190 = tpu.memref_slice %arg4[%add3A_189] : memref<327680xi32, #tpu.memory_space<hbm>> -> memref<64xi32, #tpu.memory_space<hbm>>
        %dma_start3A_191 = tpu.memref_slice %arg4[%add3A_189] : memref<327680xi32, #tpu.memory_space<hbm>> -> memref<64xi32, #tpu.memory_space<hbm>>
        tpu.enqueue_dma source(%dma_start3A_191 : memref<64xi32, #tpu.memory_space<hbm>>) target(%arg8 : memref<64xi32, #tpu.memory_space<vmem>>) target_semaphore(%arg17 : memref<!tpu.dma_semaphore, #tpu.memory_space<semaphore_mem>>)
        %add3A_192 = arith.constant 4 : i32
        %add3A_193 = arith.addi %add3A_137, %add3A_192 : i32
        %mul3A_194 = arith.constant 64 : i32
        %mul3A_195 = arith.muli %add3A_193, %mul3A_194 : i32
        %dma_start3A_196 = tpu.memref_slice %arg7[%mul3A_195] : memref<10240xi32, #tpu.memory_space<vmem>> -> memref<64xi32, #tpu.memory_space<vmem>>
        %dma_start3A_197 = arith.constant 0 : i32
        %dma_start3A_198 = arith.constant 0 : i32
        %dma_start3A_199 = tpu.memref_slice %arg2[%dma_start3A_197, %dma_start3A_198] : memref<10240x128xf32, #tpu.memory_space<hbm>> -> memref<10240x128xf32, #tpu.memory_space<hbm>>
        tpu.enqueue_indirect_dma source(%dma_start3A_199 : memref<10240x128xf32, #tpu.memory_space<hbm>>) target(%arg12 : memref<64x128xf32, #tpu.memory_space<vmem>>) offsets(%dma_start3A_196 : memref<64xi32, #tpu.memory_space<vmem>>) semaphore(%arg21 : memref<!tpu.dma_semaphore, #tpu.memory_space<semaphore_mem>>)
      } else {
      }
      %add3A_147 = arith.constant 1 : i32
      %add3A_148 = arith.addi %add3A_64, %add3A_147 : i32
      %dma_wait3A_149 = arith.constant 0 : i32
      %dma_wait3A_150 = arith.constant 0 : i32
      %dma_wait3A_151 = tpu.memref_slice %arg16[%dma_wait3A_149, %dma_wait3A_150] : memref<10240x128xf32, #tpu.memory_space<vmem_shared>> -> memref<10240x128xf32, #tpu.memory_space<vmem_shared>>
      tpu.wait_indirect_dma semaphore(%arg26 : memref<!tpu.dma_semaphore, #tpu.memory_space<semaphore_mem>>) src(%arg13 : memref<64x128xf32, #tpu.memory_space<vmem>>) dst(%dma_wait3A_151 : memref<10240x128xf32, #tpu.memory_space<vmem_shared>>)
      %add3A_152 = arith.constant 4 : i32
      %add3A_153 = arith.addi %add3A_148, %add3A_152 : i32
      %lt3A_154 = arith.constant 160 : i32
      %lt3A_155 = arith.cmpi slt, %add3A_153, %lt3A_154 : i32
      %convert_element_type3A_156 = arith.extui %lt3A_155 : i1 to i32
      %cond3A_157 = arith.constant 0 : i32
      %cond3A_158 = arith.cmpi ne, %convert_element_type3A_156, %cond3A_157 : i32
      scf.if %cond3A_158 {
        %add3A_183 = arith.constant 4 : i32
        %add3A_184 = arith.addi %add3A_148, %add3A_183 : i32
        %mul3A_185 = arith.constant 10240 : i32
        %mul3A_186 = arith.muli %add3A, %mul3A_185 : i32
        %mul3A_187 = arith.constant 64 : i32
        %mul3A_188 = arith.muli %add3A_184, %mul3A_187 : i32
        %add3A_189 = arith.addi %mul3A_186, %mul3A_188 : i32
        %dma_start3A_190 = tpu.memref_slice %arg4[%add3A_189] : memref<327680xi32, #tpu.memory_space<hbm>> -> memref<64xi32, #tpu.memory_space<hbm>>
        %dma_start3A_191 = tpu.memref_slice %arg4[%add3A_189] : memref<327680xi32, #tpu.memory_space<hbm>> -> memref<64xi32, #tpu.memory_space<hbm>>
        tpu.enqueue_dma source(%dma_start3A_191 : memref<64xi32, #tpu.memory_space<hbm>>) target(%arg9 : memref<64xi32, #tpu.memory_space<vmem>>) target_semaphore(%arg18 : memref<!tpu.dma_semaphore, #tpu.memory_space<semaphore_mem>>)
        %add3A_192 = arith.constant 4 : i32
        %add3A_193 = arith.addi %add3A_148, %add3A_192 : i32
        %mul3A_194 = arith.constant 64 : i32
        %mul3A_195 = arith.muli %add3A_193, %mul3A_194 : i32
        %dma_start3A_196 = tpu.memref_slice %arg7[%mul3A_195] : memref<10240xi32, #tpu.memory_space<vmem>> -> memref<64xi32, #tpu.memory_space<vmem>>
        %dma_start3A_197 = arith.constant 0 : i32
        %dma_start3A_198 = arith.constant 0 : i32
        %dma_start3A_199 = tpu.memref_slice %arg2[%dma_start3A_197, %dma_start3A_198] : memref<10240x128xf32, #tpu.memory_space<hbm>> -> memref<10240x128xf32, #tpu.memory_space<hbm>>
        tpu.enqueue_indirect_dma source(%dma_start3A_199 : memref<10240x128xf32, #tpu.memory_space<hbm>>) target(%arg13 : memref<64x128xf32, #tpu.memory_space<vmem>>) offsets(%dma_start3A_196 : memref<64xi32, #tpu.memory_space<vmem>>) semaphore(%arg22 : memref<!tpu.dma_semaphore, #tpu.memory_space<semaphore_mem>>)
      } else {
      }
      %add3A_159 = arith.constant 2 : i32
      %add3A_160 = arith.addi %add3A_64, %add3A_159 : i32
      %dma_wait3A_161 = arith.constant 0 : i32
      %dma_wait3A_162 = arith.constant 0 : i32
      %dma_wait3A_163 = tpu.memref_slice %arg16[%dma_wait3A_161, %dma_wait3A_162] : memref<10240x128xf32, #tpu.memory_space<vmem_shared>> -> memref<10240x128xf32, #tpu.memory_space<vmem_shared>>
      tpu.wait_indirect_dma semaphore(%arg27 : memref<!tpu.dma_semaphore, #tpu.memory_space<semaphore_mem>>) src(%arg14 : memref<64x128xf32, #tpu.memory_space<vmem>>) dst(%dma_wait3A_163 : memref<10240x128xf32, #tpu.memory_space<vmem_shared>>)
      %add3A_164 = arith.constant 4 : i32
      %add3A_165 = arith.addi %add3A_160, %add3A_164 : i32
      %lt3A_166 = arith.constant 160 : i32
      %lt3A_167 = arith.cmpi slt, %add3A_165, %lt3A_166 : i32
      %convert_element_type3A_168 = arith.extui %lt3A_167 : i1 to i32
      %cond3A_169 = arith.constant 0 : i32
      %cond3A_170 = arith.cmpi ne, %convert_element_type3A_168, %cond3A_169 : i32
      scf.if %cond3A_170 {
        %add3A_183 = arith.constant 4 : i32
        %add3A_184 = arith.addi %add3A_160, %add3A_183 : i32
        %mul3A_185 = arith.constant 10240 : i32
        %mul3A_186 = arith.muli %add3A, %mul3A_185 : i32
        %mul3A_187 = arith.constant 64 : i32
        %mul3A_188 = arith.muli %add3A_184, %mul3A_187 : i32
        %add3A_189 = arith.addi %mul3A_186, %mul3A_188 : i32
        %dma_start3A_190 = tpu.memref_slice %arg4[%add3A_189] : memref<327680xi32, #tpu.memory_space<hbm>> -> memref<64xi32, #tpu.memory_space<hbm>>
        %dma_start3A_191 = tpu.memref_slice %arg4[%add3A_189] : memref<327680xi32, #tpu.memory_space<hbm>> -> memref<64xi32, #tpu.memory_space<hbm>>
        tpu.enqueue_dma source(%dma_start3A_191 : memref<64xi32, #tpu.memory_space<hbm>>) target(%arg10 : memref<64xi32, #tpu.memory_space<vmem>>) target_semaphore(%arg19 : memref<!tpu.dma_semaphore, #tpu.memory_space<semaphore_mem>>)
        %add3A_192 = arith.constant 4 : i32
        %add3A_193 = arith.addi %add3A_160, %add3A_192 : i32
        %mul3A_194 = arith.constant 64 : i32
        %mul3A_195 = arith.muli %add3A_193, %mul3A_194 : i32
        %dma_start3A_196 = tpu.memref_slice %arg7[%mul3A_195] : memref<10240xi32, #tpu.memory_space<vmem>> -> memref<64xi32, #tpu.memory_space<vmem>>
        %dma_start3A_197 = arith.constant 0 : i32
        %dma_start3A_198 = arith.constant 0 : i32
        %dma_start3A_199 = tpu.memref_slice %arg2[%dma_start3A_197, %dma_start3A_198] : memref<10240x128xf32, #tpu.memory_space<hbm>> -> memref<10240x128xf32, #tpu.memory_space<hbm>>
        tpu.enqueue_indirect_dma source(%dma_start3A_199 : memref<10240x128xf32, #tpu.memory_space<hbm>>) target(%arg14 : memref<64x128xf32, #tpu.memory_space<vmem>>) offsets(%dma_start3A_196 : memref<64xi32, #tpu.memory_space<vmem>>) semaphore(%arg23 : memref<!tpu.dma_semaphore, #tpu.memory_space<semaphore_mem>>)
      } else {
      }
      %add3A_171 = arith.constant 3 : i32
      %add3A_172 = arith.addi %add3A_64, %add3A_171 : i32
      %dma_wait3A_173 = arith.constant 0 : i32
      %dma_wait3A_174 = arith.constant 0 : i32
      %dma_wait3A_175 = tpu.memref_slice %arg16[%dma_wait3A_173, %dma_wait3A_174] : memref<10240x128xf32, #tpu.memory_space<vmem_shared>> -> memref<10240x128xf32, #tpu.memory_space<vmem_shared>>
      tpu.wait_indirect_dma semaphore(%arg28 : memref<!tpu.dma_semaphore, #tpu.memory_space<semaphore_mem>>) src(%arg15 : memref<64x128xf32, #tpu.memory_space<vmem>>) dst(%dma_wait3A_175 : memref<10240x128xf32, #tpu.memory_space<vmem_shared>>)
      %add3A_176 = arith.constant 4 : i32
      %add3A_177 = arith.addi %add3A_172, %add3A_176 : i32
      %lt3A_178 = arith.constant 160 : i32
      %lt3A_179 = arith.cmpi slt, %add3A_177, %lt3A_178 : i32
      %convert_element_type3A_180 = arith.extui %lt3A_179 : i1 to i32
      %cond3A_181 = arith.constant 0 : i32
      %cond3A_182 = arith.cmpi ne, %convert_element_type3A_180, %cond3A_181 : i32
      scf.if %cond3A_182 {
        %add3A_183 = arith.constant 4 : i32
        %add3A_184 = arith.addi %add3A_172, %add3A_183 : i32
        %mul3A_185 = arith.constant 10240 : i32
        %mul3A_186 = arith.muli %add3A, %mul3A_185 : i32
        %mul3A_187 = arith.constant 64 : i32
        %mul3A_188 = arith.muli %add3A_184, %mul3A_187 : i32
        %add3A_189 = arith.addi %mul3A_186, %mul3A_188 : i32
        %dma_start3A_190 = tpu.memref_slice %arg4[%add3A_189] : memref<327680xi32, #tpu.memory_space<hbm>> -> memref<64xi32, #tpu.memory_space<hbm>>
        %dma_start3A_191 = tpu.memref_slice %arg4[%add3A_189] : memref<327680xi32, #tpu.memory_space<hbm>> -> memref<64xi32, #tpu.memory_space<hbm>>
        tpu.enqueue_dma source(%dma_start3A_191 : memref<64xi32, #tpu.memory_space<hbm>>) target(%arg11 : memref<64xi32, #tpu.memory_space<vmem>>) target_semaphore(%arg20 : memref<!tpu.dma_semaphore, #tpu.memory_space<semaphore_mem>>)
        %add3A_192 = arith.constant 4 : i32
        %add3A_193 = arith.addi %add3A_172, %add3A_192 : i32
        %mul3A_194 = arith.constant 64 : i32
        %mul3A_195 = arith.muli %add3A_193, %mul3A_194 : i32
        %dma_start3A_196 = tpu.memref_slice %arg7[%mul3A_195] : memref<10240xi32, #tpu.memory_space<vmem>> -> memref<64xi32, #tpu.memory_space<vmem>>
        %dma_start3A_197 = arith.constant 0 : i32
        %dma_start3A_198 = arith.constant 0 : i32
        %dma_start3A_199 = tpu.memref_slice %arg2[%dma_start3A_197, %dma_start3A_198] : memref<10240x128xf32, #tpu.memory_space<hbm>> -> memref<10240x128xf32, #tpu.memory_space<hbm>>
        tpu.enqueue_indirect_dma source(%dma_start3A_199 : memref<10240x128xf32, #tpu.memory_space<hbm>>) target(%arg15 : memref<64x128xf32, #tpu.memory_space<vmem>>) offsets(%dma_start3A_196 : memref<64xi32, #tpu.memory_space<vmem>>) semaphore(%arg24 : memref<!tpu.dma_semaphore, #tpu.memory_space<semaphore_mem>>)
      } else {
      }
    }
    %scan3A_58 = arith.constant 40 : i32
    %barrier3A_59 = arith.constant 0 : index
    tpu.barrier barrier_id(%barrier3A_59)
    "tpu.region"() ({
      %run_scoped3A = tpu.sem_alloc : memref<!tpu.dma_semaphore, #tpu.memory_space<semaphore_mem>>
      %dma_start3A_60 = arith.constant 0 : i32
      %dma_start3A_61 = tpu.memref_slice %arg6[%arg0, %mul3A_2, %dma_start3A_60] : memref<2x10240x128xf32, #tpu.memory_space<hbm>> -> memref<1x640x128xf32, #tpu.memory_space<hbm>>
      %dma_start3A_62 = tpu.memref_squeeze %dma_start3A_61 : memref<1x640x128xf32, #tpu.memory_space<hbm>> -> memref<640x128xf32, #tpu.memory_space<hbm>>
      %dma_start3A_63 = arith.constant 0 : i32
      %dma_start3A_64 = tpu.memref_slice %arg16[%mul3A_2, %dma_start3A_63] : memref<10240x128xf32, #tpu.memory_space<vmem_shared>> -> memref<640x128xf32, #tpu.memory_space<vmem_shared>>
      tpu.enqueue_dma source(%dma_start3A_64 : memref<640x128xf32, #tpu.memory_space<vmem_shared>>) target(%dma_start3A_62 : memref<640x128xf32, #tpu.memory_space<hbm>>) target_semaphore(%run_scoped3A : memref<!tpu.dma_semaphore, #tpu.memory_space<semaphore_mem>>)
      %dma_wait3A = arith.constant 0 : i32
      %dma_wait3A_65 = tpu.memref_slice %arg6[%arg0, %mul3A_2, %dma_wait3A] : memref<2x10240x128xf32, #tpu.memory_space<hbm>> -> memref<1x640x128xf32, #tpu.memory_space<hbm>>
      %dma_wait3A_66 = tpu.memref_squeeze %dma_wait3A_65 : memref<1x640x128xf32, #tpu.memory_space<hbm>> -> memref<640x128xf32, #tpu.memory_space<hbm>>
      %dma_wait3A_67 = arith.constant 0 : i32
      %dma_wait3A_68 = tpu.memref_slice %arg16[%mul3A_2, %dma_wait3A_67] : memref<10240x128xf32, #tpu.memory_space<vmem_shared>> -> memref<640x128xf32, #tpu.memory_space<vmem_shared>>
      tpu.wait_dma2 semaphore(%run_scoped3A : memref<!tpu.dma_semaphore, #tpu.memory_space<semaphore_mem>>) src(%dma_wait3A_68 : memref<640x128xf32, #tpu.memory_space<vmem_shared>>) dst(%dma_wait3A_66 : memref<640x128xf32, #tpu.memory_space<hbm>>)
      tpu.yield
    }) : () -> ()
    return
  }
}

#map = affine_map<(d0, d1) -> (0, 0)>
#map1 = affine_map<(d0, d1) -> (0)>
#map2 = affine_map<(d0, d1) -> (0, 0, 0)>
module attributes {stable_mosaic.version = 14 : i64} {
  func.func @k(%arg0: i32, %arg1: i32, %arg2: memref<10240x128xf32, #tpu.memory_space<hbm>>, %arg3: memref<327680xi32, #tpu.memory_space<hbm>>, %arg4: memref<327680xi32, #tpu.memory_space<hbm>>, %arg5: memref<640x128xf32, #tpu.memory_space<hbm>>, %arg6: memref<2x10240x128xf32, #tpu.memory_space<hbm>>, %arg7: memref<10240xi32, #tpu.memory_space<vmem>>, %arg8: memref<64xi32, #tpu.memory_space<vmem>>, %arg9: memref<64xi32, #tpu.memory_space<vmem>>, %arg10: memref<64xi32, #tpu.memory_space<vmem>>, %arg11: memref<64xi32, #tpu.memory_space<vmem>>, %arg12: memref<64x128xf32, #tpu.memory_space<vmem>>, %arg13: memref<64x128xf32, #tpu.memory_space<vmem>>, %arg14: memref<64x128xf32, #tpu.memory_space<vmem>>, %arg15: memref<64x128xf32, #tpu.memory_space<vmem>>, %arg16: memref<10240x128xf32, #tpu.memory_space<vmem_shared>>, %arg17: memref<!tpu.dma_semaphore, #tpu.memory_space<semaphore_mem>>, %arg18: memref<!tpu.dma_semaphore, #tpu.memory_space<semaphore_mem>>, %arg19: memref<!tpu.dma_semaphore, #tpu.memory_space<semaphore_mem>>, %arg20: memref<!tpu.dma_semaphore, #tpu.memory_space<semaphore_mem>>, %arg21: memref<!tpu.dma_semaphore, #tpu.memory_space<semaphore_mem>>, %arg22: memref<!tpu.dma_semaphore, #tpu.memory_space<semaphore_mem>>, %arg23: memref<!tpu.dma_semaphore, #tpu.memory_space<semaphore_mem>>, %arg24: memref<!tpu.dma_semaphore, #tpu.memory_space<semaphore_mem>>, %arg25: memref<!tpu.dma_semaphore, #tpu.memory_space<semaphore_mem>>, %arg26: memref<!tpu.dma_semaphore, #tpu.memory_space<semaphore_mem>>, %arg27: memref<!tpu.dma_semaphore, #tpu.memory_space<semaphore_mem>>, %arg28: memref<!tpu.dma_semaphore, #tpu.memory_space<semaphore_mem>>) attributes {dimension_semantics = [#tpu.dimension_semantics<core_parallel>, #tpu.dimension_semantics<subcore_parallel>], iteration_bounds = array<i64: 2, 16>, scalar_prefetch = 0 : i64, scratch_operands = 22 : i64, tpu.core_type = #tpu.core_type<sc_vector_subcore>, window_params = [{transform_indices = #map}, {transform_indices = #map1}, {transform_indices = #map1}, {transform_indices = #map}, {transform_indices = #map2}]} {
    %mul3A = arith.constant 2 : i32
    %mul3A_0 = arith.muli %arg1, %mul3A : i32
    %add3A = arith.addi %mul3A_0, %arg0 : i32
    %mul3A_1 = arith.constant 640 : i32
    %mul3A_2 = arith.muli %arg1, %mul3A_1 : i32
    %eq3A = arith.constant 0 : i32
    %eq3A_3 = arith.cmpi eq, %arg0, %eq3A : i32
    %convert_element_type3A = arith.extui %eq3A_3 : i1 to i32
    %cond3A = arith.constant 0 : i32
    %cond3A_4 = arith.cmpi ne, %convert_element_type3A, %cond3A : i32
    scf.if %cond3A_4 {
      "tpu.region"() ({
        %run_scoped3A = tpu.sem_alloc : memref<!tpu.dma_semaphore, #tpu.memory_space<semaphore_mem>>
        %dma_start3A_60 = arith.constant 0 : i32
        %dma_start3A_61 = tpu.memref_slice %arg16[%mul3A_2, %dma_start3A_60] : memref<10240x128xf32, #tpu.memory_space<vmem_shared>> -> memref<640x128xf32, #tpu.memory_space<vmem_shared>>
        %dma_start3A_62 = arith.constant 0 : i32
        %dma_start3A_63 = tpu.memref_slice %arg2[%mul3A_2, %dma_start3A_62] : memref<10240x128xf32, #tpu.memory_space<hbm>> -> memref<640x128xf32, #tpu.memory_space<hbm>>
        tpu.enqueue_dma source(%dma_start3A_63 : memref<640x128xf32, #tpu.memory_space<hbm>>) target(%dma_start3A_61 : memref<640x128xf32, #tpu.memory_space<vmem_shared>>) target_semaphore(%run_scoped3A : memref<!tpu.dma_semaphore, #tpu.memory_space<semaphore_mem>>)
        %dma_wait3A = arith.constant 0 : i32
        %dma_wait3A_64 = tpu.memref_slice %arg16[%mul3A_2, %dma_wait3A] : memref<10240x128xf32, #tpu.memory_space<vmem_shared>> -> memref<640x128xf32, #tpu.memory_space<vmem_shared>>
        %dma_wait3A_65 = arith.constant 0 : i32
        %dma_wait3A_66 = tpu.memref_slice %arg2[%mul3A_2, %dma_wait3A_65] : memref<10240x128xf32, #tpu.memory_space<hbm>> -> memref<640x128xf32, #tpu.memory_space<hbm>>
        tpu.wait_dma2 semaphore(%run_scoped3A : memref<!tpu.dma_semaphore, #tpu.memory_space<semaphore_mem>>) src(%dma_wait3A_66 : memref<640x128xf32, #tpu.memory_space<hbm>>) dst(%dma_wait3A_64 : memref<640x128xf32, #tpu.memory_space<vmem_shared>>)
        tpu.yield
      }) : () -> ()
    } else {
    }
    %eq3A_5 = arith.constant 1 : i32
    %eq3A_6 = arith.cmpi eq, %arg0, %eq3A_5 : i32
    %convert_element_type3A_7 = arith.extui %eq3A_6 : i1 to i32
    %cond3A_8 = arith.constant 0 : i32
    %cond3A_9 = arith.cmpi ne, %convert_element_type3A_7, %cond3A_8 : i32
    scf.if %cond3A_9 {
      "tpu.region"() ({
        %run_scoped3A = tpu.sem_alloc : memref<!tpu.dma_semaphore, #tpu.memory_space<semaphore_mem>>
        %dma_start3A_60 = arith.constant 0 : i32
        %dma_start3A_61 = tpu.memref_slice %arg16[%mul3A_2, %dma_start3A_60] : memref<10240x128xf32, #tpu.memory_space<vmem_shared>> -> memref<640x128xf32, #tpu.memory_space<vmem_shared>>
        tpu.enqueue_dma source(%arg5 : memref<640x128xf32, #tpu.memory_space<hbm>>) target(%dma_start3A_61 : memref<640x128xf32, #tpu.memory_space<vmem_shared>>) target_semaphore(%run_scoped3A : memref<!tpu.dma_semaphore, #tpu.memory_space<semaphore_mem>>)
        %dma_wait3A = arith.constant 0 : i32
        %dma_wait3A_62 = tpu.memref_slice %arg16[%mul3A_2, %dma_wait3A] : memref<10240x128xf32, #tpu.memory_space<vmem_shared>> -> memref<640x128xf32, #tpu.memory_space<vmem_shared>>
        tpu.wait_dma2 semaphore(%run_scoped3A : memref<!tpu.dma_semaphore, #tpu.memory_space<semaphore_mem>>) src(%arg5 : memref<640x128xf32, #tpu.memory_space<hbm>>) dst(%dma_wait3A_62 : memref<640x128xf32, #tpu.memory_space<vmem_shared>>)
        tpu.yield
      }) : () -> ()
    } else {
    }
    %mul3A_10 = arith.constant 10240 : i32
    %mul3A_11 = arith.muli %add3A, %mul3A_10 : i32
    "tpu.region"() ({
      %run_scoped3A = tpu.sem_alloc : memref<!tpu.dma_semaphore, #tpu.memory_space<semaphore_mem>>
      %dma_start3A_60 = tpu.memref_slice %arg3[%mul3A_11] : memref<327680xi32, #tpu.memory_space<hbm>> -> memref<10240xi32, #tpu.memory_space<hbm>>
      %dma_start3A_61 = tpu.memref_slice %arg3[%mul3A_11] : memref<327680xi32, #tpu.memory_space<hbm>> -> memref<10240xi32, #tpu.memory_space<hbm>>
      tpu.enqueue_dma source(%dma_start3A_61 : memref<10240xi32, #tpu.memory_space<hbm>>) target(%arg7 : memref<10240xi32, #tpu.memory_space<vmem>>) target_semaphore(%run_scoped3A : memref<!tpu.dma_semaphore, #tpu.memory_space<semaphore_mem>>)
      %dma_wait3A = tpu.memref_slice %arg3[%mul3A_11] : memref<327680xi32, #tpu.memory_space<hbm>> -> memref<10240xi32, #tpu.memory_space<hbm>>
      %dma_wait3A_62 = tpu.memref_slice %arg3[%mul3A_11] : memref<327680xi32, #tpu.memory_space<hbm>> -> memref<10240xi32, #tpu.memory_space<hbm>>
      tpu.wait_dma2 semaphore(%run_scoped3A : memref<!tpu.dma_semaphore, #tpu.memory_space<semaphore_mem>>) src(%dma_wait3A_62 : memref<10240xi32, #tpu.memory_space<hbm>>) dst(%arg7 : memref<10240xi32, #tpu.memory_space<vmem>>)
      tpu.yield
    }) : () -> ()
    %barrier3A = arith.constant 0 : index
    tpu.barrier barrier_id(%barrier3A)
    %mul3A_12 = arith.constant 10240 : i32
    %mul3A_13 = arith.muli %add3A, %mul3A_12 : i32
    %add3A_14 = arith.constant 0 : i32
    %add3A_15 = arith.addi %mul3A_13, %add3A_14 : i32
    %dma_start3A = tpu.memref_slice %arg4[%add3A_15] : memref<327680xi32, #tpu.memory_space<hbm>> -> memref<64xi32, #tpu.memory_space<hbm>>
    %dma_start3A_16 = tpu.memref_slice %arg4[%add3A_15] : memref<327680xi32, #tpu.memory_space<hbm>> -> memref<64xi32, #tpu.memory_space<hbm>>
    tpu.enqueue_dma source(%dma_start3A_16 : memref<64xi32, #tpu.memory_space<hbm>>) target(%arg8 : memref<64xi32, #tpu.memory_space<vmem>>) target_semaphore(%arg17 : memref<!tpu.dma_semaphore, #tpu.memory_space<semaphore_mem>>)
    %dma_start3A_17 = arith.constant 0 : i32
    %dma_start3A_18 = tpu.memref_slice %arg7[%dma_start3A_17] : memref<10240xi32, #tpu.memory_space<vmem>> -> memref<64xi32, #tpu.memory_space<vmem>>
    %dma_start3A_19 = arith.constant 0 : i32
    %dma_start3A_20 = arith.constant 0 : i32
    %dma_start3A_21 = tpu.memref_slice %arg2[%dma_start3A_19, %dma_start3A_20] : memref<10240x128xf32, #tpu.memory_space<hbm>> -> memref<10240x128xf32, #tpu.memory_space<hbm>>
    tpu.enqueue_indirect_dma source(%dma_start3A_21 : memref<10240x128xf32, #tpu.memory_space<hbm>>) target(%arg12 : memref<64x128xf32, #tpu.memory_space<vmem>>) offsets(%dma_start3A_18 : memref<64xi32, #tpu.memory_space<vmem>>) semaphore(%arg21 : memref<!tpu.dma_semaphore, #tpu.memory_space<semaphore_mem>>)
    %mul3A_22 = arith.constant 10240 : i32
    %mul3A_23 = arith.muli %add3A, %mul3A_22 : i32
    %add3A_24 = arith.constant 64 : i32
    %add3A_25 = arith.addi %mul3A_23, %add3A_24 : i32
    %dma_start3A_26 = tpu.memref_slice %arg4[%add3A_25] : memref<327680xi32, #tpu.memory_space<hbm>> -> memref<64xi32, #tpu.memory_space<hbm>>
    %dma_start3A_27 = tpu.memref_slice %arg4[%add3A_25] : memref<327680xi32, #tpu.memory_space<hbm>> -> memref<64xi32, #tpu.memory_space<hbm>>
    tpu.enqueue_dma source(%dma_start3A_27 : memref<64xi32, #tpu.memory_space<hbm>>) target(%arg9 : memref<64xi32, #tpu.memory_space<vmem>>) target_semaphore(%arg18 : memref<!tpu.dma_semaphore, #tpu.memory_space<semaphore_mem>>)
    %dma_start3A_28 = arith.constant 64 : i32
    %dma_start3A_29 = tpu.memref_slice %arg7[%dma_start3A_28] : memref<10240xi32, #tpu.memory_space<vmem>> -> memref<64xi32, #tpu.memory_space<vmem>>
    %dma_start3A_30 = arith.constant 0 : i32
    %dma_start3A_31 = arith.constant 0 : i32
    %dma_start3A_32 = tpu.memref_slice %arg2[%dma_start3A_30, %dma_start3A_31] : memref<10240x128xf32, #tpu.memory_space<hbm>> -> memref<10240x128xf32, #tpu.memory_space<hbm>>
    tpu.enqueue_indirect_dma source(%dma_start3A_32 : memref<10240x128xf32, #tpu.memory_space<hbm>>) target(%arg13 : memref<64x128xf32, #tpu.memory_space<vmem>>) offsets(%dma_start3A_29 : memref<64xi32, #tpu.memory_space<vmem>>) semaphore(%arg22 : memref<!tpu.dma_semaphore, #tpu.memory_space<semaphore_mem>>)
    %mul3A_33 = arith.constant 10240 : i32
    %mul3A_34 = arith.muli %add3A, %mul3A_33 : i32
    %add3A_35 = arith.constant 128 : i32
    %add3A_36 = arith.addi %mul3A_34, %add3A_35 : i32
    %dma_start3A_37 = tpu.memref_slice %arg4[%add3A_36] : memref<327680xi32, #tpu.memory_space<hbm>> -> memref<64xi32, #tpu.memory_space<hbm>>
    %dma_start3A_38 = tpu.memref_slice %arg4[%add3A_36] : memref<327680xi32, #tpu.memory_space<hbm>> -> memref<64xi32, #tpu.memory_space<hbm>>
    tpu.enqueue_dma source(%dma_start3A_38 : memref<64xi32, #tpu.memory_space<hbm>>) target(%arg10 : memref<64xi32, #tpu.memory_space<vmem>>) target_semaphore(%arg19 : memref<!tpu.dma_semaphore, #tpu.memory_space<semaphore_mem>>)
    %dma_start3A_39 = arith.constant 128 : i32
    %dma_start3A_40 = tpu.memref_slice %arg7[%dma_start3A_39] : memref<10240xi32, #tpu.memory_space<vmem>> -> memref<64xi32, #tpu.memory_space<vmem>>
    %dma_start3A_41 = arith.constant 0 : i32
    %dma_start3A_42 = arith.constant 0 : i32
    %dma_start3A_43 = tpu.memref_slice %arg2[%dma_start3A_41, %dma_start3A_42] : memref<10240x128xf32, #tpu.memory_space<hbm>> -> memref<10240x128xf32, #tpu.memory_space<hbm>>
    tpu.enqueue_indirect_dma source(%dma_start3A_43 : memref<10240x128xf32, #tpu.memory_space<hbm>>) target(%arg14 : memref<64x128xf32, #tpu.memory_space<vmem>>) offsets(%dma_start3A_40 : memref<64xi32, #tpu.memory_space<vmem>>) semaphore(%arg23 : memref<!tpu.dma_semaphore, #tpu.memory_space<semaphore_mem>>)
    %mul3A_44 = arith.constant 10240 : i32
    %mul3A_45 = arith.muli %add3A, %mul3A_44 : i32
    %add3A_46 = arith.constant 192 : i32
    %add3A_47 = arith.addi %mul3A_45, %add3A_46 : i32
    %dma_start3A_48 = tpu.memref_slice %arg4[%add3A_47] : memref<327680xi32, #tpu.memory_space<hbm>> -> memref<64xi32, #tpu.memory_space<hbm>>
    %dma_start3A_49 = tpu.memref_slice %arg4[%add3A_47] : memref<327680xi32, #tpu.memory_space<hbm>> -> memref<64xi32, #tpu.memory_space<hbm>>
    tpu.enqueue_dma source(%dma_start3A_49 : memref<64xi32, #tpu.memory_space<hbm>>) target(%arg11 : memref<64xi32, #tpu.memory_space<vmem>>) target_semaphore(%arg20 : memref<!tpu.dma_semaphore, #tpu.memory_space<semaphore_mem>>)
    %dma_start3A_50 = arith.constant 192 : i32
    %dma_start3A_51 = tpu.memref_slice %arg7[%dma_start3A_50] : memref<10240xi32, #tpu.memory_space<vmem>> -> memref<64xi32, #tpu.memory_space<vmem>>
    %dma_start3A_52 = arith.constant 0 : i32
    %dma_start3A_53 = arith.constant 0 : i32
    %dma_start3A_54 = tpu.memref_slice %arg2[%dma_start3A_52, %dma_start3A_53] : memref<10240x128xf32, #tpu.memory_space<hbm>> -> memref<10240x128xf32, #tpu.memory_space<hbm>>
    tpu.enqueue_indirect_dma source(%dma_start3A_54 : memref<10240x128xf32, #tpu.memory_space<hbm>>) target(%arg15 : memref<64x128xf32, #tpu.memory_space<vmem>>) offsets(%dma_start3A_51 : memref<64xi32, #tpu.memory_space<vmem>>) semaphore(%arg24 : memref<!tpu.dma_semaphore, #tpu.memory_space<semaphore_mem>>)
    %scan3A = arith.constant 0 : i32
    %scan3A_55 = arith.constant 40 : i32
    %scan3A_56 = arith.addi %scan3A, %scan3A_55 : i32
    %scan3A_57 = arith.constant 1 : i32
    scf.for %scan3A_60 = %scan3A to %scan3A_56 step %scan3A_57  : i32 {
      %mul3A_61 = arith.constant 4 : i32
      %mul3A_62 = arith.muli %scan3A_60, %mul3A_61 : i32
      %add3A_63 = arith.constant 0 : i32
      %add3A_64 = arith.addi %add3A_63, %mul3A_62 : i32
      %add3A_65 = arith.constant 0 : i32
      %add3A_66 = arith.addi %add3A_64, %add3A_65 : i32
      %mul3A_67 = arith.constant 64 : i32
      %mul3A_68 = arith.muli %add3A_66, %mul3A_67 : i32
      %dma_wait3A = tpu.memref_slice %arg7[%mul3A_68] : memref<10240xi32, #tpu.memory_space<vmem>> -> memref<64xi32, #tpu.memory_space<vmem>>
      %dma_wait3A_69 = arith.constant 0 : i32
      %dma_wait3A_70 = arith.constant 0 : i32
      %dma_wait3A_71 = tpu.memref_slice %arg2[%dma_wait3A_69, %dma_wait3A_70] : memref<10240x128xf32, #tpu.memory_space<hbm>> -> memref<10240x128xf32, #tpu.memory_space<hbm>>
      tpu.wait_indirect_dma semaphore(%arg21 : memref<!tpu.dma_semaphore, #tpu.memory_space<semaphore_mem>>) src(%dma_wait3A_71 : memref<10240x128xf32, #tpu.memory_space<hbm>>) dst(%arg12 : memref<64x128xf32, #tpu.memory_space<vmem>>)
      %mul3A_72 = arith.constant 10240 : i32
      %mul3A_73 = arith.muli %add3A, %mul3A_72 : i32
      %mul3A_74 = arith.constant 64 : i32
      %mul3A_75 = arith.muli %add3A_66, %mul3A_74 : i32
      %add3A_76 = arith.addi %mul3A_73, %mul3A_75 : i32
      %dma_wait3A_77 = tpu.memref_slice %arg4[%add3A_76] : memref<327680xi32, #tpu.memory_space<hbm>> -> memref<64xi32, #tpu.memory_space<hbm>>
      %dma_wait3A_78 = tpu.memref_slice %arg4[%add3A_76] : memref<327680xi32, #tpu.memory_space<hbm>> -> memref<64xi32, #tpu.memory_space<hbm>>
      tpu.wait_dma2 semaphore(%arg17 : memref<!tpu.dma_semaphore, #tpu.memory_space<semaphore_mem>>) src(%dma_wait3A_78 : memref<64xi32, #tpu.memory_space<hbm>>) dst(%arg8 : memref<64xi32, #tpu.memory_space<vmem>>)
      %dma_start3A_79 = arith.constant 0 : i32
      %dma_start3A_80 = arith.constant 0 : i32
      %dma_start3A_81 = tpu.memref_slice %arg16[%dma_start3A_79, %dma_start3A_80] : memref<10240x128xf32, #tpu.memory_space<vmem_shared>> -> memref<10240x128xf32, #tpu.memory_space<vmem_shared>>
      tpu.enqueue_indirect_dma source(%arg12 : memref<64x128xf32, #tpu.memory_space<vmem>>) target(%dma_start3A_81 : memref<10240x128xf32, #tpu.memory_space<vmem_shared>>) offsets(%arg8 : memref<64xi32, #tpu.memory_space<vmem>>) semaphore(%arg25 : memref<!tpu.dma_semaphore, #tpu.memory_space<semaphore_mem>>) {add = true}
      %add3A_82 = arith.constant 1 : i32
      %add3A_83 = arith.addi %add3A_64, %add3A_82 : i32
      %mul3A_84 = arith.constant 64 : i32
      %mul3A_85 = arith.muli %add3A_83, %mul3A_84 : i32
      %dma_wait3A_86 = tpu.memref_slice %arg7[%mul3A_85] : memref<10240xi32, #tpu.memory_space<vmem>> -> memref<64xi32, #tpu.memory_space<vmem>>
      %dma_wait3A_87 = arith.constant 0 : i32
      %dma_wait3A_88 = arith.constant 0 : i32
      %dma_wait3A_89 = tpu.memref_slice %arg2[%dma_wait3A_87, %dma_wait3A_88] : memref<10240x128xf32, #tpu.memory_space<hbm>> -> memref<10240x128xf32, #tpu.memory_space<hbm>>
      tpu.wait_indirect_dma semaphore(%arg22 : memref<!tpu.dma_semaphore, #tpu.memory_space<semaphore_mem>>) src(%dma_wait3A_89 : memref<10240x128xf32, #tpu.memory_space<hbm>>) dst(%arg13 : memref<64x128xf32, #tpu.memory_space<vmem>>)
      %mul3A_90 = arith.constant 10240 : i32
      %mul3A_91 = arith.muli %add3A, %mul3A_90 : i32
      %mul3A_92 = arith.constant 64 : i32
      %mul3A_93 = arith.muli %add3A_83, %mul3A_92 : i32
      %add3A_94 = arith.addi %mul3A_91, %mul3A_93 : i32
      %dma_wait3A_95 = tpu.memref_slice %arg4[%add3A_94] : memref<327680xi32, #tpu.memory_space<hbm>> -> memref<64xi32, #tpu.memory_space<hbm>>
      %dma_wait3A_96 = tpu.memref_slice %arg4[%add3A_94] : memref<327680xi32, #tpu.memory_space<hbm>> -> memref<64xi32, #tpu.memory_space<hbm>>
      tpu.wait_dma2 semaphore(%arg18 : memref<!tpu.dma_semaphore, #tpu.memory_space<semaphore_mem>>) src(%dma_wait3A_96 : memref<64xi32, #tpu.memory_space<hbm>>) dst(%arg9 : memref<64xi32, #tpu.memory_space<vmem>>)
      %dma_start3A_97 = arith.constant 0 : i32
      %dma_start3A_98 = arith.constant 0 : i32
      %dma_start3A_99 = tpu.memref_slice %arg16[%dma_start3A_97, %dma_start3A_98] : memref<10240x128xf32, #tpu.memory_space<vmem_shared>> -> memref<10240x128xf32, #tpu.memory_space<vmem_shared>>
      tpu.enqueue_indirect_dma source(%arg13 : memref<64x128xf32, #tpu.memory_space<vmem>>) target(%dma_start3A_99 : memref<10240x128xf32, #tpu.memory_space<vmem_shared>>) offsets(%arg9 : memref<64xi32, #tpu.memory_space<vmem>>) semaphore(%arg26 : memref<!tpu.dma_semaphore, #tpu.memory_space<semaphore_mem>>) {add = true}
      %add3A_100 = arith.constant 2 : i32
      %add3A_101 = arith.addi %add3A_64, %add3A_100 : i32
      %mul3A_102 = arith.constant 64 : i32
      %mul3A_103 = arith.muli %add3A_101, %mul3A_102 : i32
      %dma_wait3A_104 = tpu.memref_slice %arg7[%mul3A_103] : memref<10240xi32, #tpu.memory_space<vmem>> -> memref<64xi32, #tpu.memory_space<vmem>>
      %dma_wait3A_105 = arith.constant 0 : i32
      %dma_wait3A_106 = arith.constant 0 : i32
      %dma_wait3A_107 = tpu.memref_slice %arg2[%dma_wait3A_105, %dma_wait3A_106] : memref<10240x128xf32, #tpu.memory_space<hbm>> -> memref<10240x128xf32, #tpu.memory_space<hbm>>
      tpu.wait_indirect_dma semaphore(%arg23 : memref<!tpu.dma_semaphore, #tpu.memory_space<semaphore_mem>>) src(%dma_wait3A_107 : memref<10240x128xf32, #tpu.memory_space<hbm>>) dst(%arg14 : memref<64x128xf32, #tpu.memory_space<vmem>>)
      %mul3A_108 = arith.constant 10240 : i32
      %mul3A_109 = arith.muli %add3A, %mul3A_108 : i32
      %mul3A_110 = arith.constant 64 : i32
      %mul3A_111 = arith.muli %add3A_101, %mul3A_110 : i32
      %add3A_112 = arith.addi %mul3A_109, %mul3A_111 : i32
      %dma_wait3A_113 = tpu.memref_slice %arg4[%add3A_112] : memref<327680xi32, #tpu.memory_space<hbm>> -> memref<64xi32, #tpu.memory_space<hbm>>
      %dma_wait3A_114 = tpu.memref_slice %arg4[%add3A_112] : memref<327680xi32, #tpu.memory_space<hbm>> -> memref<64xi32, #tpu.memory_space<hbm>>
      tpu.wait_dma2 semaphore(%arg19 : memref<!tpu.dma_semaphore, #tpu.memory_space<semaphore_mem>>) src(%dma_wait3A_114 : memref<64xi32, #tpu.memory_space<hbm>>) dst(%arg10 : memref<64xi32, #tpu.memory_space<vmem>>)
      %dma_start3A_115 = arith.constant 0 : i32
      %dma_start3A_116 = arith.constant 0 : i32
      %dma_start3A_117 = tpu.memref_slice %arg16[%dma_start3A_115, %dma_start3A_116] : memref<10240x128xf32, #tpu.memory_space<vmem_shared>> -> memref<10240x128xf32, #tpu.memory_space<vmem_shared>>
      tpu.enqueue_indirect_dma source(%arg14 : memref<64x128xf32, #tpu.memory_space<vmem>>) target(%dma_start3A_117 : memref<10240x128xf32, #tpu.memory_space<vmem_shared>>) offsets(%arg10 : memref<64xi32, #tpu.memory_space<vmem>>) semaphore(%arg27 : memref<!tpu.dma_semaphore, #tpu.memory_space<semaphore_mem>>) {add = true}
      %add3A_118 = arith.constant 3 : i32
      %add3A_119 = arith.addi %add3A_64, %add3A_118 : i32
      %mul3A_120 = arith.constant 64 : i32
      %mul3A_121 = arith.muli %add3A_119, %mul3A_120 : i32
      %dma_wait3A_122 = tpu.memref_slice %arg7[%mul3A_121] : memref<10240xi32, #tpu.memory_space<vmem>> -> memref<64xi32, #tpu.memory_space<vmem>>
      %dma_wait3A_123 = arith.constant 0 : i32
      %dma_wait3A_124 = arith.constant 0 : i32
      %dma_wait3A_125 = tpu.memref_slice %arg2[%dma_wait3A_123, %dma_wait3A_124] : memref<10240x128xf32, #tpu.memory_space<hbm>> -> memref<10240x128xf32, #tpu.memory_space<hbm>>
      tpu.wait_indirect_dma semaphore(%arg24 : memref<!tpu.dma_semaphore, #tpu.memory_space<semaphore_mem>>) src(%dma_wait3A_125 : memref<10240x128xf32, #tpu.memory_space<hbm>>) dst(%arg15 : memref<64x128xf32, #tpu.memory_space<vmem>>)
      %mul3A_126 = arith.constant 10240 : i32
      %mul3A_127 = arith.muli %add3A, %mul3A_126 : i32
      %mul3A_128 = arith.constant 64 : i32
      %mul3A_129 = arith.muli %add3A_119, %mul3A_128 : i32
      %add3A_130 = arith.addi %mul3A_127, %mul3A_129 : i32
      %dma_wait3A_131 = tpu.memref_slice %arg4[%add3A_130] : memref<327680xi32, #tpu.memory_space<hbm>> -> memref<64xi32, #tpu.memory_space<hbm>>
      %dma_wait3A_132 = tpu.memref_slice %arg4[%add3A_130] : memref<327680xi32, #tpu.memory_space<hbm>> -> memref<64xi32, #tpu.memory_space<hbm>>
      tpu.wait_dma2 semaphore(%arg20 : memref<!tpu.dma_semaphore, #tpu.memory_space<semaphore_mem>>) src(%dma_wait3A_132 : memref<64xi32, #tpu.memory_space<hbm>>) dst(%arg11 : memref<64xi32, #tpu.memory_space<vmem>>)
      %dma_start3A_133 = arith.constant 0 : i32
      %dma_start3A_134 = arith.constant 0 : i32
      %dma_start3A_135 = tpu.memref_slice %arg16[%dma_start3A_133, %dma_start3A_134] : memref<10240x128xf32, #tpu.memory_space<vmem_shared>> -> memref<10240x128xf32, #tpu.memory_space<vmem_shared>>
      tpu.enqueue_indirect_dma source(%arg15 : memref<64x128xf32, #tpu.memory_space<vmem>>) target(%dma_start3A_135 : memref<10240x128xf32, #tpu.memory_space<vmem_shared>>) offsets(%arg11 : memref<64xi32, #tpu.memory_space<vmem>>) semaphore(%arg28 : memref<!tpu.dma_semaphore, #tpu.memory_space<semaphore_mem>>) {add = true}
      %add3A_136 = arith.constant 0 : i32
      %add3A_137 = arith.addi %add3A_64, %add3A_136 : i32
      %dma_wait3A_138 = arith.constant 0 : i32
      %dma_wait3A_139 = arith.constant 0 : i32
      %dma_wait3A_140 = tpu.memref_slice %arg16[%dma_wait3A_138, %dma_wait3A_139] : memref<10240x128xf32, #tpu.memory_space<vmem_shared>> -> memref<10240x128xf32, #tpu.memory_space<vmem_shared>>
      tpu.wait_indirect_dma semaphore(%arg25 : memref<!tpu.dma_semaphore, #tpu.memory_space<semaphore_mem>>) src(%arg12 : memref<64x128xf32, #tpu.memory_space<vmem>>) dst(%dma_wait3A_140 : memref<10240x128xf32, #tpu.memory_space<vmem_shared>>)
      %add3A_141 = arith.constant 4 : i32
      %add3A_142 = arith.addi %add3A_137, %add3A_141 : i32
      %lt3A = arith.constant 160 : i32
      %lt3A_143 = arith.cmpi slt, %add3A_142, %lt3A : i32
      %convert_element_type3A_144 = arith.extui %lt3A_143 : i1 to i32
      %cond3A_145 = arith.constant 0 : i32
      %cond3A_146 = arith.cmpi ne, %convert_element_type3A_144, %cond3A_145 : i32
      scf.if %cond3A_146 {
        %add3A_183 = arith.constant 4 : i32
        %add3A_184 = arith.addi %add3A_137, %add3A_183 : i32
        %mul3A_185 = arith.constant 10240 : i32
        %mul3A_186 = arith.muli %add3A, %mul3A_185 : i32
        %mul3A_187 = arith.constant 64 : i32
        %mul3A_188 = arith.muli %add3A_184, %mul3A_187 : i32
        %add3A_189 = arith.addi %mul3A_186, %mul3A_188 : i32
        %dma_start3A_190 = tpu.memref_slice %arg4[%add3A_189] : memref<327680xi32, #tpu.memory_space<hbm>> -> memref<64xi32, #tpu.memory_space<hbm>>
        %dma_start3A_191 = tpu.memref_slice %arg4[%add3A_189] : memref<327680xi32, #tpu.memory_space<hbm>> -> memref<64xi32, #tpu.memory_space<hbm>>
        tpu.enqueue_dma source(%dma_start3A_191 : memref<64xi32, #tpu.memory_space<hbm>>) target(%arg8 : memref<64xi32, #tpu.memory_space<vmem>>) target_semaphore(%arg17 : memref<!tpu.dma_semaphore, #tpu.memory_space<semaphore_mem>>)
        %add3A_192 = arith.constant 4 : i32
        %add3A_193 = arith.addi %add3A_137, %add3A_192 : i32
        %mul3A_194 = arith.constant 64 : i32
        %mul3A_195 = arith.muli %add3A_193, %mul3A_194 : i32
        %dma_start3A_196 = tpu.memref_slice %arg7[%mul3A_195] : memref<10240xi32, #tpu.memory_space<vmem>> -> memref<64xi32, #tpu.memory_space<vmem>>
        %dma_start3A_197 = arith.constant 0 : i32
        %dma_start3A_198 = arith.constant 0 : i32
        %dma_start3A_199 = tpu.memref_slice %arg2[%dma_start3A_197, %dma_start3A_198] : memref<10240x128xf32, #tpu.memory_space<hbm>> -> memref<10240x128xf32, #tpu.memory_space<hbm>>
        tpu.enqueue_indirect_dma source(%dma_start3A_199 : memref<10240x128xf32, #tpu.memory_space<hbm>>) target(%arg12 : memref<64x128xf32, #tpu.memory_space<vmem>>) offsets(%dma_start3A_196 : memref<64xi32, #tpu.memory_space<vmem>>) semaphore(%arg21 : memref<!tpu.dma_semaphore, #tpu.memory_space<semaphore_mem>>)
      } else {
      }
      %add3A_147 = arith.constant 1 : i32
      %add3A_148 = arith.addi %add3A_64, %add3A_147 : i32
      %dma_wait3A_149 = arith.constant 0 : i32
      %dma_wait3A_150 = arith.constant 0 : i32
      %dma_wait3A_151 = tpu.memref_slice %arg16[%dma_wait3A_149, %dma_wait3A_150] : memref<10240x128xf32, #tpu.memory_space<vmem_shared>> -> memref<10240x128xf32, #tpu.memory_space<vmem_shared>>
      tpu.wait_indirect_dma semaphore(%arg26 : memref<!tpu.dma_semaphore, #tpu.memory_space<semaphore_mem>>) src(%arg13 : memref<64x128xf32, #tpu.memory_space<vmem>>) dst(%dma_wait3A_151 : memref<10240x128xf32, #tpu.memory_space<vmem_shared>>)
      %add3A_152 = arith.constant 4 : i32
      %add3A_153 = arith.addi %add3A_148, %add3A_152 : i32
      %lt3A_154 = arith.constant 160 : i32
      %lt3A_155 = arith.cmpi slt, %add3A_153, %lt3A_154 : i32
      %convert_element_type3A_156 = arith.extui %lt3A_155 : i1 to i32
      %cond3A_157 = arith.constant 0 : i32
      %cond3A_158 = arith.cmpi ne, %convert_element_type3A_156, %cond3A_157 : i32
      scf.if %cond3A_158 {
        %add3A_183 = arith.constant 4 : i32
        %add3A_184 = arith.addi %add3A_148, %add3A_183 : i32
        %mul3A_185 = arith.constant 10240 : i32
        %mul3A_186 = arith.muli %add3A, %mul3A_185 : i32
        %mul3A_187 = arith.constant 64 : i32
        %mul3A_188 = arith.muli %add3A_184, %mul3A_187 : i32
        %add3A_189 = arith.addi %mul3A_186, %mul3A_188 : i32
        %dma_start3A_190 = tpu.memref_slice %arg4[%add3A_189] : memref<327680xi32, #tpu.memory_space<hbm>> -> memref<64xi32, #tpu.memory_space<hbm>>
        %dma_start3A_191 = tpu.memref_slice %arg4[%add3A_189] : memref<327680xi32, #tpu.memory_space<hbm>> -> memref<64xi32, #tpu.memory_space<hbm>>
        tpu.enqueue_dma source(%dma_start3A_191 : memref<64xi32, #tpu.memory_space<hbm>>) target(%arg9 : memref<64xi32, #tpu.memory_space<vmem>>) target_semaphore(%arg18 : memref<!tpu.dma_semaphore, #tpu.memory_space<semaphore_mem>>)
        %add3A_192 = arith.constant 4 : i32
        %add3A_193 = arith.addi %add3A_148, %add3A_192 : i32
        %mul3A_194 = arith.constant 64 : i32
        %mul3A_195 = arith.muli %add3A_193, %mul3A_194 : i32
        %dma_start3A_196 = tpu.memref_slice %arg7[%mul3A_195] : memref<10240xi32, #tpu.memory_space<vmem>> -> memref<64xi32, #tpu.memory_space<vmem>>
        %dma_start3A_197 = arith.constant 0 : i32
        %dma_start3A_198 = arith.constant 0 : i32
        %dma_start3A_199 = tpu.memref_slice %arg2[%dma_start3A_197, %dma_start3A_198] : memref<10240x128xf32, #tpu.memory_space<hbm>> -> memref<10240x128xf32, #tpu.memory_space<hbm>>
        tpu.enqueue_indirect_dma source(%dma_start3A_199 : memref<10240x128xf32, #tpu.memory_space<hbm>>) target(%arg13 : memref<64x128xf32, #tpu.memory_space<vmem>>) offsets(%dma_start3A_196 : memref<64xi32, #tpu.memory_space<vmem>>) semaphore(%arg22 : memref<!tpu.dma_semaphore, #tpu.memory_space<semaphore_mem>>)
      } else {
      }
      %add3A_159 = arith.constant 2 : i32
      %add3A_160 = arith.addi %add3A_64, %add3A_159 : i32
      %dma_wait3A_161 = arith.constant 0 : i32
      %dma_wait3A_162 = arith.constant 0 : i32
      %dma_wait3A_163 = tpu.memref_slice %arg16[%dma_wait3A_161, %dma_wait3A_162] : memref<10240x128xf32, #tpu.memory_space<vmem_shared>> -> memref<10240x128xf32, #tpu.memory_space<vmem_shared>>
      tpu.wait_indirect_dma semaphore(%arg27 : memref<!tpu.dma_semaphore, #tpu.memory_space<semaphore_mem>>) src(%arg14 : memref<64x128xf32, #tpu.memory_space<vmem>>) dst(%dma_wait3A_163 : memref<10240x128xf32, #tpu.memory_space<vmem_shared>>)
      %add3A_164 = arith.constant 4 : i32
      %add3A_165 = arith.addi %add3A_160, %add3A_164 : i32
      %lt3A_166 = arith.constant 160 : i32
      %lt3A_167 = arith.cmpi slt, %add3A_165, %lt3A_166 : i32
      %convert_element_type3A_168 = arith.extui %lt3A_167 : i1 to i32
      %cond3A_169 = arith.constant 0 : i32
      %cond3A_170 = arith.cmpi ne, %convert_element_type3A_168, %cond3A_169 : i32
      scf.if %cond3A_170 {
        %add3A_183 = arith.constant 4 : i32
        %add3A_184 = arith.addi %add3A_160, %add3A_183 : i32
        %mul3A_185 = arith.constant 10240 : i32
        %mul3A_186 = arith.muli %add3A, %mul3A_185 : i32
        %mul3A_187 = arith.constant 64 : i32
        %mul3A_188 = arith.muli %add3A_184, %mul3A_187 : i32
        %add3A_189 = arith.addi %mul3A_186, %mul3A_188 : i32
        %dma_start3A_190 = tpu.memref_slice %arg4[%add3A_189] : memref<327680xi32, #tpu.memory_space<hbm>> -> memref<64xi32, #tpu.memory_space<hbm>>
        %dma_start3A_191 = tpu.memref_slice %arg4[%add3A_189] : memref<327680xi32, #tpu.memory_space<hbm>> -> memref<64xi32, #tpu.memory_space<hbm>>
        tpu.enqueue_dma source(%dma_start3A_191 : memref<64xi32, #tpu.memory_space<hbm>>) target(%arg10 : memref<64xi32, #tpu.memory_space<vmem>>) target_semaphore(%arg19 : memref<!tpu.dma_semaphore, #tpu.memory_space<semaphore_mem>>)
        %add3A_192 = arith.constant 4 : i32
        %add3A_193 = arith.addi %add3A_160, %add3A_192 : i32
        %mul3A_194 = arith.constant 64 : i32
        %mul3A_195 = arith.muli %add3A_193, %mul3A_194 : i32
        %dma_start3A_196 = tpu.memref_slice %arg7[%mul3A_195] : memref<10240xi32, #tpu.memory_space<vmem>> -> memref<64xi32, #tpu.memory_space<vmem>>
        %dma_start3A_197 = arith.constant 0 : i32
        %dma_start3A_198 = arith.constant 0 : i32
        %dma_start3A_199 = tpu.memref_slice %arg2[%dma_start3A_197, %dma_start3A_198] : memref<10240x128xf32, #tpu.memory_space<hbm>> -> memref<10240x128xf32, #tpu.memory_space<hbm>>
        tpu.enqueue_indirect_dma source(%dma_start3A_199 : memref<10240x128xf32, #tpu.memory_space<hbm>>) target(%arg14 : memref<64x128xf32, #tpu.memory_space<vmem>>) offsets(%dma_start3A_196 : memref<64xi32, #tpu.memory_space<vmem>>) semaphore(%arg23 : memref<!tpu.dma_semaphore, #tpu.memory_space<semaphore_mem>>)
      } else {
      }
      %add3A_171 = arith.constant 3 : i32
      %add3A_172 = arith.addi %add3A_64, %add3A_171 : i32
      %dma_wait3A_173 = arith.constant 0 : i32
      %dma_wait3A_174 = arith.constant 0 : i32
      %dma_wait3A_175 = tpu.memref_slice %arg16[%dma_wait3A_173, %dma_wait3A_174] : memref<10240x128xf32, #tpu.memory_space<vmem_shared>> -> memref<10240x128xf32, #tpu.memory_space<vmem_shared>>
      tpu.wait_indirect_dma semaphore(%arg28 : memref<!tpu.dma_semaphore, #tpu.memory_space<semaphore_mem>>) src(%arg15 : memref<64x128xf32, #tpu.memory_space<vmem>>) dst(%dma_wait3A_175 : memref<10240x128xf32, #tpu.memory_space<vmem_shared>>)
      %add3A_176 = arith.constant 4 : i32
      %add3A_177 = arith.addi %add3A_172, %add3A_176 : i32
      %lt3A_178 = arith.constant 160 : i32
      %lt3A_179 = arith.cmpi slt, %add3A_177, %lt3A_178 : i32
      %convert_element_type3A_180 = arith.extui %lt3A_179 : i1 to i32
      %cond3A_181 = arith.constant 0 : i32
      %cond3A_182 = arith.cmpi ne, %convert_element_type3A_180, %cond3A_181 : i32
      scf.if %cond3A_182 {
        %add3A_183 = arith.constant 4 : i32
        %add3A_184 = arith.addi %add3A_172, %add3A_183 : i32
        %mul3A_185 = arith.constant 10240 : i32
        %mul3A_186 = arith.muli %add3A, %mul3A_185 : i32
        %mul3A_187 = arith.constant 64 : i32
        %mul3A_188 = arith.muli %add3A_184, %mul3A_187 : i32
        %add3A_189 = arith.addi %mul3A_186, %mul3A_188 : i32
        %dma_start3A_190 = tpu.memref_slice %arg4[%add3A_189] : memref<327680xi32, #tpu.memory_space<hbm>> -> memref<64xi32, #tpu.memory_space<hbm>>
        %dma_start3A_191 = tpu.memref_slice %arg4[%add3A_189] : memref<327680xi32, #tpu.memory_space<hbm>> -> memref<64xi32, #tpu.memory_space<hbm>>
        tpu.enqueue_dma source(%dma_start3A_191 : memref<64xi32, #tpu.memory_space<hbm>>) target(%arg11 : memref<64xi32, #tpu.memory_space<vmem>>) target_semaphore(%arg20 : memref<!tpu.dma_semaphore, #tpu.memory_space<semaphore_mem>>)
        %add3A_192 = arith.constant 4 : i32
        %add3A_193 = arith.addi %add3A_172, %add3A_192 : i32
        %mul3A_194 = arith.constant 64 : i32
        %mul3A_195 = arith.muli %add3A_193, %mul3A_194 : i32
        %dma_start3A_196 = tpu.memref_slice %arg7[%mul3A_195] : memref<10240xi32, #tpu.memory_space<vmem>> -> memref<64xi32, #tpu.memory_space<vmem>>
        %dma_start3A_197 = arith.constant 0 : i32
        %dma_start3A_198 = arith.constant 0 : i32
        %dma_start3A_199 = tpu.memref_slice %arg2[%dma_start3A_197, %dma_start3A_198] : memref<10240x128xf32, #tpu.memory_space<hbm>> -> memref<10240x128xf32, #tpu.memory_space<hbm>>
        tpu.enqueue_indirect_dma source(%dma_start3A_199 : memref<10240x128xf32, #tpu.memory_space<hbm>>) target(%arg15 : memref<64x128xf32, #tpu.memory_space<vmem>>) offsets(%dma_start3A_196 : memref<64xi32, #tpu.memory_space<vmem>>) semaphore(%arg24 : memref<!tpu.dma_semaphore, #tpu.memory_space<semaphore_mem>>)
      } else {
      }
    }
    %scan3A_58 = arith.constant 40 : i32
    %barrier3A_59 = arith.constant 0 : index
    tpu.barrier barrier_id(%barrier3A_59)
    "tpu.region"() ({
      %run_scoped3A = tpu.sem_alloc : memref<!tpu.dma_semaphore, #tpu.memory_space<semaphore_mem>>
      %dma_start3A_60 = arith.constant 0 : i32
      %dma_start3A_61 = tpu.memref_slice %arg6[%arg0, %mul3A_2, %dma_start3A_60] : memref<2x10240x128xf32, #tpu.memory_space<hbm>> -> memref<1x640x128xf32, #tpu.memory_space<hbm>>
      %dma_start3A_62 = tpu.memref_squeeze %dma_start3A_61 : memref<1x640x128xf32, #tpu.memory_space<hbm>> -> memref<640x128xf32, #tpu.memory_space<hbm>>
      %dma_start3A_63 = arith.constant 0 : i32
      %dma_start3A_64 = tpu.memref_slice %arg16[%mul3A_2, %dma_start3A_63] : memref<10240x128xf32, #tpu.memory_space<vmem_shared>> -> memref<640x128xf32, #tpu.memory_space<vmem_shared>>
      tpu.enqueue_dma source(%dma_start3A_64 : memref<640x128xf32, #tpu.memory_space<vmem_shared>>) target(%dma_start3A_62 : memref<640x128xf32, #tpu.memory_space<hbm>>) target_semaphore(%run_scoped3A : memref<!tpu.dma_semaphore, #tpu.memory_space<semaphore_mem>>)
      %dma_wait3A = arith.constant 0 : i32
      %dma_wait3A_65 = tpu.memref_slice %arg6[%arg0, %mul3A_2, %dma_wait3A] : memref<2x10240x128xf32, #tpu.memory_space<hbm>> -> memref<1x640x128xf32, #tpu.memory_space<hbm>>
      %dma_wait3A_66 = tpu.memref_squeeze %dma_wait3A_65 : memref<1x640x128xf32, #tpu.memory_space<hbm>> -> memref<640x128xf32, #tpu.memory_space<hbm>>
      %dma_wait3A_67 = arith.constant 0 : i32
      %dma_wait3A_68 = tpu.memref_slice %arg16[%mul3A_2, %dma_wait3A_67] : memref<10240x128xf32, #tpu.memory_space<vmem_shared>> -> memref<640x128xf32, #tpu.memory_space<vmem_shared>>
      tpu.wait_dma2 semaphore(%run_scoped3A : memref<!tpu.dma_semaphore, #tpu.memory_space<semaphore_mem>>) src(%dma_wait3A_68 : memref<640x128xf32, #tpu.memory_space<vmem_shared>>) dst(%dma_wait3A_66 : memref<640x128xf32, #tpu.memory_space<hbm>>)
      tpu.yield
    }) : () -> ()
    return
  }
}

module attributes {stable_mosaic.version = 14 : i64} {
  func.func @body(%arg0: i32, %arg1: memref<1024x128xf32, #tpu.memory_space<vmem>>, %arg2: memref<1024x2xf32, #tpu.memory_space<vmem>>, %arg3: memref<1024x128xf32, #tpu.memory_space<vmem>>, %arg4: memref<1024x2xf32, #tpu.memory_space<vmem>>) attributes {dimension_semantics = [#tpu.dimension_semantics<arbitrary>], iteration_bounds = array<i64: 10>, scalar_prefetch = 0 : i64, scratch_operands = 0 : i64, tpu.core_type = #tpu.core_type<tc>, window_params = [{transform_indices = @transform_0, window_bounds = array<i64: 1024, 128>}, {transform_indices = @transform_1, window_bounds = array<i64: 1024, 2>}, {transform_indices = @transform_2, window_bounds = array<i64: 1024, 128>}, {transform_indices = @transform_3, window_bounds = array<i64: 1024, 2>}]} {
    %get3A = arith.constant 0 : index
    %get3A_0 = arith.constant 0 : index
    %get3A_1 = vector.load %arg2[%get3A, %get3A_0] : memref<1024x2xf32, #tpu.memory_space<vmem>>, vector<1024x2xf32>
    %add3A = arith.constant 1.000000e+00 : f32
    %add3A_2 = vector.broadcast %add3A : f32 to vector<1024x2xf32>
    %add3A_3 = arith.addf %get3A_1, %add3A_2 : vector<1024x2xf32>
    %rsqrt3A = math.rsqrt %add3A_3 : vector<1024x2xf32>
    %swap3A = arith.constant 0 : index
    %swap3A_4 = arith.constant 0 : index
    %swap3A_5 = vector.load %arg4[%swap3A, %swap3A_4] : memref<1024x2xf32, #tpu.memory_space<vmem>>, vector<1024x2xf32>
    tpu.vector_store %arg4[%swap3A, %swap3A_4], %rsqrt3A {strides = array<i32>} : memref<1024x2xf32, #tpu.memory_space<vmem>>, vector<1024x2xf32>,
    %get3A_6 = arith.constant 0 : index
    %get3A_7 = arith.constant 0 : index
    %get3A_8 = vector.load %arg1[%get3A_6, %get3A_7] : memref<1024x128xf32, #tpu.memory_space<vmem>>, vector<1024x128xf32>
    %slice3A = vector.extract_strided_slice %rsqrt3A {offsets = [0, 0], sizes = [1024, 1], strides = [1, 1]} : vector<1024x2xf32> to vector<1024x1xf32>
    %mul3A = vector.broadcast %slice3A : vector<1024x1xf32> to vector<1024x128xf32>
    %mul3A_9 = arith.mulf %get3A_8, %mul3A : vector<1024x128xf32>
    %swap3A_10 = arith.constant 0 : index
    %swap3A_11 = arith.constant 0 : index
    %swap3A_12 = vector.load %arg3[%swap3A_10, %swap3A_11] : memref<1024x128xf32, #tpu.memory_space<vmem>>, vector<1024x128xf32>
    tpu.vector_store %arg3[%swap3A_10, %swap3A_11], %mul3A_9 {strides = array<i32>} : memref<1024x128xf32, #tpu.memory_space<vmem>>, vector<1024x128xf32>,
    return
  }
  func.func @transform_0(%arg0: i32) -> (i32, i32) {
    %c0_i32 = arith.constant 0 : i32
    %c0_i32_0 = arith.constant 0 : i32
    return %arg0, %c0_i32 : i32, i32
  }
  func.func @transform_1(%arg0: i32) -> (i32, i32) {
    %c0_i32 = arith.constant 0 : i32
    %c0_i32_0 = arith.constant 0 : i32
    return %arg0, %c0_i32 : i32, i32
  }
  func.func @transform_2(%arg0: i32) -> (i32, i32) {
    %c0_i32 = arith.constant 0 : i32
    %c0_i32_0 = arith.constant 0 : i32
    return %arg0, %c0_i32 : i32, i32
  }
  func.func @transform_3(%arg0: i32) -> (i32, i32) {
    %c0_i32 = arith.constant 0 : i32
    %c0_i32_0 = arith.constant 0 : i32
    return %arg0, %c0_i32 : i32, i32
  }
}

module attributes {stable_mosaic.version = 14 : i64} {
  func.func @body(%arg0: i32, %arg1: memref<1024x128xf32, #tpu.memory_space<vmem>>, %arg2: memref<1024x128xf32, #tpu.memory_space<vmem>>, %arg3: memref<1024x2xf32, #tpu.memory_space<vmem>>, %arg4: memref<128x128xbf16, #tpu.memory_space<vmem>>, %arg5: memref<1x128xf32, #tpu.memory_space<vmem>>, %arg6: memref<1024x128xf32, #tpu.memory_space<vmem>>) attributes {dimension_semantics = [#tpu.dimension_semantics<arbitrary>], iteration_bounds = array<i64: 10>, scalar_prefetch = 0 : i64, scratch_operands = 0 : i64, tpu.core_type = #tpu.core_type<tc>, window_params = [{transform_indices = @transform_0, window_bounds = array<i64: 1024, 128>}, {transform_indices = @transform_1, window_bounds = array<i64: 1024, 128>}, {transform_indices = @transform_2, window_bounds = array<i64: 1024, 2>}, {pipeline_mode = #tpu.pipeline_mode<synchronous>, transform_indices = @transform_3, window_bounds = array<i64: 128, 128>}, {pipeline_mode = #tpu.pipeline_mode<synchronous>, transform_indices = @transform_4, window_bounds = array<i64: 1, 128>}, {transform_indices = @transform_5, window_bounds = array<i64: 1024, 128>}]} {
    %get3A = arith.constant 0 : index
    %get3A_0 = arith.constant 0 : index
    %get3A_1 = vector.load %arg3[%get3A, %get3A_0] : memref<1024x2xf32, #tpu.memory_space<vmem>>, vector<1024x2xf32>
    %get3A_2 = arith.constant 0 : index
    %get3A_3 = arith.constant 0 : index
    %get3A_4 = vector.load %arg1[%get3A_2, %get3A_3] : memref<1024x128xf32, #tpu.memory_space<vmem>>, vector<1024x128xf32>
    %get3A_5 = arith.constant 0 : index
    %get3A_6 = arith.constant 0 : index
    %get3A_7 = vector.load %arg2[%get3A_5, %get3A_6] : memref<1024x128xf32, #tpu.memory_space<vmem>>, vector<1024x128xf32>
    %add3A = arith.addf %get3A_4, %get3A_7 : vector<1024x128xf32>
    %slice3A = vector.extract_strided_slice %get3A_1 {offsets = [0, 1], sizes = [1024, 1], strides = [1, 1]} : vector<1024x2xf32> to vector<1024x1xf32>
    %mul3A = vector.broadcast %slice3A : vector<1024x1xf32> to vector<1024x128xf32>
    %mul3A_8 = arith.mulf %add3A, %mul3A : vector<1024x128xf32>
    %convert_element_type3A = arith.truncf %mul3A_8 : vector<1024x128xf32> to vector<1024x128xbf16>
    %get3A_9 = arith.constant 0 : index
    %get3A_10 = arith.constant 0 : index
    %get3A_11 = vector.load %arg4[%get3A_9, %get3A_10] : memref<128x128xbf16, #tpu.memory_space<vmem>>, vector<128x128xbf16>
    %dot_general3A = arith.constant dense<0.000000e+00> : vector<1024x128xf32>
    %dot_general3A_12 = tpu.matmul %convert_element_type3A, %get3A_11, %dot_general3A {dimension_numbers = #tpu.dot_dimension_numbers<[1], [0], [0], [1], [0, 0, 1, 1], [], []>, transpose_lhs_hint = false} : vector<1024x128xbf16>, vector<128x128xbf16>, vector<1024x128xf32> -> vector<1024x128xf32>
    %get3A_13 = arith.constant 0 : index
    %get3A_14 = arith.constant 0 : index
    %get3A_15 = vector.load %arg5[%get3A_13, %get3A_14] : memref<1x128xf32, #tpu.memory_space<vmem>>, vector<1x128xf32>
    %add3A_16 = vector.broadcast %get3A_15 : vector<1x128xf32> to vector<1024x128xf32>
    %add3A_17 = arith.addf %dot_general3A_12, %add3A_16 : vector<1024x128xf32>
    %max3A = arith.constant 0.000000e+00 : f32
    %max3A_18 = vector.broadcast %max3A : f32 to vector<1024x128xf32>
    %max3A_19 = arith.maximumf %add3A_17, %max3A_18 : vector<1024x128xf32>
    %slice3A_20 = vector.extract_strided_slice %get3A_1 {offsets = [0, 0], sizes = [1024, 1], strides = [1, 1]} : vector<1024x2xf32> to vector<1024x1xf32>
    %mul3A_21 = vector.broadcast %slice3A_20 : vector<1024x1xf32> to vector<1024x128xf32>
    %mul3A_22 = arith.mulf %max3A_19, %mul3A_21 : vector<1024x128xf32>
    %swap3A = arith.constant 0 : index
    %swap3A_23 = arith.constant 0 : index
    %swap3A_24 = vector.load %arg6[%swap3A, %swap3A_23] : memref<1024x128xf32, #tpu.memory_space<vmem>>, vector<1024x128xf32>
    tpu.vector_store %arg6[%swap3A, %swap3A_23], %mul3A_22 {strides = array<i32>} : memref<1024x128xf32, #tpu.memory_space<vmem>>, vector<1024x128xf32>,
    return
  }
  func.func @transform_0(%arg0: i32) -> (i32, i32) {
    %c0_i32 = arith.constant 0 : i32
    %c0_i32_0 = arith.constant 0 : i32
    return %arg0, %c0_i32 : i32, i32
  }
  func.func @transform_1(%arg0: i32) -> (i32, i32) {
    %c0_i32 = arith.constant 0 : i32
    %c0_i32_0 = arith.constant 0 : i32
    return %arg0, %c0_i32 : i32, i32
  }
  func.func @transform_2(%arg0: i32) -> (i32, i32) {
    %c0_i32 = arith.constant 0 : i32
    %c0_i32_0 = arith.constant 0 : i32
    return %arg0, %c0_i32 : i32, i32
  }
  func.func @transform_3(%arg0: i32) -> (i32, i32) {
    %c0_i32 = arith.constant 0 : i32
    %c0_i32_0 = arith.constant 0 : i32
    %c0_i32_1 = arith.constant 0 : i32
    return %c0_i32, %c0_i32_0 : i32, i32
  }
  func.func @transform_4(%arg0: i32) -> (i32, i32) {
    %c0_i32 = arith.constant 0 : i32
    %c0_i32_0 = arith.constant 0 : i32
    %c0_i32_1 = arith.constant 0 : i32
    return %c0_i32, %c0_i32_0 : i32, i32
  }
  func.func @transform_5(%arg0: i32) -> (i32, i32) {
    %c0_i32 = arith.constant 0 : i32
    %c0_i32_0 = arith.constant 0 : i32
    return %arg0, %c0_i32 : i32, i32
  }
}

module attributes {stable_mosaic.version = 14 : i64} {
  func.func @body(%arg0: i32, %arg1: memref<1024x128xf32, #tpu.memory_space<vmem>>, %arg2: memref<1024x128xf32, #tpu.memory_space<vmem>>, %arg3: memref<1024x2xf32, #tpu.memory_space<vmem>>, %arg4: memref<128x128xbf16, #tpu.memory_space<vmem>>, %arg5: memref<1x128xf32, #tpu.memory_space<vmem>>, %arg6: memref<1024x128xf32, #tpu.memory_space<vmem>>) attributes {dimension_semantics = [#tpu.dimension_semantics<arbitrary>], iteration_bounds = array<i64: 10>, scalar_prefetch = 0 : i64, scratch_operands = 0 : i64, tpu.core_type = #tpu.core_type<tc>, window_params = [{transform_indices = @transform_0, window_bounds = array<i64: 1024, 128>}, {transform_indices = @transform_1, window_bounds = array<i64: 1024, 128>}, {transform_indices = @transform_2, window_bounds = array<i64: 1024, 2>}, {pipeline_mode = #tpu.pipeline_mode<synchronous>, transform_indices = @transform_3, window_bounds = array<i64: 128, 128>}, {pipeline_mode = #tpu.pipeline_mode<synchronous>, transform_indices = @transform_4, window_bounds = array<i64: 1, 128>}, {transform_indices = @transform_5, window_bounds = array<i64: 1024, 128>}]} {
    %get3A = arith.constant 0 : index
    %get3A_0 = arith.constant 0 : index
    %get3A_1 = vector.load %arg3[%get3A, %get3A_0] : memref<1024x2xf32, #tpu.memory_space<vmem>>, vector<1024x2xf32>
    %get3A_2 = arith.constant 0 : index
    %get3A_3 = arith.constant 0 : index
    %get3A_4 = vector.load %arg1[%get3A_2, %get3A_3] : memref<1024x128xf32, #tpu.memory_space<vmem>>, vector<1024x128xf32>
    %get3A_5 = arith.constant 0 : index
    %get3A_6 = arith.constant 0 : index
    %get3A_7 = vector.load %arg2[%get3A_5, %get3A_6] : memref<1024x128xf32, #tpu.memory_space<vmem>>, vector<1024x128xf32>
    %add3A = arith.addf %get3A_4, %get3A_7 : vector<1024x128xf32>
    %slice3A = vector.extract_strided_slice %get3A_1 {offsets = [0, 1], sizes = [1024, 1], strides = [1, 1]} : vector<1024x2xf32> to vector<1024x1xf32>
    %mul3A = vector.broadcast %slice3A : vector<1024x1xf32> to vector<1024x128xf32>
    %mul3A_8 = arith.mulf %add3A, %mul3A : vector<1024x128xf32>
    %convert_element_type3A = arith.truncf %mul3A_8 : vector<1024x128xf32> to vector<1024x128xbf16>
    %get3A_9 = arith.constant 0 : index
    %get3A_10 = arith.constant 0 : index
    %get3A_11 = vector.load %arg4[%get3A_9, %get3A_10] : memref<128x128xbf16, #tpu.memory_space<vmem>>, vector<128x128xbf16>
    %dot_general3A = arith.constant dense<0.000000e+00> : vector<1024x128xf32>
    %dot_general3A_12 = tpu.matmul %convert_element_type3A, %get3A_11, %dot_general3A {dimension_numbers = #tpu.dot_dimension_numbers<[1], [0], [0], [1], [0, 0, 1, 1], [], []>, transpose_lhs_hint = false} : vector<1024x128xbf16>, vector<128x128xbf16>, vector<1024x128xf32> -> vector<1024x128xf32>
    %get3A_13 = arith.constant 0 : index
    %get3A_14 = arith.constant 0 : index
    %get3A_15 = vector.load %arg5[%get3A_13, %get3A_14] : memref<1x128xf32, #tpu.memory_space<vmem>>, vector<1x128xf32>
    %add3A_16 = vector.broadcast %get3A_15 : vector<1x128xf32> to vector<1024x128xf32>
    %add3A_17 = arith.addf %dot_general3A_12, %add3A_16 : vector<1024x128xf32>
    %swap3A = arith.constant 0 : index
    %swap3A_18 = arith.constant 0 : index
    %swap3A_19 = vector.load %arg6[%swap3A, %swap3A_18] : memref<1024x128xf32, #tpu.memory_space<vmem>>, vector<1024x128xf32>
    tpu.vector_store %arg6[%swap3A, %swap3A_18], %add3A_17 {strides = array<i32>} : memref<1024x128xf32, #tpu.memory_space<vmem>>, vector<1024x128xf32>,
    return
  }
  func.func @transform_0(%arg0: i32) -> (i32, i32) {
    %c0_i32 = arith.constant 0 : i32
    %c0_i32_0 = arith.constant 0 : i32
    return %arg0, %c0_i32 : i32, i32
  }
  func.func @transform_1(%arg0: i32) -> (i32, i32) {
    %c0_i32 = arith.constant 0 : i32
    %c0_i32_0 = arith.constant 0 : i32
    return %arg0, %c0_i32 : i32, i32
  }
  func.func @transform_2(%arg0: i32) -> (i32, i32) {
    %c0_i32 = arith.constant 0 : i32
    %c0_i32_0 = arith.constant 0 : i32
    return %arg0, %c0_i32 : i32, i32
  }
  func.func @transform_3(%arg0: i32) -> (i32, i32) {
    %c0_i32 = arith.constant 0 : i32
    %c0_i32_0 = arith.constant 0 : i32
    %c0_i32_1 = arith.constant 0 : i32
    return %c0_i32, %c0_i32_0 : i32, i32
  }
  func.func @transform_4(%arg0: i32) -> (i32, i32) {
    %c0_i32 = arith.constant 0 : i32
    %c0_i32_0 = arith.constant 0 : i32
    %c0_i32_1 = arith.constant 0 : i32
    return %c0_i32, %c0_i32_0 : i32, i32
  }
  func.func @transform_5(%arg0: i32) -> (i32, i32) {
    %c0_i32 = arith.constant 0 : i32
    %c0_i32_0 = arith.constant 0 : i32
    return %arg0, %c0_i32 : i32, i32
  }
}

</mosaic_0001>

<sc_bundles>
// kernel: kernel.10.cloned.1.call-start
scs
__scs_entry_jumppad:
0x0: {  	(pc) =	sbr.rel $0x88, $3  }
0x1: {  	(tag) =	ssettag $0x0;
	lr =	simm.s32 $0x1  }
0x2: {  	[smem:$0x3F99] =	sst lr;
	_ =	strace $0xD0000000  }
0x3: {  	_ = 	snop  }
0x4: {  	_ = 	snop  }
0x5: {  	_ = 	snop  }
0x6: {  	_ = 	snop  }
0x7: {  	_ = 	snop  }
__scs_overlays_trampoline_lowered:
0x8: {  	[smem:$0x3FA8] =	sst s0  }
0x9: {  	[smem:$0x3FA9] =	sst s1  }
0xa: {  	[smem:$0x3FAA] =	sst s2  }
0xb: {  	[smem:$0x3FAB] =	sst s3  }
0xc: {  	[smem:$0x3FAC] =	sst s4  }
0xd: {  	[smem:$0x3FAD] =	sst s5  }
0xe: {  	[smem:$0x3FAE] =	sst s6  }
0xf: {  	[smem:$0x3FAF] =	sst s7  }
0x10: {  	[smem:$0x3FB0] =	sst s8  }
0x11: {  	[smem:$0x3FB1] =	sst s9;
	s0 =	simm.s32 @!p0 $0x0  }
0x12: {  	s1 =	sld [smem:$0x3F97];
	s0 =	simm.s32 @p0 $0x1  }
0x13: {  	[smem:$0x3FB2] =	sst s0;
	s0 =	simm.s32 @!p1 $0x0  }
0x14: {  	s2 =	sld [smem:$0x3F96];
	s0 =	simm.s32 @p1 $0x1  }
0x15: {  	[smem:$0x3FB3] =	sst s0;
	s0 =	simm.s32 @!p2 $0x0  }
0x16: {  	s3 =	sld [smem:$0x3FDB];
	s0 =	simm.s32 @p2 $0x1  }
0x17: {  	s4 =	simm.s32 $0x1BF5;
	[smem:$0x3FB5] =	sst s0  }
0x18: {  	s0 =	sld [smem:$0x3F98];
	_ =	swait.ge [sflag:s4], $0x0  }
0x19: {  	s7 =	sld [smem:$0x3F99]  }
0x1a: {  	s8 =	sadd.s32 $0xFFFFE003, lr  }
0x1b: {  	s9 =	sadd.s32 $0xFFFFFEF7, lr;
	s5 =	simm.s32 $0xFFFFFFFF;
	p2 =	slt.u32 s8, $0xFFFFF086  }
0x1c: {  	p1 =	slt.u32 s9, $0xF7A;
	s5 =	simm.s32 @!p2 $0x0  }
0x1d: {  	s5 =	simm.s32 @p1 $0x1;
	p0 =	seq.s32 s7, s2  }
0x1e: {  	s7 =	smul.u32 @!p0 $0xF7A, s2;
	p2 =	seq.s32 @!p0 s5, $0x0  }
0x1f: {  	s9 =	smul.u32 $0xF7A, s1;
	s8 =	simm.s32 @!p0 $0x1BF5;
	p2 =	por !p2, p0  }
0x20: {  	[sflag:s8] =	ssyncset.s32 @!p0 $0xFFFFF086;
	s6 =	sadd.s32 @!p0 s3, s7;
	s7 =	simm.s32 @!p0 $0x108  }
0x21: {  	s3 =	sadd.s32 s3, s9;
	s6 =	sadd.s32 @!p0 $0x88, s6;
	s7 =	simm.s32 @p2 $0x1082  }
0x22: {  	[simem:s7], [sflag:s8] =	dma.local @!p0 [hbm:s6], $0xF7A  }
0x23: {  	s9 =	sor.u32 $0xD0000000, s2;
	s6 =	simm.s32 $0x108;
	_ =	swait.ge @!p0 [sflag:s8], $0x0  }
0x24: {  	s3 =	sadd.s32 $0x88, s3;
	s6 =	simm.s32 @!p1 $0x1082;
	[sflag:s4] =	ssyncset.s32 $0xFFFFF086  }
0x25: {  	[simem:s6], [sflag:s4] =	dma.local [hbm:s3], $0xF7A  }
0x26: {  	[smem:$0x3F99] =	sst s1;
	(tag) =	ssettag s2;
	_ =	strace s9  }
0x27: {  	s1 =	sld [smem:$0x3FA9]  }
0x28: {  	s2 =	sld [smem:$0x3FAA]  }
0x29: {  	s4 =	sld [smem:$0x3FAC]  }
0x2a: {  	p0 =	seq.s32 s5, $0x0;
	s5 =	sld [smem:$0x3FAD]  }
0x2b: {  	s6 =	sld [smem:$0x3FAE]  }
0x2c: {  	s7 =	sld [smem:$0x3FAF]  }
0x2d: {  	s3 =	simm.s32 $0x108;
	s8 =	sld [smem:$0x3FB0]  }
0x2e: {  	s3 =	simm.s32 @!p0 $0x1082;
	s9 =	sld [smem:$0x3FB1]  }
0x2f: {  	lr =	sadd.s32 s0, s3;
	s0 =	sld [smem:$0x3FA8]  }
0x30: {  	s3 =	sld [smem:$0x3FAB]  }
0x31: {  	[smem:$0x3FB4] =	sst s10  }
0x32: {  	s10 =	sld [smem:$0x3FB2];
	_ =	sdelay $0x3  }
0x33: {  	p0 =	seq.s32 s10, $0x1;
	s10 =	sld [smem:$0x3FB4];
	_ =	sdelay $0x3  }
0x34: {  	[smem:$0x3FB4] =	sst s10  }
0x35: {  	s10 =	sld [smem:$0x3FB3];
	_ =	sdelay $0x3  }
0x36: {  	p1 =	seq.s32 s10, $0x1;
	s10 =	sld [smem:$0x3FB4];
	_ =	sdelay $0x3  }
0x37: {  	[smem:$0x3FB4] =	sst s10  }
0x38: {  	s10 =	sld [smem:$0x3FB5]  }
0x39: {  	_ = 	snop;
	(pc) =	sbr.ind lr, $3  }
0x3a: {  	_ = 	snop  }
0x3b: {  	_ = 	snop  }
0x3c: {  	p2 =	seq.s32 s10, $0x1;
	s10 =	sld [smem:$0x3FB4]  }
0x3d: {  	_ =	shalt  }
0x3e: {  	_ =	shalt  }
0x3f: {  	_ =	shalt  }
0x40: {  	_ =	shalt  }
0x41: {  	_ =	shalt  }
0x42: {  	_ =	shalt  }
0x43: {  	_ =	shalt  }
0x44: {  	_ =	shalt  }
0x45: {  	_ =	shalt  }
0x46: {  	_ =	shalt  }
0x47: {  	_ =	shalt  }
0x48: {  	_ =	shalt  }
0x49: {  	_ =	shalt  }
0x4a: {  	_ =	shalt  }
0x4b: {  	_ =	shalt  }
0x4c: {  	_ =	shalt  }
0x4d: {  	_ =	shalt  }
0x4e: {  	_ =	shalt  }
0x4f: {  	_ =	shalt  }
0x50: {  	_ =	shalt  }
0x51: {  	_ =	shalt  }
0x52: {  	_ =	shalt  }
0x53: {  	_ =	shalt  }
0x54: {  	_ =	shalt  }
0x55: {  	_ =	shalt  }
0x56: {  	_ =	shalt  }
0x57: {  	_ =	shalt  }
0x58: {  	_ =	shalt  }
0x59: {  	_ =	shalt  }
0x5a: {  	_ =	shalt  }
0x5b: {  	_ =	shalt  }
0x5c: {  	_ =	shalt  }
0x5d: {  	_ =	shalt  }
0x5e: {  	_ =	shalt  }
0x5f: {  	_ =	shalt  }
0x60: {  	_ =	shalt  }
0x61: {  	_ =	shalt  }
0x62: {  	_ =	shalt  }
0x63: {  	_ =	shalt  }
0x64: {  	_ =	shalt  }
0x65: {  	_ =	shalt  }
0x66: {  	_ =	shalt  }
0x67: {  	_ =	shalt  }
0x68: {  	_ =	shalt  }
0x69: {  	_ =	shalt  }
0x6a: {  	_ =	shalt  }
0x6b: {  	_ =	shalt  }
0x6c: {  	_ =	shalt  }
0x6d: {  	_ =	shalt  }
0x6e: {  	_ =	shalt  }
0x6f: {  	_ =	shalt  }
0x70: {  	_ =	shalt  }
0x71: {  	_ =	shalt  }
0x72: {  	_ =	shalt  }
0x73: {  	_ =	shalt  }
0x74: {  	_ =	shalt  }
0x75: {  	_ =	shalt  }
0x76: {  	_ =	shalt  }
0x77: {  	_ =	shalt  }
0x78: {  	_ =	shalt  }
0x79: {  	_ =	shalt  }
0x7a: {  	_ =	shalt  }
0x7b: {  	_ =	shalt  }
0x7c: {  	_ =	shalt  }
0x7d: {  	_ =	shalt  }
0x7e: {  	_ =	shalt  }
0x7f: {  	_ =	shalt  }
0x80: {  	_ =	shalt  }
0x81: {  	_ =	shalt  }
0x82: {  	_ =	shalt  }
0x83: {  	_ =	shalt  }
0x84: {  	_ =	shalt  }
0x85: {  	_ =	shalt  }
0x86: {  	_ =	shalt  }
0x87: {  	_ =	shalt  }
.Lfunc_end0:
.L_simem_size_0:
called_computation_lowered:
.L_overlay_start_0:
0x88: {  	s2 =	sld [smem:$0x3FD9]  }
0x89: {  	s3 =	sld [smem:$0x3FFE];
	_ =	sdelay $0x1  }
0x8a: {  	s1 =	srdreg.scid  }
0x8b: {  	s0 =	sand.u32 $0x1, s1  }
0x8c: {  	s17 =	sshll.u32 s0, $0xA;
	s2 =	sadd.s32 s3, s2  }
0x8d: {  	s2 =	sadd.s32 s2, s17  }
0x8e: {  	[smem:$0x3FC0] =	sst s2  }
0x8f: {  	_ = 	snop  }
0x90: {  	s2 =	sld [smem:$0x3FD0];
	(tm) =	ssettm $0x1  }
0x91: {  	s18 =	sld [smem:$0x3FFB];
	_ =	sdelay $0x3  }
0x92: {  	_ =	strace s18  }
0x93: {  	s3 =	sld [smem:$0x3FFC];
	_ =	sdelay $0x3  }
0x94: {  	_ =	strace s3  }
0x95: {  	s3 =	sld [smem:$0x3FFD];
	_ =	sdelay $0x3  }
0x96: {  	_ =	strace s3  }
0x97: {  	_ =	strace $0x8FFFFFFF  }
0x98: {  	s19 =	sld [smem:$0x3FDB];
	_ =	sdelay $0x1  }
0x99: {  	s4 =	simm.s32 $_scs_section_size  }
0x9a: {  	s5 =	simm.s32 $_size__tile_overlayer_lowered;
	s6 =	simm.s32 $_tile_overlayer_lowered  }
0x9b: {  	s22 =	simm.s32 $0x1BFF;
	s21 =	sshll.u32 s6, $0x1;
	s3 =	sadd.s32 s4, s19  }
0x9c: {  	s7 =	simm.s32 $0x0;
	s20 =	sshll.u32 s5, $0x1;
	s5 =	sadd.s32 s21, s3  }
0x9d: {  	[timem:s7], [sflag:s22] =	dma.local [hbm:s5], s20  }
0x9e: {  	_ =	swait.ge [sflag:s22], s20  }
0x9f: {  	s4 =	ssub.s32 $0x0, s20;
	[sflag:s22] =	ssyncset.done $0x0  }
0xa0: {  	[sflag:s22] =	ssyncadd.s32 s4;
	_ =	sdelay $0x1  }
0xa1: {  	s23 =	simm.s32 $0x1B8B  }
0xa2: {  	_ =	swait.ge [sflag:s23], $0x1  }
0xa3: {  	[sflag:s23] =	ssyncset.done $0x0  }
0xa4: {  	s25 =	simm.s32 $0x1B8E;
	s24 =	sld [smem:$0x3FFE];
	[sflag:s23] =	ssyncadd.s32 $0xFFFFFFFF  }
0xa5: {  	s26 =	simm.s32 $execute0_lowered;
	[smem:$0x3FD2] =	sst s25  }
0xa6: {  	s5 =	sshll.u32 s26, $0x1;
	_ =	strace $0x80000046;
	[dreg:$0x1] =	wrdreg $0xFFFFFFFF  }
0xa7: {  	s28 =	simm.s32 $_size_execute0_lowered;
	s3 =	sadd.s32 s3, s5;
	[dreg:$0x0] =	wrdreg $0x0  }
0xa8: {  	s5 =	sshll.u32 s28, $0x1;
	[dreg:$0x2] =	wrdreg s3  }
0xa9: {  	[dreg:$0x3] =	wrdreg s5  }
0xaa: {  	[dreg:$0x4] =	wrdreg $0xC0  }
0xab: {  	_ =	task [dreg:s7], $0x5FFFF  }
0xac: {  	[dreg:$0x1] =	wrdreg $0xFFFFFFFF  }
0xad: {  	[dreg:$0x0] =	wrdreg $0x60  }
0xae: {  	[dreg:$0x2] =	wrdreg s2  }
0xaf: {  	[dreg:$0x3] =	wrdreg s24  }
0xb0: {  	[dreg:$0x4] =	wrdreg $0xA2800  }
0xb1: {  	[dreg:$0x5] =	wrdreg $0x9  }
0xb2: {  	_ =	task.clear_ibuf [dreg:s7], $0x6FFFF;
	_ =	strace $0x90000046  }
0xb3: {  	s29 =	simm.s32 $0x9;
	_ =	strace $0x80000048  }
0xb4: {  	_ =	swait.ge [sflag:s29], $0x1  }
0xb5: {  	[sflag:s29] =	ssyncadd.s32 $0xFFFFFFFF  }
0xb6: {  	_ =	strace $0x90000048  }
0xb7: {  	_ =	sfence  }
0xb8: {  	s30 =	sld [smem:$0x0];
	_ =	sdelay $0x2  }
0xb9: {  	s31 =	sshll.u32 s1, $0xD;
	s1 =	sshrl.u32 s1, $0x2  }
0xba: {  	s3 =	sand.u32 $0x4000, s31;
	s1 =	sadd.s32 s1, s30  }
0xbb: {  	s0 =	sor.u32 s3, s0;
	s1 =	sshll.u32 s1, $0x11  }
0xbc: {  	s0 =	sor.u32 s1, s0  }
0xbd: {  	s0 =	sadd.s32 $0x8F2B, s0  }
0xbe: {  	[sflag:s0] =	ssyncadd.remote.s32 $0x1  }
0xbf: {  	_ =	sfence.sel $0xFFFF  }
0xc0: {  	[dreg:$0x0] =	wrdreg $0xFFFFFFFF;
	(pc) =	sbr.abs _section_cstart, $3  }
0xc1: {  	[dreg:$0x1] =	wrdreg $0xFFFFFFFF  }
0xc2: {  	_ =	task.clear_ibuf [dreg:s7], $0x2FFFF;
	_ =	strace $0x9FFFFFFF  }
0xc3: {  	(tm) =	ssettm $0x7FFFFFFF  }
tec
execute0_lowered:
.L_overlay_start_1:
0x0: {  	(tag) =	ssettag $0x1  }
0x1: {  	s3 =	rddreg [dreg:$0x0];
	s1 =	srdreg.scid  }
0x2: {  	s0 =	stileid.u32;
	s4 =	rddreg [dreg:$0x1]  }
0x3: {  	s7 =	rddreg [dreg:$0x2];
	s2 =	simm.s32 $0x0;
	s12 =	simm.s32 $0x1400  }
0x4: {  	s13 =	simm.s32 $0x14000;
	s14 =	simm.s32 $0x7800;
	s6 =	smul.u32 $0x280, s0  }
0x5: {  	s15 =	simm.s32 $0xA000;
	s5 =	sand.u32 $0x1, s1;
	s9 =	smul.u32 $0x5000, s0  }
0x6: {  	s16 =	simm.s32 $0x0;
	s1 =	rddreg [dreg:$0x3];
	s8 =	smul.u32 $0x2800, s5  }
0x7: {  	[smem:$0x7FF] =	sst s2;
	s10 =	sshrl.u32 s0, $0x3;
	s26 =	smul.u32 $0x50000, s5  }
0x8: {  	s29 =	sshll.u32 s0, $0x7;
	s5 =	ssub.s32 $0x2, s5;
	s10 =	smul.u32 $0x50000, s10  }
0x9: {  	_ =	strace $0x80000047;
	s11 =	sshrl.u32 s5, $0x1;
	s31 =	sshrl.u32 s9, $0x2  }
0xa: {  	s6 =	sadd.s32 s6, s8;
	s11 =	ssub.s32 s5, s11;
	s28 =	sadd.s32 s9, s26  }
0xb: {  	s30 =	sshrl.u32 s10, $0x2;
	s5 =	sand.u32 $0x380, s29;
	s6 =	sshrl.u32 s6, $0x3  }
0xc: {  	s9 =	simm.s32 $0x5000;
	s6 =	sadd.s32 s6, s4;
	s4 =	sshrl.u32 s28, $0x3  }
0xd: {  	s10 =	simm.s32 $0x80;
	s8 =	sadd.s32 s30, s7;
	s3 =	sadd.s32 s3, s4  }
0xe: {  	s4 =	sadd.s32 s5, s8;
	s5 =	sadd.s32 s31, s7;
	s6 =	sadd.s32 $0x2C00, s6  }
0xf: {  	v0 =	vimm.f32 $0.0e+00;
	v1 =	vimm.f32 $1.000000000e+00;
	s7 =	smax.u32 s11, $0x1;
	s8 =	simm.s32 $0x1;
	s11 =	simm.s32 $0x400  }
.LBB2_1:
0x10: {  	s17 =	simm.s32 $0x40;
	s18 =	simm.s32 $0x0  }
.LBB2_2:
0x11: {  	p0 =	sne.s32 s17, $0x9FC0;
	[tilespmem:s18+$0x5000] =	vst v0;
	s18 =	smov.u32 s17;
	s17 =	sadd.s32 $0x40, s17  }
.Ltmp0:
0x12: {  	(pc) =	sbr.rel @p0 .LBB2_2-.Ltmp0, $2  }
0x13: {  	_ =	sdelay $0x2  }
0x14: {  	s18 =	sshra.s32 s18, $0x2  }
0x15: {  	[tilespmem:s18+$0x5000] =	vst v0;
	s17 =	simm.s32 $0x0  }
0x16: {  	[tilespmem:s17], [sflag:$0x1] =	stream.linear.gather [hbm4b:s3+s17], $0x5000, $0x38;
	[tilespmem:$0xCA80] =	vst v63  }
0x17: {  	_ =	swait.ge [sflag:s8], $0x5000  }
0x18: {  	[sflag:s8] =	ssyncset.done $0x0  }
0x19: {  	s18 =	simm.s32 $0x0;
	s17 =	simm.s32 $0x40;
	[sflag:s8] =	ssyncadd.s32 $0xFFFFB000  }
.LBB2_4:
0x1a: {  	p0 =	sne.s32 s17, $0x13FC0;
	v2 =	vld [tilespmem:s18+$0x0];
	_ =	sdelay $0x3  }
.Ltmp1:
0x1b: {  	(pc) =	sbr.rel @p0 .LBB2_4-.Ltmp1, $2  }
0x1c: {  	_ =	sdelay $0x2  }
0x1d: {  	s18 =	sshra.s32 s17, $0x2;
	s17 =	sadd.s32 $0x40, s17;
	[tilespmem:v2+s9+$0x0] =	vst.idx.add.f32.msk $0xffff, v1  }
0x1e: {  	v2 =	vld [tilespmem:s18+$0x0];
	_ =	sdelay $0x7  }
0x1f: {  	[tilespmem:v2+s9+$0x0] =	vst.idx.add.f32.msk $0xffff, v1  }
0x20: {  	[spmem:s4] =	stream.strided.scatter [tilespmem:s9], [sflag:$0x1], $0x2800, s11, s10, $0x38;
	[tilespmem:$0xCA80] =	vst v63  }
0x21: {  	_ =	swait.ge [sflag:s8], $0x2800  }
0x22: {  	[sflag:s8] =	ssyncset.done $0x0  }
0x23: {  	[sflag:s8] =	ssyncadd.s32 $0xFFFFD800  }
0x24: {  	[bflag:$0x0] =	sbarrier.arrive $0xFFFF  }
0x25: {  	[tilespmem:s14], [sflag:$0x1] =	stream.strided.gather [spmem:s5], $0x2800, s13, s12, $0x38;
	[tilespmem:$0xCA80] =	vst v63  }
0x26: {  	s17 =	simm.s32 $0x0;
	_ =	swait.ge [sflag:s8], $0x2800  }
0x27: {  	s30 =	sand.u32 $0x70, s17;
	s17 =	sand.u32 $0x1C00, s17;
	[sflag:s8] =	ssyncset.done $0x0  }
0x28: {  	s17 =	sor.u32 s30, s17;
	[sflag:s8] =	ssyncadd.s32 $0xFFFFD800  }
0x29: {  	v2 =	vld [tilespmem:s17+$0x7880]  }
0x2a: {  	v3 =	vld [tilespmem:s17+$0x7800];
	_ =	sdelay $0x1  }
0x2b: {  	v4 =	vld [tilespmem:s17+$0x7900];
	_ =	sdelay $0x1  }
0x2c: {  	v5 =	vld [tilespmem:s17+$0x7980]  }
0x2d: {  	v2 =	vadd.f32 v2, v3  }
0x2e: {  	v3 =	vld [tilespmem:s17+$0x7A00]  }
0x2f: {  	v2 =	vadd.f32 v4, v2  }
0x30: {  	v56 =	vld [tilespmem:s17+$0x7A80]  }
0x31: {  	v2 =	vadd.f32 v5, v2  }
0x32: {  	v57 =	vld [tilespmem:s17+$0x7B00]  }
0x33: {  	v2 =	vadd.f32 v3, v2  }
0x34: {  	v3 =	vld [tilespmem:s17+$0x7B80]  }
0x35: {  	v2 =	vadd.f32 v56, v2  }
0x36: {  	v58 =	vld [tilespmem:s17+$0x8C00]  }
0x37: {  	v2 =	vadd.f32 v57, v2  }
0x38: {  	v59 =	vld [tilespmem:s17+$0x8C80]  }
0x39: {  	v2 =	vadd.f32 v3, v2  }
0x3a: {  	v3 =	vld [tilespmem:s17+$0x8D00]  }
0x3b: {  	v2 =	vadd.f32 v58, v2  }
0x3c: {  	v60 =	vld [tilespmem:s17+$0x8D80]  }
0x3d: {  	v2 =	vadd.f32 v59, v2  }
0x3e: {  	v61 =	vld [tilespmem:s17+$0x8E00]  }
0x3f: {  	v2 =	vadd.f32 v3, v2  }
0x40: {  	v3 =	vld [tilespmem:s17+$0x8E80]  }
0x41: {  	v2 =	vadd.f32 v60, v2  }
0x42: {  	v62 =	vld [tilespmem:s17+$0x8F00]  }
0x43: {  	v2 =	vadd.f32 v61, v2  }
0x44: {  	v63 =	vld [tilespmem:s17+$0x8F80]  }
0x45: {  	v2 =	vadd.f32 v3, v2;
	_ =	sdelay $0x1  }
0x46: {  	v2 =	vadd.f32 v62, v2;
	_ =	sdelay $0x1  }
0x47: {  	s31 =	simm.s32 $0x10;
	s19 =	simm.s32 $0x80;
	v2 =	vadd.f32 v63, v2  }
0x48: {  	s18 =	sand.u32 $0x70, s31;
	s20 =	sand.u32 $0x1C00, s19;
	s17 =	simm.s32 $0xA000  }
0x49: {  	s18 =	sor.u32 s18, s20;
	s20 =	simm.s32 $0x20;
	[tilespmem:s17+$0x0] =	vst v2  }
.LBB2_6:
0x4a: {  	p0 =	sne.s32 s20, $0x270;
	v2 =	vld [tilespmem:s18+$0x7880]  }
0x4b: {  	v3 =	vld [tilespmem:s18+$0x7800];
	_ =	sdelay $0x1  }
0x4c: {  	v4 =	vld [tilespmem:s18+$0x7900];
	_ =	sdelay $0x1  }
0x4d: {  	v5 =	vld [tilespmem:s18+$0x7980]  }
0x4e: {  	v2 =	vadd.f32 v2, v3  }
0x4f: {  	v3 =	vld [tilespmem:s18+$0x7A00]  }
0x50: {  	v2 =	vadd.f32 v4, v2  }
0x51: {  	v4 =	vld [tilespmem:s18+$0x7A80]  }
0x52: {  	v2 =	vadd.f32 v5, v2  }
0x53: {  	v5 =	vld [tilespmem:s18+$0x7B00]  }
0x54: {  	v2 =	vadd.f32 v3, v2  }
0x55: {  	v3 =	vld [tilespmem:s18+$0x7B80]  }
0x56: {  	v2 =	vadd.f32 v4, v2  }
0x57: {  	v4 =	vld [tilespmem:s18+$0x8C00]  }
0x58: {  	v2 =	vadd.f32 v5, v2  }
0x59: {  	v5 =	vld [tilespmem:s18+$0x8C80]  }
0x5a: {  	v2 =	vadd.f32 v3, v2  }
0x5b: {  	v3 =	vld [tilespmem:s18+$0x8D00]  }
0x5c: {  	v2 =	vadd.f32 v4, v2  }
0x5d: {  	v4 =	vld [tilespmem:s18+$0x8D80]  }
0x5e: {  	v2 =	vadd.f32 v5, v2  }
0x5f: {  	v5 =	vld [tilespmem:s18+$0x8E00]  }
0x60: {  	v2 =	vadd.f32 v3, v2  }
0x61: {  	v3 =	vld [tilespmem:s18+$0x8E80]  }
0x62: {  	v2 =	vadd.f32 v4, v2  }
0x63: {  	v4 =	vld [tilespmem:s18+$0x8F00]  }
0x64: {  	v2 =	vadd.f32 v5, v2  }
0x65: {  	v5 =	vld [tilespmem:s18+$0x8F80]  }
0x66: {  	v2 =	vadd.f32 v3, v2;
	_ =	sdelay $0x1  }
.Ltmp2:
0x67: {  	v2 =	vadd.f32 v4, v2;
	(pc) =	sbr.rel @p0 .LBB2_6-.Ltmp2, $4  }
0x68: {  	_ = 	snop  }
0x69: {  	s19 =	sadd.s32 $0x80, s19;
	v2 =	vadd.f32 v5, v2  }
0x6a: {  	s17 =	sadd.s32 $0x10, s17;
	s21 =	sand.u32 $0x1C00, s19;
	s18 =	sand.u32 $0x70, s20  }
0x6b: {  	s20 =	sadd.s32 $0x10, s20;
	s18 =	sor.u32 s18, s21;
	[tilespmem:s17+$0x0] =	vst v2  }
0x6c: {  	v2 =	vld [tilespmem:s18+$0x7880]  }
0x6d: {  	v3 =	vld [tilespmem:s18+$0x7800];
	_ =	sdelay $0x1  }
0x6e: {  	v4 =	vld [tilespmem:s18+$0x7900];
	_ =	sdelay $0x1  }
0x6f: {  	v5 =	vld [tilespmem:s18+$0x7980]  }
0x70: {  	v2 =	vadd.f32 v2, v3  }
0x71: {  	v3 =	vld [tilespmem:s18+$0x7A00]  }
0x72: {  	v2 =	vadd.f32 v4, v2  }
0x73: {  	v56 =	vld [tilespmem:s18+$0x7A80]  }
0x74: {  	v2 =	vadd.f32 v5, v2  }
0x75: {  	v57 =	vld [tilespmem:s18+$0x7B00]  }
0x76: {  	v2 =	vadd.f32 v3, v2  }
0x77: {  	v3 =	vld [tilespmem:s18+$0x7B80]  }
0x78: {  	v2 =	vadd.f32 v56, v2  }
0x79: {  	v58 =	vld [tilespmem:s18+$0x8C00]  }
0x7a: {  	v2 =	vadd.f32 v57, v2  }
0x7b: {  	v59 =	vld [tilespmem:s18+$0x8C80]  }
0x7c: {  	v2 =	vadd.f32 v3, v2  }
0x7d: {  	v3 =	vld [tilespmem:s18+$0x8D00]  }
0x7e: {  	v2 =	vadd.f32 v58, v2  }
0x7f: {  	v60 =	vld [tilespmem:s18+$0x8D80]  }
0x80: {  	v2 =	vadd.f32 v59, v2  }
0x81: {  	v61 =	vld [tilespmem:s18+$0x8E00]  }
0x82: {  	v2 =	vadd.f32 v3, v2  }
0x83: {  	v3 =	vld [tilespmem:s18+$0x8E80]  }
0x84: {  	v2 =	vadd.f32 v60, v2  }
0x85: {  	v62 =	vld [tilespmem:s18+$0x8F00]  }
0x86: {  	v2 =	vadd.f32 v61, v2  }
0x87: {  	v63 =	vld [tilespmem:s18+$0x8F80]  }
0x88: {  	v2 =	vadd.f32 v3, v2;
	_ =	sdelay $0x1  }
0x89: {  	v2 =	vadd.f32 v62, v2;
	_ =	sdelay $0x1  }
0x8a: {  	s16 =	sadd.s32 $0x1, s16;
	v2 =	vadd.f32 v63, v2  }
0x8b: {  	s17 =	sadd.s32 $0x10, s17;
	p0 =	sne.s32 s16, s7  }
.Ltmp3:
0x8c: {  	[tilespmem:s17+$0x0] =	vst v2;
	(pc) =	sbr.rel @p0 .LBB2_1-.Ltmp3, $4  }
0x8d: {  	[hbm4b:s6+s2] =	stream.linear.scatter [tilespmem:s15], [sflag:$0x1], $0x280, $0x38;
	[tilespmem:$0xCA80] =	vst v63  }
0x8e: {  	_ =	swait.ge [sflag:s8], $0x280  }
0x8f: {  	[sflag:s8] =	ssyncset.done $0x0  }
0x90: {  	[sflag:s8] =	ssyncadd.s32 $0xFFFFFD80  }
0x91: {  	_ =	sfence.sel $0x180000  }
0x92: {  	[bflag:$0x0] =	sbarrier.arrive $0xFFFF  }
0x93: {  	p0 =	sne.s32 s0, $0x0;
	_ =	strace $0x90000047  }
0x94: {  	s0 =	sadd.s32 @!p0 $0x100000, s1;
	[bflag:$0x2] =	sbarrier.arrive $0xFFFF  }
0x95: {  	[sflag:s0] =	ssyncadd.tile.s32 @!p0 $0x1;
	_ =	shalt  }
.Lfunc_end2:
_tile_overlayer_lowered:
.L_overlay_start_2:
0x96: {  	(tag) =	ssettag $0x2  }
0x97: {  	s0 =	rddreg [dreg:$0x0];
	s2 =	stileid.u32  }
0x98: {  	s1 =	rddreg [dreg:$0x1];
	p0 =	sne.s32 s2, $0x0  }
0x99: {  	s3 =	rddreg [dreg:$0x2];
	[bflag:$0x3] =	sbarrier.arrive $0xFFFF;
	s2 =	simm.s32 @!p0 $0x1C01  }
0x9a: {  	[timem:s3], [sflag:s2] =	dma.local @!p0 [hbm:s0], s1  }
0x9b: {  	s0 =	simm.s32 @!p0 $0x1  }
0x9c: {  	_ =	swait.ge @!p0 [sflag:s0], s1  }
0x9d: {  	s1 =	ssub.s32 @!p0 $0x0, s1;
	[sflag:s0] =	ssyncset.done @!p0 $0x0  }
0x9e: {  	[sflag:s0] =	ssyncadd.s32 @!p0 s1  }
0x9f: {  	[bflag:$0x3] =	sbarrier.arrive $0xFFFF  }
0xa0: {  	_ =	shalt  }

// kernel: kernel.13.cloned.1.call-start
scs
__scs_entry_jumppad:
0x0: {  	(pc) =	sbr.rel $0x88, $3  }
0x1: {  	(tag) =	ssettag $0x0;
	lr =	simm.s32 $0x1  }
0x2: {  	[smem:$0x3F99] =	sst lr;
	_ =	strace $0xD0000000  }
0x3: {  	_ = 	snop  }
0x4: {  	_ = 	snop  }
0x5: {  	_ = 	snop  }
0x6: {  	_ = 	snop  }
0x7: {  	_ = 	snop  }
__scs_overlays_trampoline_lowered:
0x8: {  	[smem:$0x3FA8] =	sst s0  }
0x9: {  	[smem:$0x3FA9] =	sst s1  }
0xa: {  	[smem:$0x3FAA] =	sst s2  }
0xb: {  	[smem:$0x3FAB] =	sst s3  }
0xc: {  	[smem:$0x3FAC] =	sst s4  }
0xd: {  	[smem:$0x3FAD] =	sst s5  }
0xe: {  	[smem:$0x3FAE] =	sst s6  }
0xf: {  	[smem:$0x3FAF] =	sst s7  }
0x10: {  	[smem:$0x3FB0] =	sst s8  }
0x11: {  	[smem:$0x3FB1] =	sst s9;
	s0 =	simm.s32 @!p0 $0x0  }
0x12: {  	s1 =	sld [smem:$0x3F97];
	s0 =	simm.s32 @p0 $0x1  }
0x13: {  	[smem:$0x3FB2] =	sst s0;
	s0 =	simm.s32 @!p1 $0x0  }
0x14: {  	s2 =	sld [smem:$0x3F96];
	s0 =	simm.s32 @p1 $0x1  }
0x15: {  	[smem:$0x3FB3] =	sst s0;
	s0 =	simm.s32 @!p2 $0x0  }
0x16: {  	s3 =	sld [smem:$0x3FDB];
	s0 =	simm.s32 @p2 $0x1  }
0x17: {  	s4 =	simm.s32 $0x1BF5;
	[smem:$0x3FB5] =	sst s0  }
0x18: {  	s0 =	sld [smem:$0x3F98];
	_ =	swait.ge [sflag:s4], $0x0  }
0x19: {  	s7 =	sld [smem:$0x3F99]  }
0x1a: {  	s8 =	sadd.s32 $0xFFFFE003, lr  }
0x1b: {  	s9 =	sadd.s32 $0xFFFFFEF7, lr;
	s5 =	simm.s32 $0xFFFFFFFF;
	p2 =	slt.u32 s8, $0xFFFFF086  }
0x1c: {  	p1 =	slt.u32 s9, $0xF7A;
	s5 =	simm.s32 @!p2 $0x0  }
0x1d: {  	s5 =	simm.s32 @p1 $0x1;
	p0 =	seq.s32 s7, s2  }
0x1e: {  	s7 =	smul.u32 @!p0 $0xF7A, s2;
	p2 =	seq.s32 @!p0 s5, $0x0  }
0x1f: {  	s9 =	smul.u32 $0xF7A, s1;
	s8 =	simm.s32 @!p0 $0x1BF5;
	p2 =	por !p2, p0  }
0x20: {  	[sflag:s8] =	ssyncset.s32 @!p0 $0xFFFFF086;
	s6 =	sadd.s32 @!p0 s3, s7;
	s7 =	simm.s32 @!p0 $0x108  }
0x21: {  	s3 =	sadd.s32 s3, s9;
	s6 =	sadd.s32 @!p0 $0x88, s6;
	s7 =	simm.s32 @p2 $0x1082  }
0x22: {  	[simem:s7], [sflag:s8] =	dma.local @!p0 [hbm:s6], $0xF7A  }
0x23: {  	s9 =	sor.u32 $0xD0000000, s2;
	s6 =	simm.s32 $0x108;
	_ =	swait.ge @!p0 [sflag:s8], $0x0  }
0x24: {  	s3 =	sadd.s32 $0x88, s3;
	s6 =	simm.s32 @!p1 $0x1082;
	[sflag:s4] =	ssyncset.s32 $0xFFFFF086  }
0x25: {  	[simem:s6], [sflag:s4] =	dma.local [hbm:s3], $0xF7A  }
0x26: {  	[smem:$0x3F99] =	sst s1;
	(tag) =	ssettag s2;
	_ =	strace s9  }
0x27: {  	s1 =	sld [smem:$0x3FA9]  }
0x28: {  	s2 =	sld [smem:$0x3FAA]  }
0x29: {  	s4 =	sld [smem:$0x3FAC]  }
0x2a: {  	p0 =	seq.s32 s5, $0x0;
	s5 =	sld [smem:$0x3FAD]  }
0x2b: {  	s6 =	sld [smem:$0x3FAE]  }
0x2c: {  	s7 =	sld [smem:$0x3FAF]  }
0x2d: {  	s3 =	simm.s32 $0x108;
	s8 =	sld [smem:$0x3FB0]  }
0x2e: {  	s3 =	simm.s32 @!p0 $0x1082;
	s9 =	sld [smem:$0x3FB1]  }
0x2f: {  	lr =	sadd.s32 s0, s3;
	s0 =	sld [smem:$0x3FA8]  }
0x30: {  	s3 =	sld [smem:$0x3FAB]  }
0x31: {  	[smem:$0x3FB4] =	sst s10  }
0x32: {  	s10 =	sld [smem:$0x3FB2];
	_ =	sdelay $0x3  }
0x33: {  	p0 =	seq.s32 s10, $0x1;
	s10 =	sld [smem:$0x3FB4];
	_ =	sdelay $0x3  }
0x34: {  	[smem:$0x3FB4] =	sst s10  }
0x35: {  	s10 =	sld [smem:$0x3FB3];
	_ =	sdelay $0x3  }
0x36: {  	p1 =	seq.s32 s10, $0x1;
	s10 =	sld [smem:$0x3FB4];
	_ =	sdelay $0x3  }
0x37: {  	[smem:$0x3FB4] =	sst s10  }
0x38: {  	s10 =	sld [smem:$0x3FB5]  }
0x39: {  	_ = 	snop;
	(pc) =	sbr.ind lr, $3  }
0x3a: {  	_ = 	snop  }
0x3b: {  	_ = 	snop  }
0x3c: {  	p2 =	seq.s32 s10, $0x1;
	s10 =	sld [smem:$0x3FB4]  }
0x3d: {  	_ =	shalt  }
0x3e: {  	_ =	shalt  }
0x3f: {  	_ =	shalt  }
0x40: {  	_ =	shalt  }
0x41: {  	_ =	shalt  }
0x42: {  	_ =	shalt  }
0x43: {  	_ =	shalt  }
0x44: {  	_ =	shalt  }
0x45: {  	_ =	shalt  }
0x46: {  	_ =	shalt  }
0x47: {  	_ =	shalt  }
0x48: {  	_ =	shalt  }
0x49: {  	_ =	shalt  }
0x4a: {  	_ =	shalt  }
0x4b: {  	_ =	shalt  }
0x4c: {  	_ =	shalt  }
0x4d: {  	_ =	shalt  }
0x4e: {  	_ =	shalt  }
0x4f: {  	_ =	shalt  }
0x50: {  	_ =	shalt  }
0x51: {  	_ =	shalt  }
0x52: {  	_ =	shalt  }
0x53: {  	_ =	shalt  }
0x54: {  	_ =	shalt  }
0x55: {  	_ =	shalt  }
0x56: {  	_ =	shalt  }
0x57: {  	_ =	shalt  }
0x58: {  	_ =	shalt  }
0x59: {  	_ =	shalt  }
0x5a: {  	_ =	shalt  }
0x5b: {  	_ =	shalt  }
0x5c: {  	_ =	shalt  }
0x5d: {  	_ =	shalt  }
0x5e: {  	_ =	shalt  }
0x5f: {  	_ =	shalt  }
0x60: {  	_ =	shalt  }
0x61: {  	_ =	shalt  }
0x62: {  	_ =	shalt  }
0x63: {  	_ =	shalt  }
0x64: {  	_ =	shalt  }
0x65: {  	_ =	shalt  }
0x66: {  	_ =	shalt  }
0x67: {  	_ =	shalt  }
0x68: {  	_ =	shalt  }
0x69: {  	_ =	shalt  }
0x6a: {  	_ =	shalt  }
0x6b: {  	_ =	shalt  }
0x6c: {  	_ =	shalt  }
0x6d: {  	_ =	shalt  }
0x6e: {  	_ =	shalt  }
0x6f: {  	_ =	shalt  }
0x70: {  	_ =	shalt  }
0x71: {  	_ =	shalt  }
0x72: {  	_ =	shalt  }
0x73: {  	_ =	shalt  }
0x74: {  	_ =	shalt  }
0x75: {  	_ =	shalt  }
0x76: {  	_ =	shalt  }
0x77: {  	_ =	shalt  }
0x78: {  	_ =	shalt  }
0x79: {  	_ =	shalt  }
0x7a: {  	_ =	shalt  }
0x7b: {  	_ =	shalt  }
0x7c: {  	_ =	shalt  }
0x7d: {  	_ =	shalt  }
0x7e: {  	_ =	shalt  }
0x7f: {  	_ =	shalt  }
0x80: {  	_ =	shalt  }
0x81: {  	_ =	shalt  }
0x82: {  	_ =	shalt  }
0x83: {  	_ =	shalt  }
0x84: {  	_ =	shalt  }
0x85: {  	_ =	shalt  }
0x86: {  	_ =	shalt  }
0x87: {  	_ =	shalt  }
.Lfunc_end0:
.L_simem_size_0:
called_computation.1_lowered:
.L_overlay_start_0:
0x88: {  	s2 =	sld [smem:$0x3FD9]  }
0x89: {  	s3 =	sld [smem:$0x3FFE];
	_ =	sdelay $0x1  }
0x8a: {  	s1 =	srdreg.scid  }
0x8b: {  	s0 =	sand.u32 $0x1, s1  }
0x8c: {  	s17 =	sshll.u32 s0, $0xA;
	s2 =	sadd.s32 s3, s2  }
0x8d: {  	s2 =	sadd.s32 s2, s17  }
0x8e: {  	[smem:$0x3FC0] =	sst s2  }
0x8f: {  	_ = 	snop  }
0x90: {  	s2 =	sld [smem:$0x3FD0];
	(tm) =	ssettm $0x1  }
0x91: {  	s18 =	sld [smem:$0x3FFB];
	_ =	sdelay $0x3  }
0x92: {  	_ =	strace s18  }
0x93: {  	s3 =	sld [smem:$0x3FFC];
	_ =	sdelay $0x3  }
0x94: {  	_ =	strace s3  }
0x95: {  	s3 =	sld [smem:$0x3FFD];
	_ =	sdelay $0x3  }
0x96: {  	_ =	strace s3  }
0x97: {  	_ =	strace $0x8FFFFFFF  }
0x98: {  	s19 =	sld [smem:$0x3FDB];
	_ =	sdelay $0x1  }
0x99: {  	s4 =	simm.s32 $_scs_section_size  }
0x9a: {  	s5 =	simm.s32 $_size__tile_overlayer_lowered;
	s6 =	simm.s32 $_tile_overlayer_lowered  }
0x9b: {  	s22 =	simm.s32 $0x1BFF;
	s21 =	sshll.u32 s6, $0x1;
	s3 =	sadd.s32 s4, s19  }
0x9c: {  	s7 =	simm.s32 $0x0;
	s20 =	sshll.u32 s5, $0x1;
	s5 =	sadd.s32 s21, s3  }
0x9d: {  	[timem:s7], [sflag:s22] =	dma.local [hbm:s5], s20  }
0x9e: {  	_ =	swait.ge [sflag:s22], s20  }
0x9f: {  	s4 =	ssub.s32 $0x0, s20;
	[sflag:s22] =	ssyncset.done $0x0  }
0xa0: {  	[sflag:s22] =	ssyncadd.s32 s4;
	_ =	sdelay $0x1  }
0xa1: {  	s23 =	simm.s32 $0x1B8B  }
0xa2: {  	_ =	swait.ge [sflag:s23], $0x1  }
0xa3: {  	[sflag:s23] =	ssyncset.done $0x0  }
0xa4: {  	s25 =	simm.s32 $0x1B8E;
	s24 =	sld [smem:$0x3FFE];
	[sflag:s23] =	ssyncadd.s32 $0xFFFFFFFF  }
0xa5: {  	s26 =	simm.s32 $execute0_lowered;
	[smem:$0x3FD2] =	sst s25  }
0xa6: {  	s5 =	sshll.u32 s26, $0x1;
	_ =	strace $0x80000049;
	[dreg:$0x1] =	wrdreg $0xFFFFFFFF  }
0xa7: {  	s28 =	simm.s32 $_size_execute0_lowered;
	s3 =	sadd.s32 s3, s5;
	[dreg:$0x0] =	wrdreg $0x0  }
0xa8: {  	s5 =	sshll.u32 s28, $0x1;
	[dreg:$0x2] =	wrdreg s3  }
0xa9: {  	[dreg:$0x3] =	wrdreg s5  }
0xaa: {  	[dreg:$0x4] =	wrdreg $0xC0  }
0xab: {  	_ =	task [dreg:s7], $0x5FFFF  }
0xac: {  	[dreg:$0x1] =	wrdreg $0xFFFFFFFF  }
0xad: {  	[dreg:$0x0] =	wrdreg $0x60  }
0xae: {  	[dreg:$0x2] =	wrdreg s24  }
0xaf: {  	[dreg:$0x3] =	wrdreg s2  }
0xb0: {  	[dreg:$0x4] =	wrdreg $0xAA000  }
0xb1: {  	[dreg:$0x5] =	wrdreg $0x9  }
0xb2: {  	_ =	task.clear_ibuf [dreg:s7], $0x6FFFF;
	_ =	strace $0x90000049  }
0xb3: {  	s29 =	simm.s32 $0x9;
	_ =	strace $0x8000004B  }
0xb4: {  	_ =	swait.ge [sflag:s29], $0x1  }
0xb5: {  	[sflag:s29] =	ssyncadd.s32 $0xFFFFFFFF  }
0xb6: {  	_ =	strace $0x9000004B  }
0xb7: {  	_ =	sfence  }
0xb8: {  	s30 =	sld [smem:$0x0];
	_ =	sdelay $0x2  }
0xb9: {  	s31 =	sshll.u32 s1, $0xD;
	s1 =	sshrl.u32 s1, $0x2  }
0xba: {  	s3 =	sand.u32 $0x4000, s31;
	s1 =	sadd.s32 s1, s30  }
0xbb: {  	s0 =	sor.u32 s3, s0;
	s1 =	sshll.u32 s1, $0x11  }
0xbc: {  	s0 =	sor.u32 s1, s0  }
0xbd: {  	s0 =	sadd.s32 $0x8F2B, s0  }
0xbe: {  	[sflag:s0] =	ssyncadd.remote.s32 $0x1  }
0xbf: {  	_ =	sfence.sel $0xFFFF  }
0xc0: {  	[dreg:$0x0] =	wrdreg $0xFFFFFFFF;
	(pc) =	sbr.abs _section_cstart, $3  }
0xc1: {  	[dreg:$0x1] =	wrdreg $0xFFFFFFFF  }
0xc2: {  	_ =	task.clear_ibuf [dreg:s7], $0x2FFFF;
	_ =	strace $0x9FFFFFFF  }
0xc3: {  	(tm) =	ssettm $0x7FFFFFFF  }
tec
execute0_lowered:
.L_overlay_start_1:
0x0: {  	(tag) =	ssettag $0x1  }
0x1: {  	s0 =	rddreg [dreg:$0x0];
	s1 =	srdreg.scid  }
0x2: {  	s14 =	stileid.u32;
	s5 =	rddreg [dreg:$0x1]  }
0x3: {  	s2 =	rddreg [dreg:$0x2];
	s28 =	simm.s32 $0x6A00;
	s8 =	smul.u32 $0x14000, s14  }
0x4: {  	s29 =	simm.s32 $0x2980;
	s31 =	simm.s32 $0x8A00;
	s11 =	smul.u32 $0x50000, s14  }
0x5: {  	s30 =	simm.s32 $0x2;
	s1 =	sand.u32 $0x1, s1;
	s13 =	smul.u32 $0x2800, s14  }
0x6: {  	s3 =	sshll.u32 s14, $0x1;
	s10 =	sadd.s32 $0xD600, s0;
	s16 =	smul.u32 $0x5000, s14  }
0x7: {  	s4 =	sor.u32 s1, s3;
	s3 =	simm.s32 $0x0;
	s6 =	smul.u32 $0x140000, s1  }
0x8: {  	s26 =	ssub.s32 $0x2, s1;
	p0 =	seq.s32 s1, $0x1;
	s1 =	smul.u32 $0x2800, s1  }
0x9: {  	s4 =	smul.u32 $0x2800, s4;
	[smem:$0x7FF] =	sst s3;
	s12 =	sshrl.u32 s26, $0x1  }
0xa: {  	s11 =	sshrl.u32 s11, $0x2;
	_ =	strace $0x8000004A;
	s6 =	sadd.s32 s8, s6  }
0xb: {  	s15 =	ssub.s32 s26, s12;
	s11 =	sadd.s32 s11, s2;
	s1 =	sadd.s32 s1, s16  }
0xc: {  	s26 =	sshll.u32 s14, $0x6;
	s16 =	simm.s32 $0xD;
	s8 =	simm.s32 $0x3  }
0xd: {  	s7 =	sshrl.u32 s4, $0x3;
	s4 =	sadd.s32 $0x17600, s0;
	s6 =	sshrl.u32 s6, $0x3  }
0xe: {  	s19 =	sor.u32 $0x100, s1;
	s20 =	smax.u32 s15, $0x1;
	s22 =	sor.u32 $0x140, s1  }
0xf: {  	s23 =	sor.u32 $0x180, s1;
	s1 =	sor.u32 $0x1C0, s1;
	s14 =	sor.u32 $0x1C0D, s26  }
0x10: {  	s15 =	sshrl.u32 s11, $0x3;
	s26 =	simm.s32 $0x6;
	s11 =	simm.s32 $0x9  }
0x11: {  	s9 =	sadd.s32 s7, s0;
	s0 =	sadd.s32 s6, s0;
	[dreg:$0xb] =	wrdreg s20  }
0x12: {  	s12 =	sadd.s32 s4, s13;
	s7 =	sadd.s32 s10, s7;
	[dreg:$0x10] =	wrdreg s14  }
0x13: {  	s21 =	sshrl.u32 s19, $0x3;
	s6 =	sshrl.u32 s23, $0x3;
	[dreg:$0x11] =	wrdreg s15  }
0x14: {  	s25 =	sshrl.u32 s1, $0x3;
	s9 =	sadd.s32 $0x3600, s9;
	[dreg:$0x5] =	wrdreg s7  }
0x15: {  	s20 =	simm.s32 $0x2800;
	s17 =	sadd.s32 $0x8, s7;
	[dreg:$0x6] =	wrdreg s9  }
0x16: {  	s23 =	simm.s32 $0x2880;
	s18 =	sadd.s32 $0x10, s7;
	[dreg:$0x7] =	wrdreg s17  }
0x17: {  	s1 =	simm.s32 $0x5;
	s7 =	sadd.s32 $0x18, s7;
	[dreg:$0x8] =	wrdreg s18  }
0x18: {  	s13 =	simm.s32 $0xC;
	s0 =	sadd.s32 $0x3F600, s0;
	[dreg:$0x9] =	wrdreg s7  }
0x19: {  	s24 =	sadd.s32 s6, s10;
	s12 =	smov.u32 @p0 s5;
	[dreg:$0xa] =	wrdreg s0  }
0x1a: {  	s5 =	simm.s32 $0xB;
	s0 =	sadd.s32 s21, s10;
	[dreg:$0xe] =	wrdreg s24  }
0x1b: {  	[dreg:$0x4] =	wrdreg s12;
	s21 =	simm.s32 $0x40;
	s24 =	simm.s32 $0x4A00  }
.Ltmp0:
0x1c: {  	s7 =	simm.s32 $0x7;
	s9 =	simm.s32 $0x8;
	(pc) =	sbr.rel .LBB2_1-.Ltmp0, $4  }
0x1d: {  	s12 =	simm.s32 $0xA;
	[dreg:$0xc] =	wrdreg s0;
	s0 =	sshrl.u32 s22, $0x3  }
0x1e: {  	s17 =	simm.s32 $0x0;
	s22 =	simm.s32 $0x2A00;
	s0 =	sadd.s32 s0, s10  }
0x1f: {  	[dreg:$0xd] =	wrdreg s0;
	s0 =	sadd.s32 s25, s10;
	s25 =	simm.s32 $0x2900  }
0x20: {  	s10 =	simm.s32 $0x4;
	[dreg:$0xf] =	wrdreg s0;
	s0 =	simm.s32 $0x1  }
.LBB2_4:
0x21: {  	_ =	swait.ge [sflag:s12], $0x2000  }
0x22: {  	[sflag:s12] =	ssyncset.done $0x0  }
0x23: {  	[sflag:s12] =	ssyncadd.s32 $0xFFFFE000  }
0x24: {  	_ =	swait.ge [sflag:s5], $0x2000  }
0x25: {  	[sflag:s5] =	ssyncset.done $0x0  }
0x26: {  	[sflag:s5] =	ssyncadd.s32 $0xFFFFE000  }
0x27: {  	_ =	swait.ge [sflag:s13], $0x2000  }
0x28: {  	[sflag:s13] =	ssyncset.done $0x0  }
0x29: {  	[sflag:s13] =	ssyncadd.s32 $0xFFFFE000  }
0x2a: {  	[bflag:$0x0] =	sbarrier.arrive $0xFFFF  }
0x2b: {  	s6 =	rddreg [dreg:$0xa]  }
0x2c: {  	s14 =	rddreg [dreg:$0x10]  }
0x2d: {  	s16 =	simm.s32 $0xD;
	s15 =	rddreg [dreg:$0x11]  }
0x2e: {  	[hbm:s6], [sflag:s14] =	dma.local [spmem:s15], $0x2800  }
0x2f: {  	_ =	swait.ge [sflag:s16], $0x2800  }
0x30: {  	s17 =	rddreg [dreg:$0x12]  }
0x31: {  	s19 =	rddreg [dreg:$0xb];
	s17 =	sadd.s32 $0x1, s17  }
0x32: {  	p0 =	sne.s32 s17, s19  }
.Ltmp1:
0x33: {  	_ = 	snop;
	(pc) =	sbr.rel @!p0 .LBB2_5-.Ltmp1, $3  }
0x34: {  	_ =	sdelay $0x1  }
0x35: {  	[sflag:s16] =	ssyncset.done $0x0  }
0x36: {  	[sflag:s16] =	ssyncadd.s32 $0xFFFFD800  }
.LBB2_1:
0x37: {  	[dreg:$0x12] =	wrdreg s17  }
0x38: {  	s6 =	rddreg [dreg:$0x4]  }
0x39: {  	[spmem:s15], [sflag:s14] =	dma.local [hbm:s6], $0x2800  }
0x3a: {  	_ =	swait.ge [sflag:s16], $0x2800  }
0x3b: {  	[sflag:s16] =	ssyncset.done $0x0  }
0x3c: {  	s19 =	rddreg [dreg:$0x6];
	[sflag:s16] =	ssyncadd.s32 $0xFFFFD800  }
0x3d: {  	[tilespmem:s3], [sflag:$0xD] =	stream.linear.gather [hbm4b:s19+s3], $0x2800, $0x38;
	[tilespmem:$0x1EA00] =	vst v63  }
0x3e: {  	_ =	swait.ge [sflag:s16], $0x2800  }
0x3f: {  	[sflag:s16] =	ssyncset.done $0x0  }
0x40: {  	[sflag:s16] =	ssyncadd.s32 $0xFFFFD800  }
0x41: {  	[bflag:$0x0] =	sbarrier.arrive $0xFFFF  }
0x42: {  	s14 =	rddreg [dreg:$0x5]  }
0x43: {  	[tilespmem:s20], [sflag:$0x1] =	stream.linear.gather [hbm4b:s14+s3], $0x40, $0x38;
	[tilespmem:$0x1EA00] =	vst v63  }
0x44: {  	s15 =	rddreg [dreg:$0x7]  }
0x45: {  	[tilespmem:s22], [sflag:$0x5] =	stream.indirect.gather [hbm4b:s4+s21], $0x80, s3, s21, $0xb8;
	[tilespmem:$0x1EA00] =	vst v63  }
0x46: {  	s16 =	rddreg [dreg:$0x8]  }
0x47: {  	[tilespmem:s23], [sflag:$0x2] =	stream.linear.gather [hbm4b:s15+s3], $0x40, $0x38;
	[tilespmem:$0x1EA00] =	vst v63  }
0x48: {  	s18 =	rddreg [dreg:$0x9]  }
0x49: {  	[tilespmem:s24], [sflag:$0x6] =	stream.indirect.gather [hbm4b:s4+s21], $0x80, s21, s21, $0xb8;
	[tilespmem:$0x1EA00] =	vst v63  }
0x4a: {  	s14 =	rddreg [dreg:$0xd]  }
0x4b: {  	[tilespmem:s25], [sflag:$0x3] =	stream.linear.gather [hbm4b:s16+s3], $0x40, $0x38;
	[tilespmem:$0x1EA00] =	vst v63  }
0x4c: {  	s17 =	simm.s32 $0x80;
	s15 =	rddreg [dreg:$0xe]  }
0x4d: {  	[tilespmem:s28], [sflag:$0x7] =	stream.indirect.gather [hbm4b:s4+s21], $0x80, s17, s21, $0xb8;
	[tilespmem:$0x1EA00] =	vst v63  }
0x4e: {  	s16 =	rddreg [dreg:$0xf]  }
0x4f: {  	[tilespmem:s29], [sflag:$0x4] =	stream.linear.gather [hbm4b:s18+s3], $0x40, $0x38;
	[tilespmem:$0x1EA00] =	vst v63  }
0x50: {  	s19 =	simm.s32 $0xC0;
	s17 =	rddreg [dreg:$0xc];
	s18 =	simm.s32 $0x0  }
0x51: {  	[tilespmem:s31], [sflag:$0x8] =	stream.indirect.gather [hbm4b:s4+s21], $0x80, s19, s21, $0xb8;
	[tilespmem:$0x1EA00] =	vst v63  }
.LBB2_2:
0x52: {  	_ =	swait.ge [sflag:s1], $0x2000  }
0x53: {  	[sflag:s1] =	ssyncset.done $0x0  }
0x54: {  	[sflag:s1] =	ssyncadd.s32 $0xFFFFE000  }
0x55: {  	_ =	swait.ge [sflag:s0], $0x40  }
0x56: {  	[sflag:s0] =	ssyncset.done $0x0  }
0x57: {  	[sflag:s0] =	ssyncadd.s32 $0xFFFFFFC0  }
0x58: {  	[spmem:s2] =	stream.indirect.scatter.add.f32 [tilespmem:s22], [sflag:$0x9], $0x80, s20, s21, $0xb8;
	[tilespmem:$0x1EA00] =	vst v63  }
0x59: {  	_ =	swait.ge [sflag:s26], $0x2000  }
0x5a: {  	[sflag:s26] =	ssyncset.done $0x0  }
0x5b: {  	[sflag:s26] =	ssyncadd.s32 $0xFFFFE000  }
0x5c: {  	_ =	swait.ge [sflag:s30], $0x40  }
0x5d: {  	[sflag:s30] =	ssyncset.done $0x0  }
0x5e: {  	[sflag:s30] =	ssyncadd.s32 $0xFFFFFFC0  }
0x5f: {  	[spmem:s2] =	stream.indirect.scatter.add.f32 [tilespmem:s24], [sflag:$0xA], $0x80, s23, s21, $0xb8;
	[tilespmem:$0x1EA00] =	vst v63  }
0x60: {  	_ =	swait.ge [sflag:s7], $0x2000  }
0x61: {  	[sflag:s7] =	ssyncset.done $0x0  }
0x62: {  	[sflag:s7] =	ssyncadd.s32 $0xFFFFE000  }
0x63: {  	_ =	swait.ge [sflag:s8], $0x40  }
0x64: {  	[sflag:s8] =	ssyncset.done $0x0  }
0x65: {  	[sflag:s8] =	ssyncadd.s32 $0xFFFFFFC0  }
0x66: {  	[spmem:s2] =	stream.indirect.scatter.add.f32 [tilespmem:s28], [sflag:$0xB], $0x80, s25, s21, $0xb8;
	[tilespmem:$0x1EA00] =	vst v63  }
0x67: {  	_ =	swait.ge [sflag:s9], $0x2000  }
0x68: {  	[sflag:s9] =	ssyncset.done $0x0  }
0x69: {  	[sflag:s9] =	ssyncadd.s32 $0xFFFFE000  }
0x6a: {  	_ =	swait.ge [sflag:s10], $0x40  }
0x6b: {  	p0 =	seq.s32 s18, $0x9C00;
	[sflag:s10] =	ssyncset.done $0x0  }
.Ltmp2:
0x6c: {  	[sflag:s10] =	ssyncadd.s32 $0xFFFFFFC0;
	(pc) =	sbr.rel @p0 .LBB2_4-.Ltmp2, $4  }
0x6d: {  	[spmem:s2] =	stream.indirect.scatter.add.f32 [tilespmem:s31], [sflag:$0xC], $0x80, s29, s21, $0xb8;
	[tilespmem:$0x1EA00] =	vst v63  }
0x6e: {  	_ =	swait.ge [sflag:s11], $0x2000  }
0x6f: {  	[sflag:s11] =	ssyncset.done $0x0  }
0x70: {  	[sflag:s11] =	ssyncadd.s32 $0xFFFFE000  }
0x71: {  	[tilespmem:s20], [sflag:$0x1] =	stream.linear.gather [hbm4b:s17+s3], $0x40, $0x38;
	[tilespmem:$0x1EA00] =	vst v63  }
0x72: {  	s19 =	sshra.s32 s18, $0x2  }
0x73: {  	s6 =	sadd.s32 $0x100, s19  }
0x74: {  	[tilespmem:s22], [sflag:$0x5] =	stream.indirect.gather [hbm4b:s4+s21], $0x80, s6, s21, $0xb8;
	[tilespmem:$0x1EA00] =	vst v63  }
0x75: {  	_ =	swait.ge [sflag:s12], $0x2000  }
0x76: {  	[sflag:s12] =	ssyncset.done $0x0  }
0x77: {  	[sflag:s12] =	ssyncadd.s32 $0xFFFFE000  }
0x78: {  	[tilespmem:s23], [sflag:$0x2] =	stream.linear.gather [hbm4b:s14+s3], $0x40, $0x38;
	[tilespmem:$0x1EA00] =	vst v63  }
0x79: {  	s6 =	sadd.s32 $0x140, s19  }
0x7a: {  	[tilespmem:s24], [sflag:$0x6] =	stream.indirect.gather [hbm4b:s4+s21], $0x80, s6, s21, $0xb8;
	[tilespmem:$0x1EA00] =	vst v63  }
0x7b: {  	_ =	swait.ge [sflag:s5], $0x2000  }
0x7c: {  	[sflag:s5] =	ssyncset.done $0x0  }
0x7d: {  	[sflag:s5] =	ssyncadd.s32 $0xFFFFE000  }
0x7e: {  	[tilespmem:s25], [sflag:$0x3] =	stream.linear.gather [hbm4b:s15+s3], $0x40, $0x38;
	[tilespmem:$0x1EA00] =	vst v63  }
0x7f: {  	s6 =	sadd.s32 $0x180, s19  }
0x80: {  	[tilespmem:s28], [sflag:$0x7] =	stream.indirect.gather [hbm4b:s4+s21], $0x80, s6, s21, $0xb8;
	[tilespmem:$0x1EA00] =	vst v63  }
0x81: {  	_ =	swait.ge [sflag:s13], $0x2000  }
.Ltmp3:
0x82: {  	s18 =	sadd.s32 $0x400, s18;
	[sflag:s13] =	ssyncset.done $0x0;
	(pc) =	sbr.rel .LBB2_2-.Ltmp3, $4  }
0x83: {  	s17 =	sadd.s32 $0x20, s17;
	s14 =	sadd.s32 $0x20, s14;
	[sflag:s13] =	ssyncadd.s32 $0xFFFFE000  }
0x84: {  	[tilespmem:s29], [sflag:$0x4] =	stream.linear.gather [hbm4b:s16+s3], $0x40, $0x38;
	[tilespmem:$0x1EA00] =	vst v63  }
0x85: {  	s19 =	sadd.s32 $0x1C0, s19;
	s15 =	sadd.s32 $0x20, s15;
	s16 =	sadd.s32 $0x20, s16  }
0x86: {  	[tilespmem:s31], [sflag:$0x8] =	stream.indirect.gather [hbm4b:s4+s21], $0x80, s19, s21, $0xb8;
	[tilespmem:$0x1EA00] =	vst v63  }
.LBB2_5:
0x87: {  	_ =	sfence.sel $0x180000  }
0x88: {  	[bflag:$0x0] =	sbarrier.arrive $0xFFFF  }
0x89: {  	_ =	strace $0x9000004A  }
0x8a: {  	s0 =	stileid.u32;
	[bflag:$0x2] =	sbarrier.arrive $0xFFFF  }
0x8b: {  	p0 =	sne.s32 s0, $0x0;
	s0 =	rddreg [dreg:$0x3]  }
0x8c: {  	s0 =	sadd.s32 @!p0 $0x100000, s0  }
0x8d: {  	[sflag:s0] =	ssyncadd.tile.s32 @!p0 $0x1;
	_ =	shalt  }
.Lfunc_end2:
_tile_overlayer_lowered:
.L_overlay_start_2:
0x8e: {  	(tag) =	ssettag $0x2  }
0x8f: {  	s0 =	rddreg [dreg:$0x0];
	s2 =	stileid.u32  }
0x90: {  	s1 =	rddreg [dreg:$0x1];
	p0 =	sne.s32 s2, $0x0  }
0x91: {  	s3 =	rddreg [dreg:$0x2];
	[bflag:$0x3] =	sbarrier.arrive $0xFFFF;
	s2 =	simm.s32 @!p0 $0x1C0D  }
0x92: {  	[timem:s3], [sflag:s2] =	dma.local @!p0 [hbm:s0], s1  }
0x93: {  	s0 =	simm.s32 @!p0 $0xD  }
0x94: {  	_ =	swait.ge @!p0 [sflag:s0], s1  }
0x95: {  	s1 =	ssub.s32 @!p0 $0x0, s1;
	[sflag:s0] =	ssyncset.done @!p0 $0x0  }
0x96: {  	[sflag:s0] =	ssyncadd.s32 @!p0 s1  }
0x97: {  	[bflag:$0x3] =	sbarrier.arrive $0xFFFF  }
0x98: {  	_ =	shalt  }

// kernel: kernel.16.cloned.1.call-start
scs
__scs_entry_jumppad:
0x0: {  	(pc) =	sbr.rel $0x88, $3  }
0x1: {  	(tag) =	ssettag $0x0;
	lr =	simm.s32 $0x1  }
0x2: {  	[smem:$0x3F99] =	sst lr;
	_ =	strace $0xD0000000  }
0x3: {  	_ = 	snop  }
0x4: {  	_ = 	snop  }
0x5: {  	_ = 	snop  }
0x6: {  	_ = 	snop  }
0x7: {  	_ = 	snop  }
__scs_overlays_trampoline_lowered:
0x8: {  	[smem:$0x3FA8] =	sst s0  }
0x9: {  	[smem:$0x3FA9] =	sst s1  }
0xa: {  	[smem:$0x3FAA] =	sst s2  }
0xb: {  	[smem:$0x3FAB] =	sst s3  }
0xc: {  	[smem:$0x3FAC] =	sst s4  }
0xd: {  	[smem:$0x3FAD] =	sst s5  }
0xe: {  	[smem:$0x3FAE] =	sst s6  }
0xf: {  	[smem:$0x3FAF] =	sst s7  }
0x10: {  	[smem:$0x3FB0] =	sst s8  }
0x11: {  	[smem:$0x3FB1] =	sst s9;
	s0 =	simm.s32 @!p0 $0x0  }
0x12: {  	s1 =	sld [smem:$0x3F97];
	s0 =	simm.s32 @p0 $0x1  }
0x13: {  	[smem:$0x3FB2] =	sst s0;
	s0 =	simm.s32 @!p1 $0x0  }
0x14: {  	s2 =	sld [smem:$0x3F96];
	s0 =	simm.s32 @p1 $0x1  }
0x15: {  	[smem:$0x3FB3] =	sst s0;
	s0 =	simm.s32 @!p2 $0x0  }
0x16: {  	s3 =	sld [smem:$0x3FDB];
	s0 =	simm.s32 @p2 $0x1  }
0x17: {  	s4 =	simm.s32 $0x1BF5;
	[smem:$0x3FB5] =	sst s0  }
0x18: {  	s0 =	sld [smem:$0x3F98];
	_ =	swait.ge [sflag:s4], $0x0  }
0x19: {  	s7 =	sld [smem:$0x3F99]  }
0x1a: {  	s8 =	sadd.s32 $0xFFFFE003, lr  }
0x1b: {  	s9 =	sadd.s32 $0xFFFFFEF7, lr;
	s5 =	simm.s32 $0xFFFFFFFF;
	p2 =	slt.u32 s8, $0xFFFFF086  }
0x1c: {  	p1 =	slt.u32 s9, $0xF7A;
	s5 =	simm.s32 @!p2 $0x0  }
0x1d: {  	s5 =	simm.s32 @p1 $0x1;
	p0 =	seq.s32 s7, s2  }
0x1e: {  	s7 =	smul.u32 @!p0 $0xF7A, s2;
	p2 =	seq.s32 @!p0 s5, $0x0  }
0x1f: {  	s9 =	smul.u32 $0xF7A, s1;
	s8 =	simm.s32 @!p0 $0x1BF5;
	p2 =	por !p2, p0  }
0x20: {  	[sflag:s8] =	ssyncset.s32 @!p0 $0xFFFFF086;
	s6 =	sadd.s32 @!p0 s3, s7;
	s7 =	simm.s32 @!p0 $0x108  }
0x21: {  	s3 =	sadd.s32 s3, s9;
	s6 =	sadd.s32 @!p0 $0x88, s6;
	s7 =	simm.s32 @p2 $0x1082  }
0x22: {  	[simem:s7], [sflag:s8] =	dma.local @!p0 [hbm:s6], $0xF7A  }
0x23: {  	s9 =	sor.u32 $0xD0000000, s2;
	s6 =	simm.s32 $0x108;
	_ =	swait.ge @!p0 [sflag:s8], $0x0  }
0x24: {  	s3 =	sadd.s32 $0x88, s3;
	s6 =	simm.s32 @!p1 $0x1082;
	[sflag:s4] =	ssyncset.s32 $0xFFFFF086  }
0x25: {  	[simem:s6], [sflag:s4] =	dma.local [hbm:s3], $0xF7A  }
0x26: {  	[smem:$0x3F99] =	sst s1;
	(tag) =	ssettag s2;
	_ =	strace s9  }
0x27: {  	s1 =	sld [smem:$0x3FA9]  }
0x28: {  	s2 =	sld [smem:$0x3FAA]  }
0x29: {  	s4 =	sld [smem:$0x3FAC]  }
0x2a: {  	p0 =	seq.s32 s5, $0x0;
	s5 =	sld [smem:$0x3FAD]  }
0x2b: {  	s6 =	sld [smem:$0x3FAE]  }
0x2c: {  	s7 =	sld [smem:$0x3FAF]  }
0x2d: {  	s3 =	simm.s32 $0x108;
	s8 =	sld [smem:$0x3FB0]  }
0x2e: {  	s3 =	simm.s32 @!p0 $0x1082;
	s9 =	sld [smem:$0x3FB1]  }
0x2f: {  	lr =	sadd.s32 s0, s3;
	s0 =	sld [smem:$0x3FA8]  }
0x30: {  	s3 =	sld [smem:$0x3FAB]  }
0x31: {  	[smem:$0x3FB4] =	sst s10  }
0x32: {  	s10 =	sld [smem:$0x3FB2];
	_ =	sdelay $0x3  }
0x33: {  	p0 =	seq.s32 s10, $0x1;
	s10 =	sld [smem:$0x3FB4];
	_ =	sdelay $0x3  }
0x34: {  	[smem:$0x3FB4] =	sst s10  }
0x35: {  	s10 =	sld [smem:$0x3FB3];
	_ =	sdelay $0x3  }
0x36: {  	p1 =	seq.s32 s10, $0x1;
	s10 =	sld [smem:$0x3FB4];
	_ =	sdelay $0x3  }
0x37: {  	[smem:$0x3FB4] =	sst s10  }
0x38: {  	s10 =	sld [smem:$0x3FB5]  }
0x39: {  	_ = 	snop;
	(pc) =	sbr.ind lr, $3  }
0x3a: {  	_ = 	snop  }
0x3b: {  	_ = 	snop  }
0x3c: {  	p2 =	seq.s32 s10, $0x1;
	s10 =	sld [smem:$0x3FB4]  }
0x3d: {  	_ =	shalt  }
0x3e: {  	_ =	shalt  }
0x3f: {  	_ =	shalt  }
0x40: {  	_ =	shalt  }
0x41: {  	_ =	shalt  }
0x42: {  	_ =	shalt  }
0x43: {  	_ =	shalt  }
0x44: {  	_ =	shalt  }
0x45: {  	_ =	shalt  }
0x46: {  	_ =	shalt  }
0x47: {  	_ =	shalt  }
0x48: {  	_ =	shalt  }
0x49: {  	_ =	shalt  }
0x4a: {  	_ =	shalt  }
0x4b: {  	_ =	shalt  }
0x4c: {  	_ =	shalt  }
0x4d: {  	_ =	shalt  }
0x4e: {  	_ =	shalt  }
0x4f: {  	_ =	shalt  }
0x50: {  	_ =	shalt  }
0x51: {  	_ =	shalt  }
0x52: {  	_ =	shalt  }
0x53: {  	_ =	shalt  }
0x54: {  	_ =	shalt  }
0x55: {  	_ =	shalt  }
0x56: {  	_ =	shalt  }
0x57: {  	_ =	shalt  }
0x58: {  	_ =	shalt  }
0x59: {  	_ =	shalt  }
0x5a: {  	_ =	shalt  }
0x5b: {  	_ =	shalt  }
0x5c: {  	_ =	shalt  }
0x5d: {  	_ =	shalt  }
0x5e: {  	_ =	shalt  }
0x5f: {  	_ =	shalt  }
0x60: {  	_ =	shalt  }
0x61: {  	_ =	shalt  }
0x62: {  	_ =	shalt  }
0x63: {  	_ =	shalt  }
0x64: {  	_ =	shalt  }
0x65: {  	_ =	shalt  }
0x66: {  	_ =	shalt  }
0x67: {  	_ =	shalt  }
0x68: {  	_ =	shalt  }
0x69: {  	_ =	shalt  }
0x6a: {  	_ =	shalt  }
0x6b: {  	_ =	shalt  }
0x6c: {  	_ =	shalt  }
0x6d: {  	_ =	shalt  }
0x6e: {  	_ =	shalt  }
0x6f: {  	_ =	shalt  }
0x70: {  	_ =	shalt  }
0x71: {  	_ =	shalt  }
0x72: {  	_ =	shalt  }
0x73: {  	_ =	shalt  }
0x74: {  	_ =	shalt  }
0x75: {  	_ =	shalt  }
0x76: {  	_ =	shalt  }
0x77: {  	_ =	shalt  }
0x78: {  	_ =	shalt  }
0x79: {  	_ =	shalt  }
0x7a: {  	_ =	shalt  }
0x7b: {  	_ =	shalt  }
0x7c: {  	_ =	shalt  }
0x7d: {  	_ =	shalt  }
0x7e: {  	_ =	shalt  }
0x7f: {  	_ =	shalt  }
0x80: {  	_ =	shalt  }
0x81: {  	_ =	shalt  }
0x82: {  	_ =	shalt  }
0x83: {  	_ =	shalt  }
0x84: {  	_ =	shalt  }
0x85: {  	_ =	shalt  }
0x86: {  	_ =	shalt  }
0x87: {  	_ =	shalt  }
.Lfunc_end0:
.L_simem_size_0:
called_computation.2_lowered:
.L_overlay_start_0:
0x88: {  	s2 =	sld [smem:$0x3FD9]  }
0x89: {  	s3 =	sld [smem:$0x3FFE];
	_ =	sdelay $0x1  }
0x8a: {  	s1 =	srdreg.scid  }
0x8b: {  	s0 =	sand.u32 $0x1, s1  }
0x8c: {  	s17 =	sshll.u32 s0, $0xA;
	s2 =	sadd.s32 s3, s2  }
0x8d: {  	s2 =	sadd.s32 s2, s17  }
0x8e: {  	[smem:$0x3FC0] =	sst s2  }
0x8f: {  	_ = 	snop  }
0x90: {  	s2 =	sld [smem:$0x3FD0];
	(tm) =	ssettm $0x1  }
0x91: {  	s18 =	sld [smem:$0x3FFB];
	_ =	sdelay $0x3  }
0x92: {  	_ =	strace s18  }
0x93: {  	s3 =	sld [smem:$0x3FFC];
	_ =	sdelay $0x3  }
0x94: {  	_ =	strace s3  }
0x95: {  	s3 =	sld [smem:$0x3FFD];
	_ =	sdelay $0x3  }
0x96: {  	_ =	strace s3  }
0x97: {  	_ =	strace $0x8FFFFFFF  }
0x98: {  	s19 =	sld [smem:$0x3FDB];
	_ =	sdelay $0x1  }
0x99: {  	s4 =	simm.s32 $_scs_section_size  }
0x9a: {  	s5 =	simm.s32 $_size__tile_overlayer_lowered;
	s6 =	simm.s32 $_tile_overlayer_lowered  }
0x9b: {  	s22 =	simm.s32 $0x1BFF;
	s21 =	sshll.u32 s6, $0x1;
	s3 =	sadd.s32 s4, s19  }
0x9c: {  	s7 =	simm.s32 $0x0;
	s20 =	sshll.u32 s5, $0x1;
	s5 =	sadd.s32 s21, s3  }
0x9d: {  	[timem:s7], [sflag:s22] =	dma.local [hbm:s5], s20  }
0x9e: {  	_ =	swait.ge [sflag:s22], s20  }
0x9f: {  	s4 =	ssub.s32 $0x0, s20;
	[sflag:s22] =	ssyncset.done $0x0  }
0xa0: {  	[sflag:s22] =	ssyncadd.s32 s4;
	_ =	sdelay $0x1  }
0xa1: {  	s23 =	simm.s32 $0x1B8B  }
0xa2: {  	_ =	swait.ge [sflag:s23], $0x1  }
0xa3: {  	[sflag:s23] =	ssyncset.done $0x0  }
0xa4: {  	s25 =	simm.s32 $0x1B8E;
	s24 =	sld [smem:$0x3FFE];
	[sflag:s23] =	ssyncadd.s32 $0xFFFFFFFF  }
0xa5: {  	s26 =	simm.s32 $execute0_lowered;
	[smem:$0x3FD2] =	sst s25  }
0xa6: {  	s5 =	sshll.u32 s26, $0x1;
	_ =	strace $0x8000004C;
	[dreg:$0x1] =	wrdreg $0xFFFFFFFF  }
0xa7: {  	s28 =	simm.s32 $_size_execute0_lowered;
	s3 =	sadd.s32 s3, s5;
	[dreg:$0x0] =	wrdreg $0x0  }
0xa8: {  	s5 =	sshll.u32 s28, $0x1;
	[dreg:$0x2] =	wrdreg s3  }
0xa9: {  	[dreg:$0x3] =	wrdreg s5  }
0xaa: {  	[dreg:$0x4] =	wrdreg $0xC0  }
0xab: {  	_ =	task [dreg:s7], $0x5FFFF  }
0xac: {  	[dreg:$0x1] =	wrdreg $0xFFFFFFFF  }
0xad: {  	[dreg:$0x0] =	wrdreg $0x60  }
0xae: {  	[dreg:$0x2] =	wrdreg s24  }
0xaf: {  	[dreg:$0x3] =	wrdreg s2  }
0xb0: {  	[dreg:$0x4] =	wrdreg $0xAA000  }
0xb1: {  	[dreg:$0x5] =	wrdreg $0x9  }
0xb2: {  	_ =	task.clear_ibuf [dreg:s7], $0x6FFFF;
	_ =	strace $0x9000004C  }
0xb3: {  	s29 =	simm.s32 $0x9;
	_ =	strace $0x8000004E  }
0xb4: {  	_ =	swait.ge [sflag:s29], $0x1  }
0xb5: {  	[sflag:s29] =	ssyncadd.s32 $0xFFFFFFFF  }
0xb6: {  	_ =	strace $0x9000004E  }
0xb7: {  	_ =	sfence  }
0xb8: {  	s30 =	sld [smem:$0x0];
	_ =	sdelay $0x2  }
0xb9: {  	s31 =	sshll.u32 s1, $0xD;
	s1 =	sshrl.u32 s1, $0x2  }
0xba: {  	s3 =	sand.u32 $0x4000, s31;
	s1 =	sadd.s32 s1, s30  }
0xbb: {  	s0 =	sor.u32 s3, s0;
	s1 =	sshll.u32 s1, $0x11  }
0xbc: {  	s0 =	sor.u32 s1, s0  }
0xbd: {  	s0 =	sadd.s32 $0x8F2B, s0  }
0xbe: {  	[sflag:s0] =	ssyncadd.remote.s32 $0x1  }
0xbf: {  	_ =	sfence.sel $0xFFFF  }
0xc0: {  	[dreg:$0x0] =	wrdreg $0xFFFFFFFF;
	(pc) =	sbr.abs _section_cstart, $3  }
0xc1: {  	[dreg:$0x1] =	wrdreg $0xFFFFFFFF  }
0xc2: {  	_ =	task.clear_ibuf [dreg:s7], $0x2FFFF;
	_ =	strace $0x9FFFFFFF  }
0xc3: {  	(tm) =	ssettm $0x7FFFFFFF  }
tec
execute0_lowered:
.L_overlay_start_1:
0x0: {  	(tag) =	ssettag $0x1  }
0x1: {  	s0 =	rddreg [dreg:$0x0];
	s1 =	srdreg.scid  }
0x2: {  	s14 =	stileid.u32;
	s5 =	rddreg [dreg:$0x1]  }
0x3: {  	s2 =	rddreg [dreg:$0x2];
	s28 =	simm.s32 $0x6A00;
	s8 =	smul.u32 $0x14000, s14  }
0x4: {  	s29 =	simm.s32 $0x2980;
	s31 =	simm.s32 $0x8A00;
	s11 =	smul.u32 $0x50000, s14  }
0x5: {  	s30 =	simm.s32 $0x2;
	s1 =	sand.u32 $0x1, s1;
	s13 =	smul.u32 $0x2800, s14  }
0x6: {  	s3 =	sshll.u32 s14, $0x1;
	s10 =	sadd.s32 $0xD600, s0;
	s16 =	smul.u32 $0x5000, s14  }
0x7: {  	s4 =	sor.u32 s1, s3;
	s3 =	simm.s32 $0x0;
	s6 =	smul.u32 $0x140000, s1  }
0x8: {  	s26 =	ssub.s32 $0x2, s1;
	p0 =	seq.s32 s1, $0x1;
	s1 =	smul.u32 $0x2800, s1  }
0x9: {  	s4 =	smul.u32 $0x2800, s4;
	[smem:$0x7FF] =	sst s3;
	s12 =	sshrl.u32 s26, $0x1  }
0xa: {  	s11 =	sshrl.u32 s11, $0x2;
	_ =	strace $0x8000004D;
	s6 =	sadd.s32 s8, s6  }
0xb: {  	s15 =	ssub.s32 s26, s12;
	s11 =	sadd.s32 s11, s2;
	s1 =	sadd.s32 s1, s16  }
0xc: {  	s26 =	sshll.u32 s14, $0x6;
	s16 =	simm.s32 $0xD;
	s8 =	simm.s32 $0x3  }
0xd: {  	s7 =	sshrl.u32 s4, $0x3;
	s4 =	sadd.s32 $0x17600, s0;
	s6 =	sshrl.u32 s6, $0x3  }
0xe: {  	s19 =	sor.u32 $0x100, s1;
	s20 =	smax.u32 s15, $0x1;
	s22 =	sor.u32 $0x140, s1  }
0xf: {  	s23 =	sor.u32 $0x180, s1;
	s1 =	sor.u32 $0x1C0, s1;
	s14 =	sor.u32 $0x1C0D, s26  }
0x10: {  	s15 =	sshrl.u32 s11, $0x3;
	s26 =	simm.s32 $0x6;
	s11 =	simm.s32 $0x9  }
0x11: {  	s9 =	sadd.s32 s7, s0;
	s0 =	sadd.s32 s6, s0;
	[dreg:$0xb] =	wrdreg s20  }
0x12: {  	s12 =	sadd.s32 s4, s13;
	s7 =	sadd.s32 s10, s7;
	[dreg:$0x10] =	wrdreg s14  }
0x13: {  	s21 =	sshrl.u32 s19, $0x3;
	s6 =	sshrl.u32 s23, $0x3;
	[dreg:$0x11] =	wrdreg s15  }
0x14: {  	s25 =	sshrl.u32 s1, $0x3;
	s9 =	sadd.s32 $0x3600, s9;
	[dreg:$0x5] =	wrdreg s7  }
0x15: {  	s20 =	simm.s32 $0x2800;
	s17 =	sadd.s32 $0x8, s7;
	[dreg:$0x6] =	wrdreg s9  }
0x16: {  	s23 =	simm.s32 $0x2880;
	s18 =	sadd.s32 $0x10, s7;
	[dreg:$0x7] =	wrdreg s17  }
0x17: {  	s1 =	simm.s32 $0x5;
	s7 =	sadd.s32 $0x18, s7;
	[dreg:$0x8] =	wrdreg s18  }
0x18: {  	s13 =	simm.s32 $0xC;
	s0 =	sadd.s32 $0x3F600, s0;
	[dreg:$0x9] =	wrdreg s7  }
0x19: {  	s24 =	sadd.s32 s6, s10;
	s12 =	smov.u32 @p0 s5;
	[dreg:$0xa] =	wrdreg s0  }
0x1a: {  	s5 =	simm.s32 $0xB;
	s0 =	sadd.s32 s21, s10;
	[dreg:$0xe] =	wrdreg s24  }
0x1b: {  	[dreg:$0x4] =	wrdreg s12;
	s21 =	simm.s32 $0x40;
	s24 =	simm.s32 $0x4A00  }
.Ltmp0:
0x1c: {  	s7 =	simm.s32 $0x7;
	s9 =	simm.s32 $0x8;
	(pc) =	sbr.rel .LBB2_1-.Ltmp0, $4  }
0x1d: {  	s12 =	simm.s32 $0xA;
	[dreg:$0xc] =	wrdreg s0;
	s0 =	sshrl.u32 s22, $0x3  }
0x1e: {  	s17 =	simm.s32 $0x0;
	s22 =	simm.s32 $0x2A00;
	s0 =	sadd.s32 s0, s10  }
0x1f: {  	[dreg:$0xd] =	wrdreg s0;
	s0 =	sadd.s32 s25, s10;
	s25 =	simm.s32 $0x2900  }
0x20: {  	s10 =	simm.s32 $0x4;
	[dreg:$0xf] =	wrdreg s0;
	s0 =	simm.s32 $0x1  }
.LBB2_4:
0x21: {  	_ =	swait.ge [sflag:s12], $0x2000  }
0x22: {  	[sflag:s12] =	ssyncset.done $0x0  }
0x23: {  	[sflag:s12] =	ssyncadd.s32 $0xFFFFE000  }
0x24: {  	_ =	swait.ge [sflag:s5], $0x2000  }
0x25: {  	[sflag:s5] =	ssyncset.done $0x0  }
0x26: {  	[sflag:s5] =	ssyncadd.s32 $0xFFFFE000  }
0x27: {  	_ =	swait.ge [sflag:s13], $0x2000  }
0x28: {  	[sflag:s13] =	ssyncset.done $0x0  }
0x29: {  	[sflag:s13] =	ssyncadd.s32 $0xFFFFE000  }
0x2a: {  	[bflag:$0x0] =	sbarrier.arrive $0xFFFF  }
0x2b: {  	s6 =	rddreg [dreg:$0xa]  }
0x2c: {  	s14 =	rddreg [dreg:$0x10]  }
0x2d: {  	s16 =	simm.s32 $0xD;
	s15 =	rddreg [dreg:$0x11]  }
0x2e: {  	[hbm:s6], [sflag:s14] =	dma.local [spmem:s15], $0x2800  }
0x2f: {  	_ =	swait.ge [sflag:s16], $0x2800  }
0x30: {  	s17 =	rddreg [dreg:$0x12]  }
0x31: {  	s19 =	rddreg [dreg:$0xb];
	s17 =	sadd.s32 $0x1, s17  }
0x32: {  	p0 =	sne.s32 s17, s19  }
.Ltmp1:
0x33: {  	_ = 	snop;
	(pc) =	sbr.rel @!p0 .LBB2_5-.Ltmp1, $3  }
0x34: {  	_ =	sdelay $0x1  }
0x35: {  	[sflag:s16] =	ssyncset.done $0x0  }
0x36: {  	[sflag:s16] =	ssyncadd.s32 $0xFFFFD800  }
.LBB2_1:
0x37: {  	[dreg:$0x12] =	wrdreg s17  }
0x38: {  	s6 =	rddreg [dreg:$0x4]  }
0x39: {  	[spmem:s15], [sflag:s14] =	dma.local [hbm:s6], $0x2800  }
0x3a: {  	_ =	swait.ge [sflag:s16], $0x2800  }
0x3b: {  	[sflag:s16] =	ssyncset.done $0x0  }
0x3c: {  	s19 =	rddreg [dreg:$0x6];
	[sflag:s16] =	ssyncadd.s32 $0xFFFFD800  }
0x3d: {  	[tilespmem:s3], [sflag:$0xD] =	stream.linear.gather [hbm4b:s19+s3], $0x2800, $0x38;
	[tilespmem:$0x1EA00] =	vst v63  }
0x3e: {  	_ =	swait.ge [sflag:s16], $0x2800  }
0x3f: {  	[sflag:s16] =	ssyncset.done $0x0  }
0x40: {  	[sflag:s16] =	ssyncadd.s32 $0xFFFFD800  }
0x41: {  	[bflag:$0x0] =	sbarrier.arrive $0xFFFF  }
0x42: {  	s14 =	rddreg [dreg:$0x5]  }
0x43: {  	[tilespmem:s20], [sflag:$0x1] =	stream.linear.gather [hbm4b:s14+s3], $0x40, $0x38;
	[tilespmem:$0x1EA00] =	vst v63  }
0x44: {  	s15 =	rddreg [dreg:$0x7]  }
0x45: {  	[tilespmem:s22], [sflag:$0x5] =	stream.indirect.gather [hbm4b:s4+s21], $0x80, s3, s21, $0xb8;
	[tilespmem:$0x1EA00] =	vst v63  }
0x46: {  	s16 =	rddreg [dreg:$0x8]  }
0x47: {  	[tilespmem:s23], [sflag:$0x2] =	stream.linear.gather [hbm4b:s15+s3], $0x40, $0x38;
	[tilespmem:$0x1EA00] =	vst v63  }
0x48: {  	s18 =	rddreg [dreg:$0x9]  }
0x49: {  	[tilespmem:s24], [sflag:$0x6] =	stream.indirect.gather [hbm4b:s4+s21], $0x80, s21, s21, $0xb8;
	[tilespmem:$0x1EA00] =	vst v63  }
0x4a: {  	s14 =	rddreg [dreg:$0xd]  }
0x4b: {  	[tilespmem:s25], [sflag:$0x3] =	stream.linear.gather [hbm4b:s16+s3], $0x40, $0x38;
	[tilespmem:$0x1EA00] =	vst v63  }
0x4c: {  	s17 =	simm.s32 $0x80;
	s15 =	rddreg [dreg:$0xe]  }
0x4d: {  	[tilespmem:s28], [sflag:$0x7] =	stream.indirect.gather [hbm4b:s4+s21], $0x80, s17, s21, $0xb8;
	[tilespmem:$0x1EA00] =	vst v63  }
0x4e: {  	s16 =	rddreg [dreg:$0xf]  }
0x4f: {  	[tilespmem:s29], [sflag:$0x4] =	stream.linear.gather [hbm4b:s18+s3], $0x40, $0x38;
	[tilespmem:$0x1EA00] =	vst v63  }
0x50: {  	s19 =	simm.s32 $0xC0;
	s17 =	rddreg [dreg:$0xc];
	s18 =	simm.s32 $0x0  }
0x51: {  	[tilespmem:s31], [sflag:$0x8] =	stream.indirect.gather [hbm4b:s4+s21], $0x80, s19, s21, $0xb8;
	[tilespmem:$0x1EA00] =	vst v63  }
.LBB2_2:
0x52: {  	_ =	swait.ge [sflag:s1], $0x2000  }
0x53: {  	[sflag:s1] =	ssyncset.done $0x0  }
0x54: {  	[sflag:s1] =	ssyncadd.s32 $0xFFFFE000  }
0x55: {  	_ =	swait.ge [sflag:s0], $0x40  }
0x56: {  	[sflag:s0] =	ssyncset.done $0x0  }
0x57: {  	[sflag:s0] =	ssyncadd.s32 $0xFFFFFFC0  }
0x58: {  	[spmem:s2] =	stream.indirect.scatter.add.f32 [tilespmem:s22], [sflag:$0x9], $0x80, s20, s21, $0xb8;
	[tilespmem:$0x1EA00] =	vst v63  }
0x59: {  	_ =	swait.ge [sflag:s26], $0x2000  }
0x5a: {  	[sflag:s26] =	ssyncset.done $0x0  }
0x5b: {  	[sflag:s26] =	ssyncadd.s32 $0xFFFFE000  }
0x5c: {  	_ =	swait.ge [sflag:s30], $0x40  }
0x5d: {  	[sflag:s30] =	ssyncset.done $0x0  }
0x5e: {  	[sflag:s30] =	ssyncadd.s32 $0xFFFFFFC0  }
0x5f: {  	[spmem:s2] =	stream.indirect.scatter.add.f32 [tilespmem:s24], [sflag:$0xA], $0x80, s23, s21, $0xb8;
	[tilespmem:$0x1EA00] =	vst v63  }
0x60: {  	_ =	swait.ge [sflag:s7], $0x2000  }
0x61: {  	[sflag:s7] =	ssyncset.done $0x0  }
0x62: {  	[sflag:s7] =	ssyncadd.s32 $0xFFFFE000  }
0x63: {  	_ =	swait.ge [sflag:s8], $0x40  }
0x64: {  	[sflag:s8] =	ssyncset.done $0x0  }
0x65: {  	[sflag:s8] =	ssyncadd.s32 $0xFFFFFFC0  }
0x66: {  	[spmem:s2] =	stream.indirect.scatter.add.f32 [tilespmem:s28], [sflag:$0xB], $0x80, s25, s21, $0xb8;
	[tilespmem:$0x1EA00] =	vst v63  }
0x67: {  	_ =	swait.ge [sflag:s9], $0x2000  }
0x68: {  	[sflag:s9] =	ssyncset.done $0x0  }
0x69: {  	[sflag:s9] =	ssyncadd.s32 $0xFFFFE000  }
0x6a: {  	_ =	swait.ge [sflag:s10], $0x40  }
0x6b: {  	p0 =	seq.s32 s18, $0x9C00;
	[sflag:s10] =	ssyncset.done $0x0  }
.Ltmp2:
0x6c: {  	[sflag:s10] =	ssyncadd.s32 $0xFFFFFFC0;
	(pc) =	sbr.rel @p0 .LBB2_4-.Ltmp2, $4  }
0x6d: {  	[spmem:s2] =	stream.indirect.scatter.add.f32 [tilespmem:s31], [sflag:$0xC], $0x80, s29, s21, $0xb8;
	[tilespmem:$0x1EA00] =	vst v63  }
0x6e: {  	_ =	swait.ge [sflag:s11], $0x2000  }
0x6f: {  	[sflag:s11] =	ssyncset.done $0x0  }
0x70: {  	[sflag:s11] =	ssyncadd.s32 $0xFFFFE000  }
0x71: {  	[tilespmem:s20], [sflag:$0x1] =	stream.linear.gather [hbm4b:s17+s3], $0x40, $0x38;
	[tilespmem:$0x1EA00] =	vst v63  }
0x72: {  	s19 =	sshra.s32 s18, $0x2  }
0x73: {  	s6 =	sadd.s32 $0x100, s19  }
0x74: {  	[tilespmem:s22], [sflag:$0x5] =	stream.indirect.gather [hbm4b:s4+s21], $0x80, s6, s21, $0xb8;
	[tilespmem:$0x1EA00] =	vst v63  }
0x75: {  	_ =	swait.ge [sflag:s12], $0x2000  }
0x76: {  	[sflag:s12] =	ssyncset.done $0x0  }
0x77: {  	[sflag:s12] =	ssyncadd.s32 $0xFFFFE000  }
0x78: {  	[tilespmem:s23], [sflag:$0x2] =	stream.linear.gather [hbm4b:s14+s3], $0x40, $0x38;
	[tilespmem:$0x1EA00] =	vst v63  }
0x79: {  	s6 =	sadd.s32 $0x140, s19  }
0x7a: {  	[tilespmem:s24], [sflag:$0x6] =	stream.indirect.gather [hbm4b:s4+s21], $0x80, s6, s21, $0xb8;
	[tilespmem:$0x1EA00] =	vst v63  }
0x7b: {  	_ =	swait.ge [sflag:s5], $0x2000  }
0x7c: {  	[sflag:s5] =	ssyncset.done $0x0  }
0x7d: {  	[sflag:s5] =	ssyncadd.s32 $0xFFFFE000  }
0x7e: {  	[tilespmem:s25], [sflag:$0x3] =	stream.linear.gather [hbm4b:s15+s3], $0x40, $0x38;
	[tilespmem:$0x1EA00] =	vst v63  }
0x7f: {  	s6 =	sadd.s32 $0x180, s19  }
0x80: {  	[tilespmem:s28], [sflag:$0x7] =	stream.indirect.gather [hbm4b:s4+s21], $0x80, s6, s21, $0xb8;
	[tilespmem:$0x1EA00] =	vst v63  }
0x81: {  	_ =	swait.ge [sflag:s13], $0x2000  }
.Ltmp3:
0x82: {  	s18 =	sadd.s32 $0x400, s18;
	[sflag:s13] =	ssyncset.done $0x0;
	(pc) =	sbr.rel .LBB2_2-.Ltmp3, $4  }
0x83: {  	s17 =	sadd.s32 $0x20, s17;
	s14 =	sadd.s32 $0x20, s14;
	[sflag:s13] =	ssyncadd.s32 $0xFFFFE000  }
0x84: {  	[tilespmem:s29], [sflag:$0x4] =	stream.linear.gather [hbm4b:s16+s3], $0x40, $0x38;
	[tilespmem:$0x1EA00] =	vst v63  }
0x85: {  	s19 =	sadd.s32 $0x1C0, s19;
	s15 =	sadd.s32 $0x20, s15;
	s16 =	sadd.s32 $0x20, s16  }
0x86: {  	[tilespmem:s31], [sflag:$0x8] =	stream.indirect.gather [hbm4b:s4+s21], $0x80, s19, s21, $0xb8;
	[tilespmem:$0x1EA00] =	vst v63  }
.LBB2_5:
0x87: {  	_ =	sfence.sel $0x180000  }
0x88: {  	[bflag:$0x0] =	sbarrier.arrive $0xFFFF  }
0x89: {  	_ =	strace $0x9000004D  }
0x8a: {  	s0 =	stileid.u32;
	[bflag:$0x2] =	sbarrier.arrive $0xFFFF  }
0x8b: {  	p0 =	sne.s32 s0, $0x0;
	s0 =	rddreg [dreg:$0x3]  }
0x8c: {  	s0 =	sadd.s32 @!p0 $0x100000, s0  }
0x8d: {  	[sflag:s0] =	ssyncadd.tile.s32 @!p0 $0x1;
	_ =	shalt  }
.Lfunc_end2:
_tile_overlayer_lowered:
.L_overlay_start_2:
0x8e: {  	(tag) =	ssettag $0x2  }
0x8f: {  	s0 =	rddreg [dreg:$0x0];
	s2 =	stileid.u32  }
0x90: {  	s1 =	rddreg [dreg:$0x1];
	p0 =	sne.s32 s2, $0x0  }
0x91: {  	s3 =	rddreg [dreg:$0x2];
	[bflag:$0x3] =	sbarrier.arrive $0xFFFF;
	s2 =	simm.s32 @!p0 $0x1C0D  }
0x92: {  	[timem:s3], [sflag:s2] =	dma.local @!p0 [hbm:s0], s1  }
0x93: {  	s0 =	simm.s32 @!p0 $0xD  }
0x94: {  	_ =	swait.ge @!p0 [sflag:s0], s1  }
0x95: {  	s1 =	ssub.s32 @!p0 $0x0, s1;
	[sflag:s0] =	ssyncset.done @!p0 $0x0  }
0x96: {  	[sflag:s0] =	ssyncadd.s32 @!p0 s1  }
0x97: {  	[bflag:$0x3] =	sbarrier.arrive $0xFFFF  }
0x98: {  	_ =	shalt  }

// kernel: kernel.19.cloned.1.call-start
scs
__scs_entry_jumppad:
0x0: {  	(pc) =	sbr.rel $0x88, $3  }
0x1: {  	(tag) =	ssettag $0x0;
	lr =	simm.s32 $0x1  }
0x2: {  	[smem:$0x3F99] =	sst lr;
	_ =	strace $0xD0000000  }
0x3: {  	_ = 	snop  }
0x4: {  	_ = 	snop  }
0x5: {  	_ = 	snop  }
0x6: {  	_ = 	snop  }
0x7: {  	_ = 	snop  }
__scs_overlays_trampoline_lowered:
0x8: {  	[smem:$0x3FA8] =	sst s0  }
0x9: {  	[smem:$0x3FA9] =	sst s1  }
0xa: {  	[smem:$0x3FAA] =	sst s2  }
0xb: {  	[smem:$0x3FAB] =	sst s3  }
0xc: {  	[smem:$0x3FAC] =	sst s4  }
0xd: {  	[smem:$0x3FAD] =	sst s5  }
0xe: {  	[smem:$0x3FAE] =	sst s6  }
0xf: {  	[smem:$0x3FAF] =	sst s7  }
0x10: {  	[smem:$0x3FB0] =	sst s8  }
0x11: {  	[smem:$0x3FB1] =	sst s9;
	s0 =	simm.s32 @!p0 $0x0  }
0x12: {  	s1 =	sld [smem:$0x3F97];
	s0 =	simm.s32 @p0 $0x1  }
0x13: {  	[smem:$0x3FB2] =	sst s0;
	s0 =	simm.s32 @!p1 $0x0  }
0x14: {  	s2 =	sld [smem:$0x3F96];
	s0 =	simm.s32 @p1 $0x1  }
0x15: {  	[smem:$0x3FB3] =	sst s0;
	s0 =	simm.s32 @!p2 $0x0  }
0x16: {  	s3 =	sld [smem:$0x3FDB];
	s0 =	simm.s32 @p2 $0x1  }
0x17: {  	s4 =	simm.s32 $0x1BF5;
	[smem:$0x3FB5] =	sst s0  }
0x18: {  	s0 =	sld [smem:$0x3F98];
	_ =	swait.ge [sflag:s4], $0x0  }
0x19: {  	s7 =	sld [smem:$0x3F99]  }
0x1a: {  	s8 =	sadd.s32 $0xFFFFE003, lr  }
0x1b: {  	s9 =	sadd.s32 $0xFFFFFEF7, lr;
	s5 =	simm.s32 $0xFFFFFFFF;
	p2 =	slt.u32 s8, $0xFFFFF086  }
0x1c: {  	p1 =	slt.u32 s9, $0xF7A;
	s5 =	simm.s32 @!p2 $0x0  }
0x1d: {  	s5 =	simm.s32 @p1 $0x1;
	p0 =	seq.s32 s7, s2  }
0x1e: {  	s7 =	smul.u32 @!p0 $0xF7A, s2;
	p2 =	seq.s32 @!p0 s5, $0x0  }
0x1f: {  	s9 =	smul.u32 $0xF7A, s1;
	s8 =	simm.s32 @!p0 $0x1BF5;
	p2 =	por !p2, p0  }
0x20: {  	[sflag:s8] =	ssyncset.s32 @!p0 $0xFFFFF086;
	s6 =	sadd.s32 @!p0 s3, s7;
	s7 =	simm.s32 @!p0 $0x108  }
0x21: {  	s3 =	sadd.s32 s3, s9;
	s6 =	sadd.s32 @!p0 $0x88, s6;
	s7 =	simm.s32 @p2 $0x1082  }
0x22: {  	[simem:s7], [sflag:s8] =	dma.local @!p0 [hbm:s6], $0xF7A  }
0x23: {  	s9 =	sor.u32 $0xD0000000, s2;
	s6 =	simm.s32 $0x108;
	_ =	swait.ge @!p0 [sflag:s8], $0x0  }
0x24: {  	s3 =	sadd.s32 $0x88, s3;
	s6 =	simm.s32 @!p1 $0x1082;
	[sflag:s4] =	ssyncset.s32 $0xFFFFF086  }
0x25: {  	[simem:s6], [sflag:s4] =	dma.local [hbm:s3], $0xF7A  }
0x26: {  	[smem:$0x3F99] =	sst s1;
	(tag) =	ssettag s2;
	_ =	strace s9  }
0x27: {  	s1 =	sld [smem:$0x3FA9]  }
0x28: {  	s2 =	sld [smem:$0x3FAA]  }
0x29: {  	s4 =	sld [smem:$0x3FAC]  }
0x2a: {  	p0 =	seq.s32 s5, $0x0;
	s5 =	sld [smem:$0x3FAD]  }
0x2b: {  	s6 =	sld [smem:$0x3FAE]  }
0x2c: {  	s7 =	sld [smem:$0x3FAF]  }
0x2d: {  	s3 =	simm.s32 $0x108;
	s8 =	sld [smem:$0x3FB0]  }
0x2e: {  	s3 =	simm.s32 @!p0 $0x1082;
	s9 =	sld [smem:$0x3FB1]  }
0x2f: {  	lr =	sadd.s32 s0, s3;
	s0 =	sld [smem:$0x3FA8]  }
0x30: {  	s3 =	sld [smem:$0x3FAB]  }
0x31: {  	[smem:$0x3FB4] =	sst s10  }
0x32: {  	s10 =	sld [smem:$0x3FB2];
	_ =	sdelay $0x3  }
0x33: {  	p0 =	seq.s32 s10, $0x1;
	s10 =	sld [smem:$0x3FB4];
	_ =	sdelay $0x3  }
0x34: {  	[smem:$0x3FB4] =	sst s10  }
0x35: {  	s10 =	sld [smem:$0x3FB3];
	_ =	sdelay $0x3  }
0x36: {  	p1 =	seq.s32 s10, $0x1;
	s10 =	sld [smem:$0x3FB4];
	_ =	sdelay $0x3  }
0x37: {  	[smem:$0x3FB4] =	sst s10  }
0x38: {  	s10 =	sld [smem:$0x3FB5]  }
0x39: {  	_ = 	snop;
	(pc) =	sbr.ind lr, $3  }
0x3a: {  	_ = 	snop  }
0x3b: {  	_ = 	snop  }
0x3c: {  	p2 =	seq.s32 s10, $0x1;
	s10 =	sld [smem:$0x3FB4]  }
0x3d: {  	_ =	shalt  }
0x3e: {  	_ =	shalt  }
0x3f: {  	_ =	shalt  }
0x40: {  	_ =	shalt  }
0x41: {  	_ =	shalt  }
0x42: {  	_ =	shalt  }
0x43: {  	_ =	shalt  }
0x44: {  	_ =	shalt  }
0x45: {  	_ =	shalt  }
0x46: {  	_ =	shalt  }
0x47: {  	_ =	shalt  }
0x48: {  	_ =	shalt  }
0x49: {  	_ =	shalt  }
0x4a: {  	_ =	shalt  }
0x4b: {  	_ =	shalt  }
0x4c: {  	_ =	shalt  }
0x4d: {  	_ =	shalt  }
0x4e: {  	_ =	shalt  }
0x4f: {  	_ =	shalt  }
0x50: {  	_ =	shalt  }
0x51: {  	_ =	shalt  }
0x52: {  	_ =	shalt  }
0x53: {  	_ =	shalt  }
0x54: {  	_ =	shalt  }
0x55: {  	_ =	shalt  }
0x56: {  	_ =	shalt  }
0x57: {  	_ =	shalt  }
0x58: {  	_ =	shalt  }
0x59: {  	_ =	shalt  }
0x5a: {  	_ =	shalt  }
0x5b: {  	_ =	shalt  }
0x5c: {  	_ =	shalt  }
0x5d: {  	_ =	shalt  }
0x5e: {  	_ =	shalt  }
0x5f: {  	_ =	shalt  }
0x60: {  	_ =	shalt  }
0x61: {  	_ =	shalt  }
0x62: {  	_ =	shalt  }
0x63: {  	_ =	shalt  }
0x64: {  	_ =	shalt  }
0x65: {  	_ =	shalt  }
0x66: {  	_ =	shalt  }
0x67: {  	_ =	shalt  }
0x68: {  	_ =	shalt  }
0x69: {  	_ =	shalt  }
0x6a: {  	_ =	shalt  }
0x6b: {  	_ =	shalt  }
0x6c: {  	_ =	shalt  }
0x6d: {  	_ =	shalt  }
0x6e: {  	_ =	shalt  }
0x6f: {  	_ =	shalt  }
0x70: {  	_ =	shalt  }
0x71: {  	_ =	shalt  }
0x72: {  	_ =	shalt  }
0x73: {  	_ =	shalt  }
0x74: {  	_ =	shalt  }
0x75: {  	_ =	shalt  }
0x76: {  	_ =	shalt  }
0x77: {  	_ =	shalt  }
0x78: {  	_ =	shalt  }
0x79: {  	_ =	shalt  }
0x7a: {  	_ =	shalt  }
0x7b: {  	_ =	shalt  }
0x7c: {  	_ =	shalt  }
0x7d: {  	_ =	shalt  }
0x7e: {  	_ =	shalt  }
0x7f: {  	_ =	shalt  }
0x80: {  	_ =	shalt  }
0x81: {  	_ =	shalt  }
0x82: {  	_ =	shalt  }
0x83: {  	_ =	shalt  }
0x84: {  	_ =	shalt  }
0x85: {  	_ =	shalt  }
0x86: {  	_ =	shalt  }
0x87: {  	_ =	shalt  }
.Lfunc_end0:
.L_simem_size_0:
called_computation.3_lowered:
.L_overlay_start_0:
0x88: {  	s2 =	sld [smem:$0x3FD9]  }
0x89: {  	s3 =	sld [smem:$0x3FFE];
	_ =	sdelay $0x1  }
0x8a: {  	s1 =	srdreg.scid  }
0x8b: {  	s0 =	sand.u32 $0x1, s1  }
0x8c: {  	s17 =	sshll.u32 s0, $0xA;
	s2 =	sadd.s32 s3, s2  }
0x8d: {  	s2 =	sadd.s32 s2, s17  }
0x8e: {  	[smem:$0x3FC0] =	sst s2  }
0x8f: {  	_ = 	snop  }
0x90: {  	s2 =	sld [smem:$0x3FD0];
	(tm) =	ssettm $0x1  }
0x91: {  	s18 =	sld [smem:$0x3FFB];
	_ =	sdelay $0x3  }
0x92: {  	_ =	strace s18  }
0x93: {  	s3 =	sld [smem:$0x3FFC];
	_ =	sdelay $0x3  }
0x94: {  	_ =	strace s3  }
0x95: {  	s3 =	sld [smem:$0x3FFD];
	_ =	sdelay $0x3  }
0x96: {  	_ =	strace s3  }
0x97: {  	_ =	strace $0x8FFFFFFF  }
0x98: {  	s19 =	sld [smem:$0x3FDB];
	_ =	sdelay $0x1  }
0x99: {  	s4 =	simm.s32 $_scs_section_size  }
0x9a: {  	s5 =	simm.s32 $_size__tile_overlayer_lowered;
	s6 =	simm.s32 $_tile_overlayer_lowered  }
0x9b: {  	s22 =	simm.s32 $0x1BFF;
	s21 =	sshll.u32 s6, $0x1;
	s3 =	sadd.s32 s4, s19  }
0x9c: {  	s7 =	simm.s32 $0x0;
	s20 =	sshll.u32 s5, $0x1;
	s5 =	sadd.s32 s21, s3  }
0x9d: {  	[timem:s7], [sflag:s22] =	dma.local [hbm:s5], s20  }
0x9e: {  	_ =	swait.ge [sflag:s22], s20  }
0x9f: {  	s4 =	ssub.s32 $0x0, s20;
	[sflag:s22] =	ssyncset.done $0x0  }
0xa0: {  	[sflag:s22] =	ssyncadd.s32 s4;
	_ =	sdelay $0x1  }
0xa1: {  	s23 =	simm.s32 $0x1B8B  }
0xa2: {  	_ =	swait.ge [sflag:s23], $0x1  }
0xa3: {  	[sflag:s23] =	ssyncset.done $0x0  }
0xa4: {  	s25 =	simm.s32 $0x1B8E;
	s24 =	sld [smem:$0x3FFE];
	[sflag:s23] =	ssyncadd.s32 $0xFFFFFFFF  }
0xa5: {  	s26 =	simm.s32 $execute0_lowered;
	[smem:$0x3FD2] =	sst s25  }
0xa6: {  	s5 =	sshll.u32 s26, $0x1;
	_ =	strace $0x8000004F;
	[dreg:$0x1] =	wrdreg $0xFFFFFFFF  }
0xa7: {  	s28 =	simm.s32 $_size_execute0_lowered;
	s3 =	sadd.s32 s3, s5;
	[dreg:$0x0] =	wrdreg $0x0  }
0xa8: {  	s5 =	sshll.u32 s28, $0x1;
	[dreg:$0x2] =	wrdreg s3  }
0xa9: {  	[dreg:$0x3] =	wrdreg s5  }
0xaa: {  	[dreg:$0x4] =	wrdreg $0xC0  }
0xab: {  	_ =	task [dreg:s7], $0x5FFFF  }
0xac: {  	[dreg:$0x1] =	wrdreg $0xFFFFFFFF  }
0xad: {  	[dreg:$0x0] =	wrdreg $0x60  }
0xae: {  	[dreg:$0x2] =	wrdreg s24  }
0xaf: {  	[dreg:$0x3] =	wrdreg s2  }
0xb0: {  	[dreg:$0x4] =	wrdreg $0xAA000  }
0xb1: {  	[dreg:$0x5] =	wrdreg $0x9  }
0xb2: {  	_ =	task.clear_ibuf [dreg:s7], $0x6FFFF;
	_ =	strace $0x9000004F  }
0xb3: {  	s29 =	simm.s32 $0x9;
	_ =	strace $0x80000051  }
0xb4: {  	_ =	swait.ge [sflag:s29], $0x1  }
0xb5: {  	[sflag:s29] =	ssyncadd.s32 $0xFFFFFFFF  }
0xb6: {  	_ =	strace $0x90000051  }
0xb7: {  	_ =	sfence  }
0xb8: {  	s30 =	sld [smem:$0x0];
	_ =	sdelay $0x2  }
0xb9: {  	s31 =	sshll.u32 s1, $0xD;
	s1 =	sshrl.u32 s1, $0x2  }
0xba: {  	s3 =	sand.u32 $0x4000, s31;
	s1 =	sadd.s32 s1, s30  }
0xbb: {  	s0 =	sor.u32 s3, s0;
	s1 =	sshll.u32 s1, $0x11  }
0xbc: {  	s0 =	sor.u32 s1, s0  }
0xbd: {  	s0 =	sadd.s32 $0x8F2B, s0  }
0xbe: {  	[sflag:s0] =	ssyncadd.remote.s32 $0x1  }
0xbf: {  	_ =	sfence.sel $0xFFFF  }
0xc0: {  	[dreg:$0x0] =	wrdreg $0xFFFFFFFF;
	(pc) =	sbr.abs _section_cstart, $3  }
0xc1: {  	[dreg:$0x1] =	wrdreg $0xFFFFFFFF  }
0xc2: {  	_ =	task.clear_ibuf [dreg:s7], $0x2FFFF;
	_ =	strace $0x9FFFFFFF  }
0xc3: {  	(tm) =	ssettm $0x7FFFFFFF  }
tec
execute0_lowered:
.L_overlay_start_1:
0x0: {  	(tag) =	ssettag $0x1  }
0x1: {  	s0 =	rddreg [dreg:$0x0];
	s1 =	srdreg.scid  }
0x2: {  	s14 =	stileid.u32;
	s5 =	rddreg [dreg:$0x1]  }
0x3: {  	s2 =	rddreg [dreg:$0x2];
	s28 =	simm.s32 $0x6A00;
	s8 =	smul.u32 $0x14000, s14  }
0x4: {  	s29 =	simm.s32 $0x2980;
	s31 =	simm.s32 $0x8A00;
	s11 =	smul.u32 $0x50000, s14  }
0x5: {  	s30 =	simm.s32 $0x2;
	s1 =	sand.u32 $0x1, s1;
	s13 =	smul.u32 $0x2800, s14  }
0x6: {  	s3 =	sshll.u32 s14, $0x1;
	s10 =	sadd.s32 $0xD600, s0;
	s16 =	smul.u32 $0x5000, s14  }
0x7: {  	s4 =	sor.u32 s1, s3;
	s3 =	simm.s32 $0x0;
	s6 =	smul.u32 $0x140000, s1  }
0x8: {  	s26 =	ssub.s32 $0x2, s1;
	p0 =	seq.s32 s1, $0x1;
	s1 =	smul.u32 $0x2800, s1  }
0x9: {  	s4 =	smul.u32 $0x2800, s4;
	[smem:$0x7FF] =	sst s3;
	s12 =	sshrl.u32 s26, $0x1  }
0xa: {  	s11 =	sshrl.u32 s11, $0x2;
	_ =	strace $0x80000050;
	s6 =	sadd.s32 s8, s6  }
0xb: {  	s15 =	ssub.s32 s26, s12;
	s11 =	sadd.s32 s11, s2;
	s1 =	sadd.s32 s1, s16  }
0xc: {  	s26 =	sshll.u32 s14, $0x6;
	s16 =	simm.s32 $0xD;
	s8 =	simm.s32 $0x3  }
0xd: {  	s7 =	sshrl.u32 s4, $0x3;
	s4 =	sadd.s32 $0x17600, s0;
	s6 =	sshrl.u32 s6, $0x3  }
0xe: {  	s19 =	sor.u32 $0x100, s1;
	s20 =	smax.u32 s15, $0x1;
	s22 =	sor.u32 $0x140, s1  }
0xf: {  	s23 =	sor.u32 $0x180, s1;
	s1 =	sor.u32 $0x1C0, s1;
	s14 =	sor.u32 $0x1C0D, s26  }
0x10: {  	s15 =	sshrl.u32 s11, $0x3;
	s26 =	simm.s32 $0x6;
	s11 =	simm.s32 $0x9  }
0x11: {  	s9 =	sadd.s32 s7, s0;
	s0 =	sadd.s32 s6, s0;
	[dreg:$0xb] =	wrdreg s20  }
0x12: {  	s12 =	sadd.s32 s4, s13;
	s7 =	sadd.s32 s10, s7;
	[dreg:$0x10] =	wrdreg s14  }
0x13: {  	s21 =	sshrl.u32 s19, $0x3;
	s6 =	sshrl.u32 s23, $0x3;
	[dreg:$0x11] =	wrdreg s15  }
0x14: {  	s25 =	sshrl.u32 s1, $0x3;
	s9 =	sadd.s32 $0x3600, s9;
	[dreg:$0x5] =	wrdreg s7  }
0x15: {  	s20 =	simm.s32 $0x2800;
	s17 =	sadd.s32 $0x8, s7;
	[dreg:$0x6] =	wrdreg s9  }
0x16: {  	s23 =	simm.s32 $0x2880;
	s18 =	sadd.s32 $0x10, s7;
	[dreg:$0x7] =	wrdreg s17  }
0x17: {  	s1 =	simm.s32 $0x5;
	s7 =	sadd.s32 $0x18, s7;
	[dreg:$0x8] =	wrdreg s18  }
0x18: {  	s13 =	simm.s32 $0xC;
	s0 =	sadd.s32 $0x3F600, s0;
	[dreg:$0x9] =	wrdreg s7  }
0x19: {  	s24 =	sadd.s32 s6, s10;
	s12 =	smov.u32 @p0 s5;
	[dreg:$0xa] =	wrdreg s0  }
0x1a: {  	s5 =	simm.s32 $0xB;
	s0 =	sadd.s32 s21, s10;
	[dreg:$0xe] =	wrdreg s24  }
0x1b: {  	[dreg:$0x4] =	wrdreg s12;
	s21 =	simm.s32 $0x40;
	s24 =	simm.s32 $0x4A00  }
.Ltmp0:
0x1c: {  	s7 =	simm.s32 $0x7;
	s9 =	simm.s32 $0x8;
	(pc) =	sbr.rel .LBB2_1-.Ltmp0, $4  }
0x1d: {  	s12 =	simm.s32 $0xA;
	[dreg:$0xc] =	wrdreg s0;
	s0 =	sshrl.u32 s22, $0x3  }
0x1e: {  	s17 =	simm.s32 $0x0;
	s22 =	simm.s32 $0x2A00;
	s0 =	sadd.s32 s0, s10  }
0x1f: {  	[dreg:$0xd] =	wrdreg s0;
	s0 =	sadd.s32 s25, s10;
	s25 =	simm.s32 $0x2900  }
0x20: {  	s10 =	simm.s32 $0x4;
	[dreg:$0xf] =	wrdreg s0;
	s0 =	simm.s32 $0x1  }
.LBB2_4:
0x21: {  	_ =	swait.ge [sflag:s12], $0x2000  }
0x22: {  	[sflag:s12] =	ssyncset.done $0x0  }
0x23: {  	[sflag:s12] =	ssyncadd.s32 $0xFFFFE000  }
0x24: {  	_ =	swait.ge [sflag:s5], $0x2000  }
0x25: {  	[sflag:s5] =	ssyncset.done $0x0  }
0x26: {  	[sflag:s5] =	ssyncadd.s32 $0xFFFFE000  }
0x27: {  	_ =	swait.ge [sflag:s13], $0x2000  }
0x28: {  	[sflag:s13] =	ssyncset.done $0x0  }
0x29: {  	[sflag:s13] =	ssyncadd.s32 $0xFFFFE000  }
0x2a: {  	[bflag:$0x0] =	sbarrier.arrive $0xFFFF  }
0x2b: {  	s6 =	rddreg [dreg:$0xa]  }
0x2c: {  	s14 =	rddreg [dreg:$0x10]  }
0x2d: {  	s16 =	simm.s32 $0xD;
	s15 =	rddreg [dreg:$0x11]  }
0x2e: {  	[hbm:s6], [sflag:s14] =	dma.local [spmem:s15], $0x2800  }
0x2f: {  	_ =	swait.ge [sflag:s16], $0x2800  }
0x30: {  	s17 =	rddreg [dreg:$0x12]  }
0x31: {  	s19 =	rddreg [dreg:$0xb];
	s17 =	sadd.s32 $0x1, s17  }
0x32: {  	p0 =	sne.s32 s17, s19  }
.Ltmp1:
0x33: {  	_ = 	snop;
	(pc) =	sbr.rel @!p0 .LBB2_5-.Ltmp1, $3  }
0x34: {  	_ =	sdelay $0x1  }
0x35: {  	[sflag:s16] =	ssyncset.done $0x0  }
0x36: {  	[sflag:s16] =	ssyncadd.s32 $0xFFFFD800  }
.LBB2_1:
0x37: {  	[dreg:$0x12] =	wrdreg s17  }
0x38: {  	s6 =	rddreg [dreg:$0x4]  }
0x39: {  	[spmem:s15], [sflag:s14] =	dma.local [hbm:s6], $0x2800  }
0x3a: {  	_ =	swait.ge [sflag:s16], $0x2800  }
0x3b: {  	[sflag:s16] =	ssyncset.done $0x0  }
0x3c: {  	s19 =	rddreg [dreg:$0x6];
	[sflag:s16] =	ssyncadd.s32 $0xFFFFD800  }
0x3d: {  	[tilespmem:s3], [sflag:$0xD] =	stream.linear.gather [hbm4b:s19+s3], $0x2800, $0x38;
	[tilespmem:$0x1EA00] =	vst v63  }
0x3e: {  	_ =	swait.ge [sflag:s16], $0x2800  }
0x3f: {  	[sflag:s16] =	ssyncset.done $0x0  }
0x40: {  	[sflag:s16] =	ssyncadd.s32 $0xFFFFD800  }
0x41: {  	[bflag:$0x0] =	sbarrier.arrive $0xFFFF  }
0x42: {  	s14 =	rddreg [dreg:$0x5]  }
0x43: {  	[tilespmem:s20], [sflag:$0x1] =	stream.linear.gather [hbm4b:s14+s3], $0x40, $0x38;
	[tilespmem:$0x1EA00] =	vst v63  }
0x44: {  	s15 =	rddreg [dreg:$0x7]  }
0x45: {  	[tilespmem:s22], [sflag:$0x5] =	stream.indirect.gather [hbm4b:s4+s21], $0x80, s3, s21, $0xb8;
	[tilespmem:$0x1EA00] =	vst v63  }
0x46: {  	s16 =	rddreg [dreg:$0x8]  }
0x47: {  	[tilespmem:s23], [sflag:$0x2] =	stream.linear.gather [hbm4b:s15+s3], $0x40, $0x38;
	[tilespmem:$0x1EA00] =	vst v63  }
0x48: {  	s18 =	rddreg [dreg:$0x9]  }
0x49: {  	[tilespmem:s24], [sflag:$0x6] =	stream.indirect.gather [hbm4b:s4+s21], $0x80, s21, s21, $0xb8;
	[tilespmem:$0x1EA00] =	vst v63  }
0x4a: {  	s14 =	rddreg [dreg:$0xd]  }
0x4b: {  	[tilespmem:s25], [sflag:$0x3] =	stream.linear.gather [hbm4b:s16+s3], $0x40, $0x38;
	[tilespmem:$0x1EA00] =	vst v63  }
0x4c: {  	s17 =	simm.s32 $0x80;
	s15 =	rddreg [dreg:$0xe]  }
0x4d: {  	[tilespmem:s28], [sflag:$0x7] =	stream.indirect.gather [hbm4b:s4+s21], $0x80, s17, s21, $0xb8;
	[tilespmem:$0x1EA00] =	vst v63  }
0x4e: {  	s16 =	rddreg [dreg:$0xf]  }
0x4f: {  	[tilespmem:s29], [sflag:$0x4] =	stream.linear.gather [hbm4b:s18+s3], $0x40, $0x38;
	[tilespmem:$0x1EA00] =	vst v63  }
0x50: {  	s19 =	simm.s32 $0xC0;
	s17 =	rddreg [dreg:$0xc];
	s18 =	simm.s32 $0x0  }
0x51: {  	[tilespmem:s31], [sflag:$0x8] =	stream.indirect.gather [hbm4b:s4+s21], $0x80, s19, s21, $0xb8;
	[tilespmem:$0x1EA00] =	vst v63  }
.LBB2_2:
0x52: {  	_ =	swait.ge [sflag:s1], $0x2000  }
0x53: {  	[sflag:s1] =	ssyncset.done $0x0  }
0x54: {  	[sflag:s1] =	ssyncadd.s32 $0xFFFFE000  }
0x55: {  	_ =	swait.ge [sflag:s0], $0x40  }
0x56: {  	[sflag:s0] =	ssyncset.done $0x0  }
0x57: {  	[sflag:s0] =	ssyncadd.s32 $0xFFFFFFC0  }
0x58: {  	[spmem:s2] =	stream.indirect.scatter.add.f32 [tilespmem:s22], [sflag:$0x9], $0x80, s20, s21, $0xb8;
	[tilespmem:$0x1EA00] =	vst v63  }
0x59: {  	_ =	swait.ge [sflag:s26], $0x2000  }
0x5a: {  	[sflag:s26] =	ssyncset.done $0x0  }
0x5b: {  	[sflag:s26] =	ssyncadd.s32 $0xFFFFE000  }
0x5c: {  	_ =	swait.ge [sflag:s30], $0x40  }
0x5d: {  	[sflag:s30] =	ssyncset.done $0x0  }
0x5e: {  	[sflag:s30] =	ssyncadd.s32 $0xFFFFFFC0  }
0x5f: {  	[spmem:s2] =	stream.indirect.scatter.add.f32 [tilespmem:s24], [sflag:$0xA], $0x80, s23, s21, $0xb8;
	[tilespmem:$0x1EA00] =	vst v63  }
0x60: {  	_ =	swait.ge [sflag:s7], $0x2000  }
0x61: {  	[sflag:s7] =	ssyncset.done $0x0  }
0x62: {  	[sflag:s7] =	ssyncadd.s32 $0xFFFFE000  }
0x63: {  	_ =	swait.ge [sflag:s8], $0x40  }
0x64: {  	[sflag:s8] =	ssyncset.done $0x0  }
0x65: {  	[sflag:s8] =	ssyncadd.s32 $0xFFFFFFC0  }
0x66: {  	[spmem:s2] =	stream.indirect.scatter.add.f32 [tilespmem:s28], [sflag:$0xB], $0x80, s25, s21, $0xb8;
	[tilespmem:$0x1EA00] =	vst v63  }
0x67: {  	_ =	swait.ge [sflag:s9], $0x2000  }
0x68: {  	[sflag:s9] =	ssyncset.done $0x0  }
0x69: {  	[sflag:s9] =	ssyncadd.s32 $0xFFFFE000  }
0x6a: {  	_ =	swait.ge [sflag:s10], $0x40  }
0x6b: {  	p0 =	seq.s32 s18, $0x9C00;
	[sflag:s10] =	ssyncset.done $0x0  }
.Ltmp2:
0x6c: {  	[sflag:s10] =	ssyncadd.s32 $0xFFFFFFC0;
	(pc) =	sbr.rel @p0 .LBB2_4-.Ltmp2, $4  }
0x6d: {  	[spmem:s2] =	stream.indirect.scatter.add.f32 [tilespmem:s31], [sflag:$0xC], $0x80, s29, s21, $0xb8;
	[tilespmem:$0x1EA00] =	vst v63  }
0x6e: {  	_ =	swait.ge [sflag:s11], $0x2000  }
0x6f: {  	[sflag:s11] =	ssyncset.done $0x0  }
0x70: {  	[sflag:s11] =	ssyncadd.s32 $0xFFFFE000  }
0x71: {  	[tilespmem:s20], [sflag:$0x1] =	stream.linear.gather [hbm4b:s17+s3], $0x40, $0x38;
	[tilespmem:$0x1EA00] =	vst v63  }
0x72: {  	s19 =	sshra.s32 s18, $0x2  }
0x73: {  	s6 =	sadd.s32 $0x100, s19  }
0x74: {  	[tilespmem:s22], [sflag:$0x5] =	stream.indirect.gather [hbm4b:s4+s21], $0x80, s6, s21, $0xb8;
	[tilespmem:$0x1EA00] =	vst v63  }
0x75: {  	_ =	swait.ge [sflag:s12], $0x2000  }
0x76: {  	[sflag:s12] =	ssyncset.done $0x0  }
0x77: {  	[sflag:s12] =	ssyncadd.s32 $0xFFFFE000  }
0x78: {  	[tilespmem:s23], [sflag:$0x2] =	stream.linear.gather [hbm4b:s14+s3], $0x40, $0x38;
	[tilespmem:$0x1EA00] =	vst v63  }
0x79: {  	s6 =	sadd.s32 $0x140, s19  }
0x7a: {  	[tilespmem:s24], [sflag:$0x6] =	stream.indirect.gather [hbm4b:s4+s21], $0x80, s6, s21, $0xb8;
	[tilespmem:$0x1EA00] =	vst v63  }
0x7b: {  	_ =	swait.ge [sflag:s5], $0x2000  }
0x7c: {  	[sflag:s5] =	ssyncset.done $0x0  }
0x7d: {  	[sflag:s5] =	ssyncadd.s32 $0xFFFFE000  }
0x7e: {  	[tilespmem:s25], [sflag:$0x3] =	stream.linear.gather [hbm4b:s15+s3], $0x40, $0x38;
	[tilespmem:$0x1EA00] =	vst v63  }
0x7f: {  	s6 =	sadd.s32 $0x180, s19  }
0x80: {  	[tilespmem:s28], [sflag:$0x7] =	stream.indirect.gather [hbm4b:s4+s21], $0x80, s6, s21, $0xb8;
	[tilespmem:$0x1EA00] =	vst v63  }
0x81: {  	_ =	swait.ge [sflag:s13], $0x2000  }
.Ltmp3:
0x82: {  	s18 =	sadd.s32 $0x400, s18;
	[sflag:s13] =	ssyncset.done $0x0;
	(pc) =	sbr.rel .LBB2_2-.Ltmp3, $4  }
0x83: {  	s17 =	sadd.s32 $0x20, s17;
	s14 =	sadd.s32 $0x20, s14;
	[sflag:s13] =	ssyncadd.s32 $0xFFFFE000  }
0x84: {  	[tilespmem:s29], [sflag:$0x4] =	stream.linear.gather [hbm4b:s16+s3], $0x40, $0x38;
	[tilespmem:$0x1EA00] =	vst v63  }
0x85: {  	s19 =	sadd.s32 $0x1C0, s19;
	s15 =	sadd.s32 $0x20, s15;
	s16 =	sadd.s32 $0x20, s16  }
0x86: {  	[tilespmem:s31], [sflag:$0x8] =	stream.indirect.gather [hbm4b:s4+s21], $0x80, s19, s21, $0xb8;
	[tilespmem:$0x1EA00] =	vst v63  }
.LBB2_5:
0x87: {  	_ =	sfence.sel $0x180000  }
0x88: {  	[bflag:$0x0] =	sbarrier.arrive $0xFFFF  }
0x89: {  	_ =	strace $0x90000050  }
0x8a: {  	s0 =	stileid.u32;
	[bflag:$0x2] =	sbarrier.arrive $0xFFFF  }
0x8b: {  	p0 =	sne.s32 s0, $0x0;
	s0 =	rddreg [dreg:$0x3]  }
0x8c: {  	s0 =	sadd.s32 @!p0 $0x100000, s0  }
0x8d: {  	[sflag:s0] =	ssyncadd.tile.s32 @!p0 $0x1;
	_ =	shalt  }
.Lfunc_end2:
_tile_overlayer_lowered:
.L_overlay_start_2:
0x8e: {  	(tag) =	ssettag $0x2  }
0x8f: {  	s0 =	rddreg [dreg:$0x0];
	s2 =	stileid.u32  }
0x90: {  	s1 =	rddreg [dreg:$0x1];
	p0 =	sne.s32 s2, $0x0  }
0x91: {  	s3 =	rddreg [dreg:$0x2];
	[bflag:$0x3] =	sbarrier.arrive $0xFFFF;
	s2 =	simm.s32 @!p0 $0x1C0D  }
0x92: {  	[timem:s3], [sflag:s2] =	dma.local @!p0 [hbm:s0], s1  }
0x93: {  	s0 =	simm.s32 @!p0 $0xD  }
0x94: {  	_ =	swait.ge @!p0 [sflag:s0], s1  }
0x95: {  	s1 =	ssub.s32 @!p0 $0x0, s1;
	[sflag:s0] =	ssyncset.done @!p0 $0x0  }
0x96: {  	[sflag:s0] =	ssyncadd.s32 @!p0 s1  }
0x97: {  	[bflag:$0x3] =	sbarrier.arrive $0xFFFF  }
0x98: {  	_ =	shalt  }

</sc_bundles>
